<compile_context>
chip_gen: v7x
topology: tpu7x:2x2x1
jax: 0.10.2.dev20260603
libtpu: 0.0.44.dev20260713+nightly
codegen_flags: <defaults>
</compile_context>

<pallas_src>
import functools

import jax
import jax.numpy as jnp
from jax import lax
from jax.experimental import pallas as pl
from jax.experimental.pallas import tpu as pltpu
from jax.experimental.pallas import tpu_sc as plsc

N = 10000
E = 320000
D = 128
D_OUT = 40

NC = 2
NS = 16
NW = NC * NS
EPW = E // NW
CHUNK = 125
NCHUNK = EPW // CHUNK
NBUF = 2
NPAD = 10240
ROWS_PER_TILE = NPAD // NS

_mesh = plsc.VectorSubcoreMesh(
    core_axis_name="c", subcore_axis_name="s", num_cores=NC, num_subcores=NS)


@functools.partial(
    pl.kernel,
    out_type=jax.ShapeDtypeStruct((NC, NPAD, D), jnp.float32),
    mesh=_mesh,
    scratch_types=[
        pltpu.VMEM((NCHUNK, CHUNK), jnp.int32),
        pltpu.VMEM((CHUNK, D), jnp.float32),
        pltpu.VMEM_SHARED((NPAD, D), jnp.float32),
        pltpu.SemaphoreType.DMA,
    ],
)
def _sc_degree(dst_hbm, ones_hbm, z_hbm, out_hbm, dstv, onesv, acc_sh, ssem):
    cid = lax.axis_index("c")
    sid = lax.axis_index("s")
    wid = cid * NS + sid
    pltpu.sync_copy(dst_hbm.at[wid], dstv)
    pltpu.sync_copy(ones_hbm, onesv)
    base = sid * ROWS_PER_TILE
    pltpu.sync_copy(z_hbm.at[pl.ds(base, ROWS_PER_TILE)],
                    acc_sh.at[pl.ds(base, ROWS_PER_TILE)])
    plsc.subcore_barrier()

    def body(c, _):
        pltpu.async_copy(onesv, acc_sh.at[dstv.at[c]], ssem, add=True)
        return _

    lax.fori_loop(0, NCHUNK, body, None)

    def drain(c, _):
        pltpu.make_async_copy(onesv, acc_sh.at[dstv.at[c]], ssem).wait()
        return _

    lax.fori_loop(0, NCHUNK, drain, None)
    plsc.subcore_barrier()
    pltpu.sync_copy(acc_sh.at[pl.ds(base, ROWS_PER_TILE)],
                    out_hbm.at[cid, pl.ds(base, ROWS_PER_TILE)])


@functools.partial(
    pl.kernel,
    out_type=jax.ShapeDtypeStruct((NC, NPAD, D), jnp.float32),
    mesh=_mesh,
    scratch_types=[
        pltpu.VMEM((NCHUNK // 2, CHUNK), jnp.int32),
        pltpu.VMEM((NCHUNK // 2, CHUNK), jnp.int32),
        pltpu.VMEM((NBUF, CHUNK, D), jnp.float32),
        pltpu.VMEM_SHARED((NPAD, D), jnp.float32),
        pltpu.SemaphoreType.DMA,
        pltpu.SemaphoreType.DMA,
    ],
)
def _sc_aggregate(s_hbm, src_hbm, dst_hbm, z_hbm, out_hbm,
                  srcv, dstv, rows, acc_sh, gsem0, gsem1):
    cid = lax.axis_index("c")
    sid = lax.axis_index("s")
    wid = cid * NS + sid
    base = sid * ROWS_PER_TILE
    pltpu.sync_copy(z_hbm.at[pl.ds(base, ROWS_PER_TILE)],
                    acc_sh.at[pl.ds(base, ROWS_PER_TILE)])
    plsc.subcore_barrier()

    sems = (gsem0, gsem1)
    half = NCHUNK // 2

    def body(g, _):
        for b in range(NBUF):
            c = g * NBUF + b
            pltpu.make_async_copy(s_hbm.at[srcv.at[c]], rows.at[b],
                                  sems[b]).wait()
            pltpu.sync_copy(rows.at[b], acc_sh.at[dstv.at[c]], add=True)
            pltpu.async_copy(s_hbm.at[srcv.at[c + NBUF]], rows.at[b],
                             sems[b])
        return _

    for h in range(2):
        pltpu.sync_copy(src_hbm.at[wid, h], srcv)
        pltpu.sync_copy(dst_hbm.at[wid, h], dstv)
        for b in range(NBUF):
            pltpu.async_copy(s_hbm.at[srcv.at[b]], rows.at[b], sems[b])
        lax.fori_loop(0, half // NBUF - 1, body, None)
        for b in range(NBUF):
            c = half - NBUF + b
            pltpu.make_async_copy(s_hbm.at[srcv.at[c]], rows.at[b],
                                  sems[b]).wait()
            pltpu.sync_copy(rows.at[b], acc_sh.at[dstv.at[c]], add=True)
    plsc.subcore_barrier()
    pltpu.sync_copy(acc_sh.at[pl.ds(base, ROWS_PER_TILE)],
                    out_hbm.at[cid, pl.ds(base, ROWS_PER_TILE)])


_RB = 1024


def _dinv_of(deg_ref):
    deg = deg_ref[0, :, 0:1] + deg_ref[1, :, 0:1] + 1.0
    return 1.0 / jnp.sqrt(deg)


def _tc_matmul_body(x_ref, w_ref, o_ref):
    o_ref[...] = jnp.dot(x_ref[...], w_ref[...],
                         preferred_element_type=jnp.float32)


def _tc_scale_body(deg_ref, u_ref, o_ref):
    o_ref[...] = u_ref[...] * _dinv_of(deg_ref)


def _tc_mid_body(deg_ref, acc_ref, s_ref, b_ref, w_ref, o_ref):
    dinv = _dinv_of(deg_ref)
    h = acc_ref[0] + acc_ref[1] + s_ref[...]
    a = jnp.maximum(h * dinv + b_ref[...][None, :], 0.0)
    o_ref[...] = jnp.dot(a, w_ref[...],
                         preferred_element_type=jnp.float32) * dinv


def _tc_last_body(deg_ref, acc_ref, s_ref, b_ref, w_ref, bc_ref, o_ref):
    dinv = _dinv_of(deg_ref)
    h = acc_ref[0] + acc_ref[1] + s_ref[...]
    a = jnp.maximum(h * dinv + b_ref[...][None, :], 0.0)
    o_ref[...] = jnp.dot(a, w_ref[...],
                         preferred_element_type=jnp.float32) + bc_ref[...][None, :]


def _row_spec(d):
    return pl.BlockSpec((_RB, d), lambda i: (i, 0))


_deg_spec = pl.BlockSpec((NC, _RB, D), lambda i: (0, i, 0))
_acc_spec = pl.BlockSpec((NC, _RB, D), lambda i: (0, i, 0))


def _full(shape):
    nd = len(shape)
    return pl.BlockSpec(shape, lambda i: (0,) * nd)


_GRID = (NPAD // _RB,)

_tc_matmul = pl.pallas_call(
    _tc_matmul_body,
    grid=_GRID,
    in_specs=[_row_spec(D), _full((D, D))],
    out_specs=_row_spec(D),
    out_shape=jax.ShapeDtypeStruct((NPAD, D), jnp.float32),
)

_tc_scale = pl.pallas_call(
    _tc_scale_body,
    grid=_GRID,
    in_specs=[_deg_spec, _row_spec(D)],
    out_specs=_row_spec(D),
    out_shape=jax.ShapeDtypeStruct((NPAD, D), jnp.float32),
)

_tc_mid = pl.pallas_call(
    _tc_mid_body,
    grid=_GRID,
    in_specs=[_deg_spec, _acc_spec, _row_spec(D), _full((D,)), _full((D, D))],
    out_specs=_row_spec(D),
    out_shape=jax.ShapeDtypeStruct((NPAD, D), jnp.float32),
)

_tc_last = pl.pallas_call(
    _tc_last_body,
    grid=_GRID,
    in_specs=[_deg_spec, _acc_spec, _row_spec(D), _full((D,)),
              _full((D, D_OUT)), _full((D_OUT,))],
    out_specs=_row_spec(D_OUT),
    out_shape=jax.ShapeDtypeStruct((NPAD, D_OUT), jnp.float32),
)


def kernel(x, edge_index, W1, b1, W2, b2, Wc, bc):
    x = jnp.pad(x, ((0, NPAD - N), (0, 0)))
    ei = edge_index.astype(jnp.int32)
    src4 = ei[0].reshape(NW, 2, NCHUNK // 2, CHUNK)
    dst4 = ei[1].reshape(NW, 2, NCHUNK // 2, CHUNK)
    dst3 = ei[1].reshape(NW, NCHUNK, CHUNK)
    ones128 = jnp.ones((CHUNK, D), jnp.float32)
    z128 = jnp.zeros((NPAD, D), jnp.float32)

    deg16 = _sc_degree(dst3, ones128, z128)
    u1 = _tc_matmul(x, W1)
    s1 = _tc_scale(deg16, u1)
    acc1 = _sc_aggregate(s1, src4, dst4, z128)
    s2 = _tc_mid(deg16, acc1, s1, b1, W2)
    acc2 = _sc_aggregate(s2, src4, dst4, z128)
    return _tc_last(deg16, acc2, s2, b2, Wc, bc)[:N]

# --- scband reference (transcript-rebuilt; emitter-appended) ---
"""Pipeline reference for scband-gcn-40544491274720 (READ-ONLY COPY).

The authoritative reference and input builder live on the scoring server;
editing this copy changes nothing except your own understanding.
"""

import jax, jax.numpy as jnp
import numpy as np

N_NODES = 10000
N_EDGES = 320000
D_IN = 128
D_HID = 128
D_OUT = 40


def setup_inputs(seed: int = 0) -> dict:
    key = jax.random.key(seed)
    ks = jax.random.split(key, 8)
    x = jax.random.normal(ks[0], (N_NODES, D_IN), dtype=jnp.float32)
    edge_index = jax.random.randint(ks[1], (2, N_EDGES), 0, N_NODES, dtype=jnp.int64)
    W1 = jax.random.normal(ks[2], (D_IN, D_HID), dtype=jnp.float32) * (1.0 / np.sqrt(D_IN))
    b1 = jnp.zeros((D_HID,), dtype=jnp.float32)
    W2 = jax.random.normal(ks[3], (D_HID, D_HID), dtype=jnp.float32) * (1.0 / np.sqrt(D_HID))
    b2 = jnp.zeros((D_HID,), dtype=jnp.float32)
    Wc = jax.random.normal(ks[4], (D_HID, D_OUT), dtype=jnp.float32) * (1.0 / np.sqrt(D_HID))
    bc = jnp.zeros((D_OUT,), dtype=jnp.float32)
    return {"x": x, "edge_index": edge_index, "W1": W1, "b1": b1, "W2": W2, "b2": b2, "Wc": Wc, "bc": bc}


def _gcn_norm(edge_index, n):
    # add self loops, then symmetric normalization (PyG GCNConv default)
    loop = jnp.arange(n, dtype=edge_index.dtype)
    src = jnp.concatenate([edge_index[0], loop])
    dst = jnp.concatenate([edge_index[1], loop])
    deg = jnp.zeros((n,), dtype=jnp.float32).at[dst].add(1.0)
    dinv = jnp.where(deg > 0, 1.0 / jnp.sqrt(deg), 0.0)
    norm = dinv[src] * dinv[dst]
    return src, dst, norm


def _gcn_conv(h, src, dst, norm, W, b, n):
    h = h @ W
    msg = h[src] * norm[:, None]
    out = jnp.zeros((n, h.shape[1]), dtype=h.dtype).at[dst].add(msg)
    return out + b


def reference(x, edge_index, W1, b1, W2, b2, Wc, bc):
    n = x.shape[0]
    src, dst, norm = _gcn_norm(edge_index, n)
    h = _gcn_conv(x, src, dst, norm, W1, b1, n)
    h = jax.nn.relu(h)
    # dropout is identity in eval mode
    h = _gcn_conv(h, src, dst, norm, W2, b2, n)
    h = jax.nn.relu(h)
    out = h @ Wc + bc
    return out

if __name__ == "__main__":
    import jax
    _d = setup_inputs()
    print(jax.jit(kernel)(*tuple(_d.values())))

</pallas_src>

<mosaic_0001>
#map = affine_map<(d0, d1) -> (0, 0)>
#map1 = affine_map<(d0, d1) -> (0, 0, 0, 0)>
#map2 = affine_map<(d0, d1) -> (0, 0, 0)>
module attributes {stable_mosaic.version = 14 : i64} {
  func.func @_sc_aggregate(%arg0: i32, %arg1: i32, %arg2: memref<10240x128xf32, #tpu.memory_space<hbm>>, %arg3: memref<32x2x40x125xi32, #tpu.memory_space<hbm>>, %arg4: memref<32x2x40x125xi32, #tpu.memory_space<hbm>>, %arg5: memref<10240x128xf32, #tpu.memory_space<hbm>>, %arg6: memref<2x10240x128xf32, #tpu.memory_space<hbm>>, %arg7: memref<40x125xi32, #tpu.memory_space<vmem>>, %arg8: memref<40x125xi32, #tpu.memory_space<vmem>>, %arg9: memref<2x125x128xf32, #tpu.memory_space<vmem>>, %arg10: memref<10240x128xf32, #tpu.memory_space<vmem_shared>>, %arg11: memref<!tpu.dma_semaphore, #tpu.memory_space<semaphore_mem>>, %arg12: memref<!tpu.dma_semaphore, #tpu.memory_space<semaphore_mem>>) attributes {dimension_semantics = [#tpu.dimension_semantics<core_parallel>, #tpu.dimension_semantics<subcore_parallel>], iteration_bounds = array<i64: 2, 16>, scalar_prefetch = 0 : i64, scratch_operands = 6 : i64, tpu.core_type = #tpu.core_type<sc_vector_subcore>, window_params = [{transform_indices = #map}, {transform_indices = #map1}, {transform_indices = #map1}, {transform_indices = #map}, {transform_indices = #map2}]} {
    %mul3A = arith.constant 16 : i32
    %mul3A_0 = arith.muli %arg0, %mul3A : i32
    %add3A = arith.addi %mul3A_0, %arg1 : i32
    %mul3A_1 = arith.constant 640 : i32
    %mul3A_2 = arith.muli %arg1, %mul3A_1 : i32
    "tpu.region"() ({
      %run_scoped3A_118 = tpu.sem_alloc : memref<!tpu.dma_semaphore, #tpu.memory_space<semaphore_mem>>
      %dma_start3A_119 = arith.constant 0 : i32
      %dma_start3A_120 = tpu.memref_slice %arg10[%mul3A_2, %dma_start3A_119] : memref<10240x128xf32, #tpu.memory_space<vmem_shared>> -> memref<640x128xf32, #tpu.memory_space<vmem_shared>>
      %dma_start3A_121 = arith.constant 0 : i32
      %dma_start3A_122 = tpu.memref_slice %arg5[%mul3A_2, %dma_start3A_121] : memref<10240x128xf32, #tpu.memory_space<hbm>> -> memref<640x128xf32, #tpu.memory_space<hbm>>
      tpu.enqueue_dma source(%dma_start3A_122 : memref<640x128xf32, #tpu.memory_space<hbm>>) target(%dma_start3A_120 : memref<640x128xf32, #tpu.memory_space<vmem_shared>>) target_semaphore(%run_scoped3A_118 : memref<!tpu.dma_semaphore, #tpu.memory_space<semaphore_mem>>)
      %dma_wait3A_123 = arith.constant 0 : i32
      %dma_wait3A_124 = tpu.memref_slice %arg10[%mul3A_2, %dma_wait3A_123] : memref<10240x128xf32, #tpu.memory_space<vmem_shared>> -> memref<640x128xf32, #tpu.memory_space<vmem_shared>>
      %dma_wait3A_125 = arith.constant 0 : i32
      %dma_wait3A_126 = tpu.memref_slice %arg5[%mul3A_2, %dma_wait3A_125] : memref<10240x128xf32, #tpu.memory_space<hbm>> -> memref<640x128xf32, #tpu.memory_space<hbm>>
      tpu.wait_dma2 semaphore(%run_scoped3A_118 : memref<!tpu.dma_semaphore, #tpu.memory_space<semaphore_mem>>) src(%dma_wait3A_126 : memref<640x128xf32, #tpu.memory_space<hbm>>) dst(%dma_wait3A_124 : memref<640x128xf32, #tpu.memory_space<vmem_shared>>)
      tpu.yield
    }) : () -> ()
    %barrier3A = arith.constant 0 : index
    tpu.barrier barrier_id(%barrier3A)
    %run_scoped3A = arith.constant 0 : i32
    "tpu.region"() ({
      %run_scoped3A_118 = tpu.sem_alloc : memref<!tpu.dma_semaphore, #tpu.memory_space<semaphore_mem>>
      %dma_start3A_119 = arith.constant 0 : i32
      %dma_start3A_120 = arith.constant 0 : i32
      %dma_start3A_121 = tpu.memref_slice %arg3[%add3A, %run_scoped3A, %dma_start3A_119, %dma_start3A_120] : memref<32x2x40x125xi32, #tpu.memory_space<hbm>> -> memref<1x1x40x125xi32, #tpu.memory_space<hbm>>
      %dma_start3A_122 = tpu.memref_squeeze %dma_start3A_121 : memref<1x1x40x125xi32, #tpu.memory_space<hbm>> -> memref<40x125xi32, #tpu.memory_space<hbm>>
      %dma_start3A_123 = arith.constant 0 : i32
      %dma_start3A_124 = arith.constant 0 : i32
      %dma_start3A_125 = tpu.memref_slice %arg3[%add3A, %run_scoped3A, %dma_start3A_123, %dma_start3A_124] : memref<32x2x40x125xi32, #tpu.memory_space<hbm>> -> memref<1x1x40x125xi32, #tpu.memory_space<hbm>>
      %dma_start3A_126 = tpu.memref_squeeze %dma_start3A_125 : memref<1x1x40x125xi32, #tpu.memory_space<hbm>> -> memref<40x125xi32, #tpu.memory_space<hbm>>
      tpu.enqueue_dma source(%dma_start3A_126 : memref<40x125xi32, #tpu.memory_space<hbm>>) target(%arg7 : memref<40x125xi32, #tpu.memory_space<vmem>>) target_semaphore(%run_scoped3A_118 : memref<!tpu.dma_semaphore, #tpu.memory_space<semaphore_mem>>)
      %dma_wait3A_127 = arith.constant 0 : i32
      %dma_wait3A_128 = arith.constant 0 : i32
      %dma_wait3A_129 = tpu.memref_slice %arg3[%add3A, %run_scoped3A, %dma_wait3A_127, %dma_wait3A_128] : memref<32x2x40x125xi32, #tpu.memory_space<hbm>> -> memref<1x1x40x125xi32, #tpu.memory_space<hbm>>
      %dma_wait3A_130 = tpu.memref_squeeze %dma_wait3A_129 : memref<1x1x40x125xi32, #tpu.memory_space<hbm>> -> memref<40x125xi32, #tpu.memory_space<hbm>>
      %dma_wait3A_131 = arith.constant 0 : i32
      %dma_wait3A_132 = arith.constant 0 : i32
      %dma_wait3A_133 = tpu.memref_slice %arg3[%add3A, %run_scoped3A, %dma_wait3A_131, %dma_wait3A_132] : memref<32x2x40x125xi32, #tpu.memory_space<hbm>> -> memref<1x1x40x125xi32, #tpu.memory_space<hbm>>
      %dma_wait3A_134 = tpu.memref_squeeze %dma_wait3A_133 : memref<1x1x40x125xi32, #tpu.memory_space<hbm>> -> memref<40x125xi32, #tpu.memory_space<hbm>>
      tpu.wait_dma2 semaphore(%run_scoped3A_118 : memref<!tpu.dma_semaphore, #tpu.memory_space<semaphore_mem>>) src(%dma_wait3A_134 : memref<40x125xi32, #tpu.memory_space<hbm>>) dst(%arg7 : memref<40x125xi32, #tpu.memory_space<vmem>>)
      tpu.yield
    }) : () -> ()
    %run_scoped3A_3 = arith.constant 0 : i32
    "tpu.region"() ({
      %run_scoped3A_118 = tpu.sem_alloc : memref<!tpu.dma_semaphore, #tpu.memory_space<semaphore_mem>>
      %dma_start3A_119 = arith.constant 0 : i32
      %dma_start3A_120 = arith.constant 0 : i32
      %dma_start3A_121 = tpu.memref_slice %arg4[%add3A, %run_scoped3A_3, %dma_start3A_119, %dma_start3A_120] : memref<32x2x40x125xi32, #tpu.memory_space<hbm>> -> memref<1x1x40x125xi32, #tpu.memory_space<hbm>>
      %dma_start3A_122 = tpu.memref_squeeze %dma_start3A_121 : memref<1x1x40x125xi32, #tpu.memory_space<hbm>> -> memref<40x125xi32, #tpu.memory_space<hbm>>
      %dma_start3A_123 = arith.constant 0 : i32
      %dma_start3A_124 = arith.constant 0 : i32
      %dma_start3A_125 = tpu.memref_slice %arg4[%add3A, %run_scoped3A_3, %dma_start3A_123, %dma_start3A_124] : memref<32x2x40x125xi32, #tpu.memory_space<hbm>> -> memref<1x1x40x125xi32, #tpu.memory_space<hbm>>
      %dma_start3A_126 = tpu.memref_squeeze %dma_start3A_125 : memref<1x1x40x125xi32, #tpu.memory_space<hbm>> -> memref<40x125xi32, #tpu.memory_space<hbm>>
      tpu.enqueue_dma source(%dma_start3A_126 : memref<40x125xi32, #tpu.memory_space<hbm>>) target(%arg8 : memref<40x125xi32, #tpu.memory_space<vmem>>) target_semaphore(%run_scoped3A_118 : memref<!tpu.dma_semaphore, #tpu.memory_space<semaphore_mem>>)
      %dma_wait3A_127 = arith.constant 0 : i32
      %dma_wait3A_128 = arith.constant 0 : i32
      %dma_wait3A_129 = tpu.memref_slice %arg4[%add3A, %run_scoped3A_3, %dma_wait3A_127, %dma_wait3A_128] : memref<32x2x40x125xi32, #tpu.memory_space<hbm>> -> memref<1x1x40x125xi32, #tpu.memory_space<hbm>>
      %dma_wait3A_130 = tpu.memref_squeeze %dma_wait3A_129 : memref<1x1x40x125xi32, #tpu.memory_space<hbm>> -> memref<40x125xi32, #tpu.memory_space<hbm>>
      %dma_wait3A_131 = arith.constant 0 : i32
      %dma_wait3A_132 = arith.constant 0 : i32
      %dma_wait3A_133 = tpu.memref_slice %arg4[%add3A, %run_scoped3A_3, %dma_wait3A_131, %dma_wait3A_132] : memref<32x2x40x125xi32, #tpu.memory_space<hbm>> -> memref<1x1x40x125xi32, #tpu.memory_space<hbm>>
      %dma_wait3A_134 = tpu.memref_squeeze %dma_wait3A_133 : memref<1x1x40x125xi32, #tpu.memory_space<hbm>> -> memref<40x125xi32, #tpu.memory_space<hbm>>
      tpu.wait_dma2 semaphore(%run_scoped3A_118 : memref<!tpu.dma_semaphore, #tpu.memory_space<semaphore_mem>>) src(%dma_wait3A_134 : memref<40x125xi32, #tpu.memory_space<hbm>>) dst(%arg8 : memref<40x125xi32, #tpu.memory_space<vmem>>)
      tpu.yield
    }) : () -> ()
    %dma_start3A = arith.constant 0 : i32
    %dma_start3A_4 = arith.constant 0 : i32
    %dma_start3A_5 = arith.constant 0 : i32
    %dma_start3A_6 = arith.constant 0 : i32
    %dma_start3A_7 = tpu.memref_slice %arg9[%dma_start3A_4, %dma_start3A_5, %dma_start3A_6] : memref<2x125x128xf32, #tpu.memory_space<vmem>> -> memref<1x125x128xf32, #tpu.memory_space<vmem>>
    %dma_start3A_8 = tpu.memref_squeeze %dma_start3A_7 : memref<1x125x128xf32, #tpu.memory_space<vmem>> -> memref<125x128xf32, #tpu.memory_space<vmem>>
    %dma_start3A_9 = arith.constant 0 : i32
    %dma_start3A_10 = tpu.memref_slice %arg7[%dma_start3A, %dma_start3A_9] : memref<40x125xi32, #tpu.memory_space<vmem>> -> memref<1x125xi32, #tpu.memory_space<vmem>>
    %dma_start3A_11 = tpu.memref_squeeze %dma_start3A_10 : memref<1x125xi32, #tpu.memory_space<vmem>> -> memref<125xi32, #tpu.memory_space<vmem>>
    %dma_start3A_12 = arith.constant 0 : i32
    %dma_start3A_13 = arith.constant 0 : i32
    %dma_start3A_14 = tpu.memref_slice %arg2[%dma_start3A_12, %dma_start3A_13] : memref<10240x128xf32, #tpu.memory_space<hbm>> -> memref<10240x128xf32, #tpu.memory_space<hbm>>
    tpu.enqueue_indirect_dma source(%dma_start3A_14 : memref<10240x128xf32, #tpu.memory_space<hbm>>) target(%dma_start3A_8 : memref<125x128xf32, #tpu.memory_space<vmem>>) offsets(%dma_start3A_11 : memref<125xi32, #tpu.memory_space<vmem>>) semaphore(%arg11 : memref<!tpu.dma_semaphore, #tpu.memory_space<semaphore_mem>>)
    %dma_start3A_15 = arith.constant 1 : i32
    %dma_start3A_16 = arith.constant 1 : i32
    %dma_start3A_17 = arith.constant 0 : i32
    %dma_start3A_18 = arith.constant 0 : i32
    %dma_start3A_19 = tpu.memref_slice %arg9[%dma_start3A_16, %dma_start3A_17, %dma_start3A_18] : memref<2x125x128xf32, #tpu.memory_space<vmem>> -> memref<1x125x128xf32, #tpu.memory_space<vmem>>
    %dma_start3A_20 = tpu.memref_squeeze %dma_start3A_19 : memref<1x125x128xf32, #tpu.memory_space<vmem>> -> memref<125x128xf32, #tpu.memory_space<vmem>>
    %dma_start3A_21 = arith.constant 0 : i32
    %dma_start3A_22 = tpu.memref_slice %arg7[%dma_start3A_15, %dma_start3A_21] : memref<40x125xi32, #tpu.memory_space<vmem>> -> memref<1x125xi32, #tpu.memory_space<vmem>>
    %dma_start3A_23 = tpu.memref_squeeze %dma_start3A_22 : memref<1x125xi32, #tpu.memory_space<vmem>> -> memref<125xi32, #tpu.memory_space<vmem>>
    %dma_start3A_24 = arith.constant 0 : i32
    %dma_start3A_25 = arith.constant 0 : i32
    %dma_start3A_26 = tpu.memref_slice %arg2[%dma_start3A_24, %dma_start3A_25] : memref<10240x128xf32, #tpu.memory_space<hbm>> -> memref<10240x128xf32, #tpu.memory_space<hbm>>
    tpu.enqueue_indirect_dma source(%dma_start3A_26 : memref<10240x128xf32, #tpu.memory_space<hbm>>) target(%dma_start3A_20 : memref<125x128xf32, #tpu.memory_space<vmem>>) offsets(%dma_start3A_23 : memref<125xi32, #tpu.memory_space<vmem>>) semaphore(%arg12 : memref<!tpu.dma_semaphore, #tpu.memory_space<semaphore_mem>>)
    %scan3A = arith.constant 0 : i32
    %scan3A_27 = arith.constant 19 : i32
    %scan3A_28 = arith.addi %scan3A, %scan3A_27 : i32
    %scan3A_29 = arith.constant 1 : i32
    scf.for %scan3A_118 = %scan3A to %scan3A_28 step %scan3A_29  : i32 {
      %mul3A_119 = arith.constant 2 : i32
      %mul3A_120 = arith.muli %scan3A_118, %mul3A_119 : i32
      %add3A_121 = arith.constant 0 : i32
      %add3A_122 = arith.addi %mul3A_120, %add3A_121 : i32
      %dma_wait3A_123 = arith.constant 0 : i32
      %dma_wait3A_124 = arith.constant 0 : i32
      %dma_wait3A_125 = arith.constant 0 : i32
      %dma_wait3A_126 = tpu.memref_slice %arg9[%dma_wait3A_123, %dma_wait3A_124, %dma_wait3A_125] : memref<2x125x128xf32, #tpu.memory_space<vmem>> -> memref<1x125x128xf32, #tpu.memory_space<vmem>>
      %dma_wait3A_127 = tpu.memref_squeeze %dma_wait3A_126 : memref<1x125x128xf32, #tpu.memory_space<vmem>> -> memref<125x128xf32, #tpu.memory_space<vmem>>
      %dma_wait3A_128 = arith.constant 0 : i32
      %dma_wait3A_129 = tpu.memref_slice %arg7[%add3A_122, %dma_wait3A_128] : memref<40x125xi32, #tpu.memory_space<vmem>> -> memref<1x125xi32, #tpu.memory_space<vmem>>
      %dma_wait3A_130 = tpu.memref_squeeze %dma_wait3A_129 : memref<1x125xi32, #tpu.memory_space<vmem>> -> memref<125xi32, #tpu.memory_space<vmem>>
      %dma_wait3A_131 = arith.constant 0 : i32
      %dma_wait3A_132 = arith.constant 0 : i32
      %dma_wait3A_133 = tpu.memref_slice %arg2[%dma_wait3A_131, %dma_wait3A_132] : memref<10240x128xf32, #tpu.memory_space<hbm>> -> memref<10240x128xf32, #tpu.memory_space<hbm>>
      tpu.wait_indirect_dma semaphore(%arg11 : memref<!tpu.dma_semaphore, #tpu.memory_space<semaphore_mem>>) src(%dma_wait3A_133 : memref<10240x128xf32, #tpu.memory_space<hbm>>) dst(%dma_wait3A_127 : memref<125x128xf32, #tpu.memory_space<vmem>>)
      %run_scoped3A_134 = arith.constant 0 : i32
      "tpu.region"() ({
        %run_scoped3A_177 = tpu.sem_alloc : memref<!tpu.dma_semaphore, #tpu.memory_space<semaphore_mem>>
        %dma_start3A_178 = arith.constant 0 : i32
        %dma_start3A_179 = arith.constant 0 : i32
        %dma_start3A_180 = tpu.memref_slice %arg9[%run_scoped3A_134, %dma_start3A_178, %dma_start3A_179] : memref<2x125x128xf32, #tpu.memory_space<vmem>> -> memref<1x125x128xf32, #tpu.memory_space<vmem>>
        %dma_start3A_181 = tpu.memref_squeeze %dma_start3A_180 : memref<1x125x128xf32, #tpu.memory_space<vmem>> -> memref<125x128xf32, #tpu.memory_space<vmem>>
        %dma_start3A_182 = arith.constant 0 : i32
        %dma_start3A_183 = tpu.memref_slice %arg8[%add3A_122, %dma_start3A_182] : memref<40x125xi32, #tpu.memory_space<vmem>> -> memref<1x125xi32, #tpu.memory_space<vmem>>
        %dma_start3A_184 = tpu.memref_squeeze %dma_start3A_183 : memref<1x125xi32, #tpu.memory_space<vmem>> -> memref<125xi32, #tpu.memory_space<vmem>>
        %dma_start3A_185 = arith.constant 0 : i32
        %dma_start3A_186 = arith.constant 0 : i32
        %dma_start3A_187 = tpu.memref_slice %arg10[%dma_start3A_185, %dma_start3A_186] : memref<10240x128xf32, #tpu.memory_space<vmem_shared>> -> memref<10240x128xf32, #tpu.memory_space<vmem_shared>>
        tpu.enqueue_indirect_dma source(%dma_start3A_181 : memref<125x128xf32, #tpu.memory_space<vmem>>) target(%dma_start3A_187 : memref<10240x128xf32, #tpu.memory_space<vmem_shared>>) offsets(%dma_start3A_184 : memref<125xi32, #tpu.memory_space<vmem>>) semaphore(%run_scoped3A_177 : memref<!tpu.dma_semaphore, #tpu.memory_space<semaphore_mem>>) {add = true}
        %dma_wait3A_188 = arith.constant 0 : i32
        %dma_wait3A_189 = arith.constant 0 : i32
        %dma_wait3A_190 = tpu.memref_slice %arg9[%run_scoped3A_134, %dma_wait3A_188, %dma_wait3A_189] : memref<2x125x128xf32, #tpu.memory_space<vmem>> -> memref<1x125x128xf32, #tpu.memory_space<vmem>>
        %dma_wait3A_191 = tpu.memref_squeeze %dma_wait3A_190 : memref<1x125x128xf32, #tpu.memory_space<vmem>> -> memref<125x128xf32, #tpu.memory_space<vmem>>
        %dma_wait3A_192 = arith.constant 0 : i32
        %dma_wait3A_193 = tpu.memref_slice %arg8[%add3A_122, %dma_wait3A_192] : memref<40x125xi32, #tpu.memory_space<vmem>> -> memref<1x125xi32, #tpu.memory_space<vmem>>
        %dma_wait3A_194 = tpu.memref_squeeze %dma_wait3A_193 : memref<1x125xi32, #tpu.memory_space<vmem>> -> memref<125xi32, #tpu.memory_space<vmem>>
        %dma_wait3A_195 = arith.constant 0 : i32
        %dma_wait3A_196 = arith.constant 0 : i32
        %dma_wait3A_197 = tpu.memref_slice %arg10[%dma_wait3A_195, %dma_wait3A_196] : memref<10240x128xf32, #tpu.memory_space<vmem_shared>> -> memref<10240x128xf32, #tpu.memory_space<vmem_shared>>
        tpu.wait_indirect_dma semaphore(%run_scoped3A_177 : memref<!tpu.dma_semaphore, #tpu.memory_space<semaphore_mem>>) src(%dma_wait3A_191 : memref<125x128xf32, #tpu.memory_space<vmem>>) dst(%dma_wait3A_197 : memref<10240x128xf32, #tpu.memory_space<vmem_shared>>)
        tpu.yield
      }) : () -> ()
      %add3A_135 = arith.constant 2 : i32
      %add3A_136 = arith.addi %add3A_122, %add3A_135 : i32
      %dma_start3A_137 = arith.constant 0 : i32
      %dma_start3A_138 = arith.constant 0 : i32
      %dma_start3A_139 = arith.constant 0 : i32
      %dma_start3A_140 = tpu.memref_slice %arg9[%dma_start3A_137, %dma_start3A_138, %dma_start3A_139] : memref<2x125x128xf32, #tpu.memory_space<vmem>> -> memref<1x125x128xf32, #tpu.memory_space<vmem>>
      %dma_start3A_141 = tpu.memref_squeeze %dma_start3A_140 : memref<1x125x128xf32, #tpu.memory_space<vmem>> -> memref<125x128xf32, #tpu.memory_space<vmem>>
      %dma_start3A_142 = arith.constant 0 : i32
      %dma_start3A_143 = tpu.memref_slice %arg7[%add3A_136, %dma_start3A_142] : memref<40x125xi32, #tpu.memory_space<vmem>> -> memref<1x125xi32, #tpu.memory_space<vmem>>
      %dma_start3A_144 = tpu.memref_squeeze %dma_start3A_143 : memref<1x125xi32, #tpu.memory_space<vmem>> -> memref<125xi32, #tpu.memory_space<vmem>>
      %dma_start3A_145 = arith.constant 0 : i32
      %dma_start3A_146 = arith.constant 0 : i32
      %dma_start3A_147 = tpu.memref_slice %arg2[%dma_start3A_145, %dma_start3A_146] : memref<10240x128xf32, #tpu.memory_space<hbm>> -> memref<10240x128xf32, #tpu.memory_space<hbm>>
      tpu.enqueue_indirect_dma source(%dma_start3A_147 : memref<10240x128xf32, #tpu.memory_space<hbm>>) target(%dma_start3A_141 : memref<125x128xf32, #tpu.memory_space<vmem>>) offsets(%dma_start3A_144 : memref<125xi32, #tpu.memory_space<vmem>>) semaphore(%arg11 : memref<!tpu.dma_semaphore, #tpu.memory_space<semaphore_mem>>)
      %mul3A_148 = arith.constant 2 : i32
      %mul3A_149 = arith.muli %scan3A_118, %mul3A_148 : i32
      %add3A_150 = arith.constant 1 : i32
      %add3A_151 = arith.addi %mul3A_149, %add3A_150 : i32
      %dma_wait3A_152 = arith.constant 1 : i32
      %dma_wait3A_153 = arith.constant 0 : i32
      %dma_wait3A_154 = arith.constant 0 : i32
      %dma_wait3A_155 = tpu.memref_slice %arg9[%dma_wait3A_152, %dma_wait3A_153, %dma_wait3A_154] : memref<2x125x128xf32, #tpu.memory_space<vmem>> -> memref<1x125x128xf32, #tpu.memory_space<vmem>>
      %dma_wait3A_156 = tpu.memref_squeeze %dma_wait3A_155 : memref<1x125x128xf32, #tpu.memory_space<vmem>> -> memref<125x128xf32, #tpu.memory_space<vmem>>
      %dma_wait3A_157 = arith.constant 0 : i32
      %dma_wait3A_158 = tpu.memref_slice %arg7[%add3A_151, %dma_wait3A_157] : memref<40x125xi32, #tpu.memory_space<vmem>> -> memref<1x125xi32, #tpu.memory_space<vmem>>
      %dma_wait3A_159 = tpu.memref_squeeze %dma_wait3A_158 : memref<1x125xi32, #tpu.memory_space<vmem>> -> memref<125xi32, #tpu.memory_space<vmem>>
      %dma_wait3A_160 = arith.constant 0 : i32
      %dma_wait3A_161 = arith.constant 0 : i32
      %dma_wait3A_162 = tpu.memref_slice %arg2[%dma_wait3A_160, %dma_wait3A_161] : memref<10240x128xf32, #tpu.memory_space<hbm>> -> memref<10240x128xf32, #tpu.memory_space<hbm>>
      tpu.wait_indirect_dma semaphore(%arg12 : memref<!tpu.dma_semaphore, #tpu.memory_space<semaphore_mem>>) src(%dma_wait3A_162 : memref<10240x128xf32, #tpu.memory_space<hbm>>) dst(%dma_wait3A_156 : memref<125x128xf32, #tpu.memory_space<vmem>>)
      %run_scoped3A_163 = arith.constant 1 : i32
      "tpu.region"() ({
        %run_scoped3A_177 = tpu.sem_alloc : memref<!tpu.dma_semaphore, #tpu.memory_space<semaphore_mem>>
        %dma_start3A_178 = arith.constant 0 : i32
        %dma_start3A_179 = arith.constant 0 : i32
        %dma_start3A_180 = tpu.memref_slice %arg9[%run_scoped3A_163, %dma_start3A_178, %dma_start3A_179] : memref<2x125x128xf32, #tpu.memory_space<vmem>> -> memref<1x125x128xf32, #tpu.memory_space<vmem>>
        %dma_start3A_181 = tpu.memref_squeeze %dma_start3A_180 : memref<1x125x128xf32, #tpu.memory_space<vmem>> -> memref<125x128xf32, #tpu.memory_space<vmem>>
        %dma_start3A_182 = arith.constant 0 : i32
        %dma_start3A_183 = tpu.memref_slice %arg8[%add3A_151, %dma_start3A_182] : memref<40x125xi32, #tpu.memory_space<vmem>> -> memref<1x125xi32, #tpu.memory_space<vmem>>
        %dma_start3A_184 = tpu.memref_squeeze %dma_start3A_183 : memref<1x125xi32, #tpu.memory_space<vmem>> -> memref<125xi32, #tpu.memory_space<vmem>>
        %dma_start3A_185 = arith.constant 0 : i32
        %dma_start3A_186 = arith.constant 0 : i32
        %dma_start3A_187 = tpu.memref_slice %arg10[%dma_start3A_185, %dma_start3A_186] : memref<10240x128xf32, #tpu.memory_space<vmem_shared>> -> memref<10240x128xf32, #tpu.memory_space<vmem_shared>>
        tpu.enqueue_indirect_dma source(%dma_start3A_181 : memref<125x128xf32, #tpu.memory_space<vmem>>) target(%dma_start3A_187 : memref<10240x128xf32, #tpu.memory_space<vmem_shared>>) offsets(%dma_start3A_184 : memref<125xi32, #tpu.memory_space<vmem>>) semaphore(%run_scoped3A_177 : memref<!tpu.dma_semaphore, #tpu.memory_space<semaphore_mem>>) {add = true}
        %dma_wait3A_188 = arith.constant 0 : i32
        %dma_wait3A_189 = arith.constant 0 : i32
        %dma_wait3A_190 = tpu.memref_slice %arg9[%run_scoped3A_163, %dma_wait3A_188, %dma_wait3A_189] : memref<2x125x128xf32, #tpu.memory_space<vmem>> -> memref<1x125x128xf32, #tpu.memory_space<vmem>>
        %dma_wait3A_191 = tpu.memref_squeeze %dma_wait3A_190 : memref<1x125x128xf32, #tpu.memory_space<vmem>> -> memref<125x128xf32, #tpu.memory_space<vmem>>
        %dma_wait3A_192 = arith.constant 0 : i32
        %dma_wait3A_193 = tpu.memref_slice %arg8[%add3A_151, %dma_wait3A_192] : memref<40x125xi32, #tpu.memory_space<vmem>> -> memref<1x125xi32, #tpu.memory_space<vmem>>
        %dma_wait3A_194 = tpu.memref_squeeze %dma_wait3A_193 : memref<1x125xi32, #tpu.memory_space<vmem>> -> memref<125xi32, #tpu.memory_space<vmem>>
        %dma_wait3A_195 = arith.constant 0 : i32
        %dma_wait3A_196 = arith.constant 0 : i32
        %dma_wait3A_197 = tpu.memref_slice %arg10[%dma_wait3A_195, %dma_wait3A_196] : memref<10240x128xf32, #tpu.memory_space<vmem_shared>> -> memref<10240x128xf32, #tpu.memory_space<vmem_shared>>
        tpu.wait_indirect_dma semaphore(%run_scoped3A_177 : memref<!tpu.dma_semaphore, #tpu.memory_space<semaphore_mem>>) src(%dma_wait3A_191 : memref<125x128xf32, #tpu.memory_space<vmem>>) dst(%dma_wait3A_197 : memref<10240x128xf32, #tpu.memory_space<vmem_shared>>)
        tpu.yield
      }) : () -> ()
      %add3A_164 = arith.constant 2 : i32
      %add3A_165 = arith.addi %add3A_151, %add3A_164 : i32
      %dma_start3A_166 = arith.constant 1 : i32
      %dma_start3A_167 = arith.constant 0 : i32
      %dma_start3A_168 = arith.constant 0 : i32
      %dma_start3A_169 = tpu.memref_slice %arg9[%dma_start3A_166, %dma_start3A_167, %dma_start3A_168] : memref<2x125x128xf32, #tpu.memory_space<vmem>> -> memref<1x125x128xf32, #tpu.memory_space<vmem>>
      %dma_start3A_170 = tpu.memref_squeeze %dma_start3A_169 : memref<1x125x128xf32, #tpu.memory_space<vmem>> -> memref<125x128xf32, #tpu.memory_space<vmem>>
      %dma_start3A_171 = arith.constant 0 : i32
      %dma_start3A_172 = tpu.memref_slice %arg7[%add3A_165, %dma_start3A_171] : memref<40x125xi32, #tpu.memory_space<vmem>> -> memref<1x125xi32, #tpu.memory_space<vmem>>
      %dma_start3A_173 = tpu.memref_squeeze %dma_start3A_172 : memref<1x125xi32, #tpu.memory_space<vmem>> -> memref<125xi32, #tpu.memory_space<vmem>>
      %dma_start3A_174 = arith.constant 0 : i32
      %dma_start3A_175 = arith.constant 0 : i32
      %dma_start3A_176 = tpu.memref_slice %arg2[%dma_start3A_174, %dma_start3A_175] : memref<10240x128xf32, #tpu.memory_space<hbm>> -> memref<10240x128xf32, #tpu.memory_space<hbm>>
      tpu.enqueue_indirect_dma source(%dma_start3A_176 : memref<10240x128xf32, #tpu.memory_space<hbm>>) target(%dma_start3A_170 : memref<125x128xf32, #tpu.memory_space<vmem>>) offsets(%dma_start3A_173 : memref<125xi32, #tpu.memory_space<vmem>>) semaphore(%arg12 : memref<!tpu.dma_semaphore, #tpu.memory_space<semaphore_mem>>)
    }
    %scan3A_30 = arith.constant 19 : i32
    %dma_wait3A = arith.constant 38 : i32
    %dma_wait3A_31 = arith.constant 0 : i32
    %dma_wait3A_32 = arith.constant 0 : i32
    %dma_wait3A_33 = arith.constant 0 : i32
    %dma_wait3A_34 = tpu.memref_slice %arg9[%dma_wait3A_31, %dma_wait3A_32, %dma_wait3A_33] : memref<2x125x128xf32, #tpu.memory_space<vmem>> -> memref<1x125x128xf32, #tpu.memory_space<vmem>>
    %dma_wait3A_35 = tpu.memref_squeeze %dma_wait3A_34 : memref<1x125x128xf32, #tpu.memory_space<vmem>> -> memref<125x128xf32, #tpu.memory_space<vmem>>
    %dma_wait3A_36 = arith.constant 0 : i32
    %dma_wait3A_37 = tpu.memref_slice %arg7[%dma_wait3A, %dma_wait3A_36] : memref<40x125xi32, #tpu.memory_space<vmem>> -> memref<1x125xi32, #tpu.memory_space<vmem>>
    %dma_wait3A_38 = tpu.memref_squeeze %dma_wait3A_37 : memref<1x125xi32, #tpu.memory_space<vmem>> -> memref<125xi32, #tpu.memory_space<vmem>>
    %dma_wait3A_39 = arith.constant 0 : i32
    %dma_wait3A_40 = arith.constant 0 : i32
    %dma_wait3A_41 = tpu.memref_slice %arg2[%dma_wait3A_39, %dma_wait3A_40] : memref<10240x128xf32, #tpu.memory_space<hbm>> -> memref<10240x128xf32, #tpu.memory_space<hbm>>
    tpu.wait_indirect_dma semaphore(%arg11 : memref<!tpu.dma_semaphore, #tpu.memory_space<semaphore_mem>>) src(%dma_wait3A_41 : memref<10240x128xf32, #tpu.memory_space<hbm>>) dst(%dma_wait3A_35 : memref<125x128xf32, #tpu.memory_space<vmem>>)
    %run_scoped3A_42 = arith.constant 0 : i32
    %run_scoped3A_43 = arith.constant 38 : i32
    "tpu.region"() ({
      %run_scoped3A_118 = tpu.sem_alloc : memref<!tpu.dma_semaphore, #tpu.memory_space<semaphore_mem>>
      %dma_start3A_119 = arith.constant 0 : i32
      %dma_start3A_120 = arith.constant 0 : i32
      %dma_start3A_121 = tpu.memref_slice %arg9[%run_scoped3A_42, %dma_start3A_119, %dma_start3A_120] : memref<2x125x128xf32, #tpu.memory_space<vmem>> -> memref<1x125x128xf32, #tpu.memory_space<vmem>>
      %dma_start3A_122 = tpu.memref_squeeze %dma_start3A_121 : memref<1x125x128xf32, #tpu.memory_space<vmem>> -> memref<125x128xf32, #tpu.memory_space<vmem>>
      %dma_start3A_123 = arith.constant 0 : i32
      %dma_start3A_124 = tpu.memref_slice %arg8[%run_scoped3A_43, %dma_start3A_123] : memref<40x125xi32, #tpu.memory_space<vmem>> -> memref<1x125xi32, #tpu.memory_space<vmem>>
      %dma_start3A_125 = tpu.memref_squeeze %dma_start3A_124 : memref<1x125xi32, #tpu.memory_space<vmem>> -> memref<125xi32, #tpu.memory_space<vmem>>
      %dma_start3A_126 = arith.constant 0 : i32
      %dma_start3A_127 = arith.constant 0 : i32
      %dma_start3A_128 = tpu.memref_slice %arg10[%dma_start3A_126, %dma_start3A_127] : memref<10240x128xf32, #tpu.memory_space<vmem_shared>> -> memref<10240x128xf32, #tpu.memory_space<vmem_shared>>
      tpu.enqueue_indirect_dma source(%dma_start3A_122 : memref<125x128xf32, #tpu.memory_space<vmem>>) target(%dma_start3A_128 : memref<10240x128xf32, #tpu.memory_space<vmem_shared>>) offsets(%dma_start3A_125 : memref<125xi32, #tpu.memory_space<vmem>>) semaphore(%run_scoped3A_118 : memref<!tpu.dma_semaphore, #tpu.memory_space<semaphore_mem>>) {add = true}
      %dma_wait3A_129 = arith.constant 0 : i32
      %dma_wait3A_130 = arith.constant 0 : i32
      %dma_wait3A_131 = tpu.memref_slice %arg9[%run_scoped3A_42, %dma_wait3A_129, %dma_wait3A_130] : memref<2x125x128xf32, #tpu.memory_space<vmem>> -> memref<1x125x128xf32, #tpu.memory_space<vmem>>
      %dma_wait3A_132 = tpu.memref_squeeze %dma_wait3A_131 : memref<1x125x128xf32, #tpu.memory_space<vmem>> -> memref<125x128xf32, #tpu.memory_space<vmem>>
      %dma_wait3A_133 = arith.constant 0 : i32
      %dma_wait3A_134 = tpu.memref_slice %arg8[%run_scoped3A_43, %dma_wait3A_133] : memref<40x125xi32, #tpu.memory_space<vmem>> -> memref<1x125xi32, #tpu.memory_space<vmem>>
      %dma_wait3A_135 = tpu.memref_squeeze %dma_wait3A_134 : memref<1x125xi32, #tpu.memory_space<vmem>> -> memref<125xi32, #tpu.memory_space<vmem>>
      %dma_wait3A_136 = arith.constant 0 : i32
      %dma_wait3A_137 = arith.constant 0 : i32
      %dma_wait3A_138 = tpu.memref_slice %arg10[%dma_wait3A_136, %dma_wait3A_137] : memref<10240x128xf32, #tpu.memory_space<vmem_shared>> -> memref<10240x128xf32, #tpu.memory_space<vmem_shared>>
      tpu.wait_indirect_dma semaphore(%run_scoped3A_118 : memref<!tpu.dma_semaphore, #tpu.memory_space<semaphore_mem>>) src(%dma_wait3A_132 : memref<125x128xf32, #tpu.memory_space<vmem>>) dst(%dma_wait3A_138 : memref<10240x128xf32, #tpu.memory_space<vmem_shared>>)
      tpu.yield
    }) : () -> ()
    %dma_wait3A_44 = arith.constant 39 : i32
    %dma_wait3A_45 = arith.constant 1 : i32
    %dma_wait3A_46 = arith.constant 0 : i32
    %dma_wait3A_47 = arith.constant 0 : i32
    %dma_wait3A_48 = tpu.memref_slice %arg9[%dma_wait3A_45, %dma_wait3A_46, %dma_wait3A_47] : memref<2x125x128xf32, #tpu.memory_space<vmem>> -> memref<1x125x128xf32, #tpu.memory_space<vmem>>
    %dma_wait3A_49 = tpu.memref_squeeze %dma_wait3A_48 : memref<1x125x128xf32, #tpu.memory_space<vmem>> -> memref<125x128xf32, #tpu.memory_space<vmem>>
    %dma_wait3A_50 = arith.constant 0 : i32
    %dma_wait3A_51 = tpu.memref_slice %arg7[%dma_wait3A_44, %dma_wait3A_50] : memref<40x125xi32, #tpu.memory_space<vmem>> -> memref<1x125xi32, #tpu.memory_space<vmem>>
    %dma_wait3A_52 = tpu.memref_squeeze %dma_wait3A_51 : memref<1x125xi32, #tpu.memory_space<vmem>> -> memref<125xi32, #tpu.memory_space<vmem>>
    %dma_wait3A_53 = arith.constant 0 : i32
    %dma_wait3A_54 = arith.constant 0 : i32
    %dma_wait3A_55 = tpu.memref_slice %arg2[%dma_wait3A_53, %dma_wait3A_54] : memref<10240x128xf32, #tpu.memory_space<hbm>> -> memref<10240x128xf32, #tpu.memory_space<hbm>>
    tpu.wait_indirect_dma semaphore(%arg12 : memref<!tpu.dma_semaphore, #tpu.memory_space<semaphore_mem>>) src(%dma_wait3A_55 : memref<10240x128xf32, #tpu.memory_space<hbm>>) dst(%dma_wait3A_49 : memref<125x128xf32, #tpu.memory_space<vmem>>)
    %run_scoped3A_56 = arith.constant 1 : i32
    %run_scoped3A_57 = arith.constant 39 : i32
    "tpu.region"() ({
      %run_scoped3A_118 = tpu.sem_alloc : memref<!tpu.dma_semaphore, #tpu.memory_space<semaphore_mem>>
      %dma_start3A_119 = arith.constant 0 : i32
      %dma_start3A_120 = arith.constant 0 : i32
      %dma_start3A_121 = tpu.memref_slice %arg9[%run_scoped3A_56, %dma_start3A_119, %dma_start3A_120] : memref<2x125x128xf32, #tpu.memory_space<vmem>> -> memref<1x125x128xf32, #tpu.memory_space<vmem>>
      %dma_start3A_122 = tpu.memref_squeeze %dma_start3A_121 : memref<1x125x128xf32, #tpu.memory_space<vmem>> -> memref<125x128xf32, #tpu.memory_space<vmem>>
      %dma_start3A_123 = arith.constant 0 : i32
      %dma_start3A_124 = tpu.memref_slice %arg8[%run_scoped3A_57, %dma_start3A_123] : memref<40x125xi32, #tpu.memory_space<vmem>> -> memref<1x125xi32, #tpu.memory_space<vmem>>
      %dma_start3A_125 = tpu.memref_squeeze %dma_start3A_124 : memref<1x125xi32, #tpu.memory_space<vmem>> -> memref<125xi32, #tpu.memory_space<vmem>>
      %dma_start3A_126 = arith.constant 0 : i32
      %dma_start3A_127 = arith.constant 0 : i32
      %dma_start3A_128 = tpu.memref_slice %arg10[%dma_start3A_126, %dma_start3A_127] : memref<10240x128xf32, #tpu.memory_space<vmem_shared>> -> memref<10240x128xf32, #tpu.memory_space<vmem_shared>>
      tpu.enqueue_indirect_dma source(%dma_start3A_122 : memref<125x128xf32, #tpu.memory_space<vmem>>) target(%dma_start3A_128 : memref<10240x128xf32, #tpu.memory_space<vmem_shared>>) offsets(%dma_start3A_125 : memref<125xi32, #tpu.memory_space<vmem>>) semaphore(%run_scoped3A_118 : memref<!tpu.dma_semaphore, #tpu.memory_space<semaphore_mem>>) {add = true}
      %dma_wait3A_129 = arith.constant 0 : i32
      %dma_wait3A_130 = arith.constant 0 : i32
      %dma_wait3A_131 = tpu.memref_slice %arg9[%run_scoped3A_56, %dma_wait3A_129, %dma_wait3A_130] : memref<2x125x128xf32, #tpu.memory_space<vmem>> -> memref<1x125x128xf32, #tpu.memory_space<vmem>>
      %dma_wait3A_132 = tpu.memref_squeeze %dma_wait3A_131 : memref<1x125x128xf32, #tpu.memory_space<vmem>> -> memref<125x128xf32, #tpu.memory_space<vmem>>
      %dma_wait3A_133 = arith.constant 0 : i32
      %dma_wait3A_134 = tpu.memref_slice %arg8[%run_scoped3A_57, %dma_wait3A_133] : memref<40x125xi32, #tpu.memory_space<vmem>> -> memref<1x125xi32, #tpu.memory_space<vmem>>
      %dma_wait3A_135 = tpu.memref_squeeze %dma_wait3A_134 : memref<1x125xi32, #tpu.memory_space<vmem>> -> memref<125xi32, #tpu.memory_space<vmem>>
      %dma_wait3A_136 = arith.constant 0 : i32
      %dma_wait3A_137 = arith.constant 0 : i32
      %dma_wait3A_138 = tpu.memref_slice %arg10[%dma_wait3A_136, %dma_wait3A_137] : memref<10240x128xf32, #tpu.memory_space<vmem_shared>> -> memref<10240x128xf32, #tpu.memory_space<vmem_shared>>
      tpu.wait_indirect_dma semaphore(%run_scoped3A_118 : memref<!tpu.dma_semaphore, #tpu.memory_space<semaphore_mem>>) src(%dma_wait3A_132 : memref<125x128xf32, #tpu.memory_space<vmem>>) dst(%dma_wait3A_138 : memref<10240x128xf32, #tpu.memory_space<vmem_shared>>)
      tpu.yield
    }) : () -> ()
    %run_scoped3A_58 = arith.constant 1 : i32
    "tpu.region"() ({
      %run_scoped3A_118 = tpu.sem_alloc : memref<!tpu.dma_semaphore, #tpu.memory_space<semaphore_mem>>
      %dma_start3A_119 = arith.constant 0 : i32
      %dma_start3A_120 = arith.constant 0 : i32
      %dma_start3A_121 = tpu.memref_slice %arg3[%add3A, %run_scoped3A_58, %dma_start3A_119, %dma_start3A_120] : memref<32x2x40x125xi32, #tpu.memory_space<hbm>> -> memref<1x1x40x125xi32, #tpu.memory_space<hbm>>
      %dma_start3A_122 = tpu.memref_squeeze %dma_start3A_121 : memref<1x1x40x125xi32, #tpu.memory_space<hbm>> -> memref<40x125xi32, #tpu.memory_space<hbm>>
      %dma_start3A_123 = arith.constant 0 : i32
      %dma_start3A_124 = arith.constant 0 : i32
      %dma_start3A_125 = tpu.memref_slice %arg3[%add3A, %run_scoped3A_58, %dma_start3A_123, %dma_start3A_124] : memref<32x2x40x125xi32, #tpu.memory_space<hbm>> -> memref<1x1x40x125xi32, #tpu.memory_space<hbm>>
      %dma_start3A_126 = tpu.memref_squeeze %dma_start3A_125 : memref<1x1x40x125xi32, #tpu.memory_space<hbm>> -> memref<40x125xi32, #tpu.memory_space<hbm>>
      tpu.enqueue_dma source(%dma_start3A_126 : memref<40x125xi32, #tpu.memory_space<hbm>>) target(%arg7 : memref<40x125xi32, #tpu.memory_space<vmem>>) target_semaphore(%run_scoped3A_118 : memref<!tpu.dma_semaphore, #tpu.memory_space<semaphore_mem>>)
      %dma_wait3A_127 = arith.constant 0 : i32
      %dma_wait3A_128 = arith.constant 0 : i32
      %dma_wait3A_129 = tpu.memref_slice %arg3[%add3A, %run_scoped3A_58, %dma_wait3A_127, %dma_wait3A_128] : memref<32x2x40x125xi32, #tpu.memory_space<hbm>> -> memref<1x1x40x125xi32, #tpu.memory_space<hbm>>
      %dma_wait3A_130 = tpu.memref_squeeze %dma_wait3A_129 : memref<1x1x40x125xi32, #tpu.memory_space<hbm>> -> memref<40x125xi32, #tpu.memory_space<hbm>>
      %dma_wait3A_131 = arith.constant 0 : i32
      %dma_wait3A_132 = arith.constant 0 : i32
      %dma_wait3A_133 = tpu.memref_slice %arg3[%add3A, %run_scoped3A_58, %dma_wait3A_131, %dma_wait3A_132] : memref<32x2x40x125xi32, #tpu.memory_space<hbm>> -> memref<1x1x40x125xi32, #tpu.memory_space<hbm>>
      %dma_wait3A_134 = tpu.memref_squeeze %dma_wait3A_133 : memref<1x1x40x125xi32, #tpu.memory_space<hbm>> -> memref<40x125xi32, #tpu.memory_space<hbm>>
      tpu.wait_dma2 semaphore(%run_scoped3A_118 : memref<!tpu.dma_semaphore, #tpu.memory_space<semaphore_mem>>) src(%dma_wait3A_134 : memref<40x125xi32, #tpu.memory_space<hbm>>) dst(%arg7 : memref<40x125xi32, #tpu.memory_space<vmem>>)
      tpu.yield
    }) : () -> ()
    %run_scoped3A_59 = arith.constant 1 : i32
    "tpu.region"() ({
      %run_scoped3A_118 = tpu.sem_alloc : memref<!tpu.dma_semaphore, #tpu.memory_space<semaphore_mem>>
      %dma_start3A_119 = arith.constant 0 : i32
      %dma_start3A_120 = arith.constant 0 : i32
      %dma_start3A_121 = tpu.memref_slice %arg4[%add3A, %run_scoped3A_59, %dma_start3A_119, %dma_start3A_120] : memref<32x2x40x125xi32, #tpu.memory_space<hbm>> -> memref<1x1x40x125xi32, #tpu.memory_space<hbm>>
      %dma_start3A_122 = tpu.memref_squeeze %dma_start3A_121 : memref<1x1x40x125xi32, #tpu.memory_space<hbm>> -> memref<40x125xi32, #tpu.memory_space<hbm>>
      %dma_start3A_123 = arith.constant 0 : i32
      %dma_start3A_124 = arith.constant 0 : i32
      %dma_start3A_125 = tpu.memref_slice %arg4[%add3A, %run_scoped3A_59, %dma_start3A_123, %dma_start3A_124] : memref<32x2x40x125xi32, #tpu.memory_space<hbm>> -> memref<1x1x40x125xi32, #tpu.memory_space<hbm>>
      %dma_start3A_126 = tpu.memref_squeeze %dma_start3A_125 : memref<1x1x40x125xi32, #tpu.memory_space<hbm>> -> memref<40x125xi32, #tpu.memory_space<hbm>>
      tpu.enqueue_dma source(%dma_start3A_126 : memref<40x125xi32, #tpu.memory_space<hbm>>) target(%arg8 : memref<40x125xi32, #tpu.memory_space<vmem>>) target_semaphore(%run_scoped3A_118 : memref<!tpu.dma_semaphore, #tpu.memory_space<semaphore_mem>>)
      %dma_wait3A_127 = arith.constant 0 : i32
      %dma_wait3A_128 = arith.constant 0 : i32
      %dma_wait3A_129 = tpu.memref_slice %arg4[%add3A, %run_scoped3A_59, %dma_wait3A_127, %dma_wait3A_128] : memref<32x2x40x125xi32, #tpu.memory_space<hbm>> -> memref<1x1x40x125xi32, #tpu.memory_space<hbm>>
      %dma_wait3A_130 = tpu.memref_squeeze %dma_wait3A_129 : memref<1x1x40x125xi32, #tpu.memory_space<hbm>> -> memref<40x125xi32, #tpu.memory_space<hbm>>
      %dma_wait3A_131 = arith.constant 0 : i32
      %dma_wait3A_132 = arith.constant 0 : i32
      %dma_wait3A_133 = tpu.memref_slice %arg4[%add3A, %run_scoped3A_59, %dma_wait3A_131, %dma_wait3A_132] : memref<32x2x40x125xi32, #tpu.memory_space<hbm>> -> memref<1x1x40x125xi32, #tpu.memory_space<hbm>>
      %dma_wait3A_134 = tpu.memref_squeeze %dma_wait3A_133 : memref<1x1x40x125xi32, #tpu.memory_space<hbm>> -> memref<40x125xi32, #tpu.memory_space<hbm>>
      tpu.wait_dma2 semaphore(%run_scoped3A_118 : memref<!tpu.dma_semaphore, #tpu.memory_space<semaphore_mem>>) src(%dma_wait3A_134 : memref<40x125xi32, #tpu.memory_space<hbm>>) dst(%arg8 : memref<40x125xi32, #tpu.memory_space<vmem>>)
      tpu.yield
    }) : () -> ()
    %dma_start3A_60 = arith.constant 0 : i32
    %dma_start3A_61 = arith.constant 0 : i32
    %dma_start3A_62 = arith.constant 0 : i32
    %dma_start3A_63 = arith.constant 0 : i32
    %dma_start3A_64 = tpu.memref_slice %arg9[%dma_start3A_61, %dma_start3A_62, %dma_start3A_63] : memref<2x125x128xf32, #tpu.memory_space<vmem>> -> memref<1x125x128xf32, #tpu.memory_space<vmem>>
    %dma_start3A_65 = tpu.memref_squeeze %dma_start3A_64 : memref<1x125x128xf32, #tpu.memory_space<vmem>> -> memref<125x128xf32, #tpu.memory_space<vmem>>
    %dma_start3A_66 = arith.constant 0 : i32
    %dma_start3A_67 = tpu.memref_slice %arg7[%dma_start3A_60, %dma_start3A_66] : memref<40x125xi32, #tpu.memory_space<vmem>> -> memref<1x125xi32, #tpu.memory_space<vmem>>
    %dma_start3A_68 = tpu.memref_squeeze %dma_start3A_67 : memref<1x125xi32, #tpu.memory_space<vmem>> -> memref<125xi32, #tpu.memory_space<vmem>>
    %dma_start3A_69 = arith.constant 0 : i32
    %dma_start3A_70 = arith.constant 0 : i32
    %dma_start3A_71 = tpu.memref_slice %arg2[%dma_start3A_69, %dma_start3A_70] : memref<10240x128xf32, #tpu.memory_space<hbm>> -> memref<10240x128xf32, #tpu.memory_space<hbm>>
    tpu.enqueue_indirect_dma source(%dma_start3A_71 : memref<10240x128xf32, #tpu.memory_space<hbm>>) target(%dma_start3A_65 : memref<125x128xf32, #tpu.memory_space<vmem>>) offsets(%dma_start3A_68 : memref<125xi32, #tpu.memory_space<vmem>>) semaphore(%arg11 : memref<!tpu.dma_semaphore, #tpu.memory_space<semaphore_mem>>)
    %dma_start3A_72 = arith.constant 1 : i32
    %dma_start3A_73 = arith.constant 1 : i32
    %dma_start3A_74 = arith.constant 0 : i32
    %dma_start3A_75 = arith.constant 0 : i32
    %dma_start3A_76 = tpu.memref_slice %arg9[%dma_start3A_73, %dma_start3A_74, %dma_start3A_75] : memref<2x125x128xf32, #tpu.memory_space<vmem>> -> memref<1x125x128xf32, #tpu.memory_space<vmem>>
    %dma_start3A_77 = tpu.memref_squeeze %dma_start3A_76 : memref<1x125x128xf32, #tpu.memory_space<vmem>> -> memref<125x128xf32, #tpu.memory_space<vmem>>
    %dma_start3A_78 = arith.constant 0 : i32
    %dma_start3A_79 = tpu.memref_slice %arg7[%dma_start3A_72, %dma_start3A_78] : memref<40x125xi32, #tpu.memory_space<vmem>> -> memref<1x125xi32, #tpu.memory_space<vmem>>
    %dma_start3A_80 = tpu.memref_squeeze %dma_start3A_79 : memref<1x125xi32, #tpu.memory_space<vmem>> -> memref<125xi32, #tpu.memory_space<vmem>>
    %dma_start3A_81 = arith.constant 0 : i32
    %dma_start3A_82 = arith.constant 0 : i32
    %dma_start3A_83 = tpu.memref_slice %arg2[%dma_start3A_81, %dma_start3A_82] : memref<10240x128xf32, #tpu.memory_space<hbm>> -> memref<10240x128xf32, #tpu.memory_space<hbm>>
    tpu.enqueue_indirect_dma source(%dma_start3A_83 : memref<10240x128xf32, #tpu.memory_space<hbm>>) target(%dma_start3A_77 : memref<125x128xf32, #tpu.memory_space<vmem>>) offsets(%dma_start3A_80 : memref<125xi32, #tpu.memory_space<vmem>>) semaphore(%arg12 : memref<!tpu.dma_semaphore, #tpu.memory_space<semaphore_mem>>)
    %scan3A_84 = arith.constant 0 : i32
    %scan3A_85 = arith.constant 19 : i32
    %scan3A_86 = arith.addi %scan3A_84, %scan3A_85 : i32
    %scan3A_87 = arith.constant 1 : i32
    scf.for %scan3A_118 = %scan3A_84 to %scan3A_86 step %scan3A_87  : i32 {
      %mul3A_119 = arith.constant 2 : i32
      %mul3A_120 = arith.muli %scan3A_118, %mul3A_119 : i32
      %add3A_121 = arith.constant 0 : i32
      %add3A_122 = arith.addi %mul3A_120, %add3A_121 : i32
      %dma_wait3A_123 = arith.constant 0 : i32
      %dma_wait3A_124 = arith.constant 0 : i32
      %dma_wait3A_125 = arith.constant 0 : i32
      %dma_wait3A_126 = tpu.memref_slice %arg9[%dma_wait3A_123, %dma_wait3A_124, %dma_wait3A_125] : memref<2x125x128xf32, #tpu.memory_space<vmem>> -> memref<1x125x128xf32, #tpu.memory_space<vmem>>
      %dma_wait3A_127 = tpu.memref_squeeze %dma_wait3A_126 : memref<1x125x128xf32, #tpu.memory_space<vmem>> -> memref<125x128xf32, #tpu.memory_space<vmem>>
      %dma_wait3A_128 = arith.constant 0 : i32
      %dma_wait3A_129 = tpu.memref_slice %arg7[%add3A_122, %dma_wait3A_128] : memref<40x125xi32, #tpu.memory_space<vmem>> -> memref<1x125xi32, #tpu.memory_space<vmem>>
      %dma_wait3A_130 = tpu.memref_squeeze %dma_wait3A_129 : memref<1x125xi32, #tpu.memory_space<vmem>> -> memref<125xi32, #tpu.memory_space<vmem>>
      %dma_wait3A_131 = arith.constant 0 : i32
      %dma_wait3A_132 = arith.constant 0 : i32
      %dma_wait3A_133 = tpu.memref_slice %arg2[%dma_wait3A_131, %dma_wait3A_132] : memref<10240x128xf32, #tpu.memory_space<hbm>> -> memref<10240x128xf32, #tpu.memory_space<hbm>>
      tpu.wait_indirect_dma semaphore(%arg11 : memref<!tpu.dma_semaphore, #tpu.memory_space<semaphore_mem>>) src(%dma_wait3A_133 : memref<10240x128xf32, #tpu.memory_space<hbm>>) dst(%dma_wait3A_127 : memref<125x128xf32, #tpu.memory_space<vmem>>)
      %run_scoped3A_134 = arith.constant 0 : i32
      "tpu.region"() ({
        %run_scoped3A_177 = tpu.sem_alloc : memref<!tpu.dma_semaphore, #tpu.memory_space<semaphore_mem>>
        %dma_start3A_178 = arith.constant 0 : i32
        %dma_start3A_179 = arith.constant 0 : i32
        %dma_start3A_180 = tpu.memref_slice %arg9[%run_scoped3A_134, %dma_start3A_178, %dma_start3A_179] : memref<2x125x128xf32, #tpu.memory_space<vmem>> -> memref<1x125x128xf32, #tpu.memory_space<vmem>>
        %dma_start3A_181 = tpu.memref_squeeze %dma_start3A_180 : memref<1x125x128xf32, #tpu.memory_space<vmem>> -> memref<125x128xf32, #tpu.memory_space<vmem>>
        %dma_start3A_182 = arith.constant 0 : i32
        %dma_start3A_183 = tpu.memref_slice %arg8[%add3A_122, %dma_start3A_182] : memref<40x125xi32, #tpu.memory_space<vmem>> -> memref<1x125xi32, #tpu.memory_space<vmem>>
        %dma_start3A_184 = tpu.memref_squeeze %dma_start3A_183 : memref<1x125xi32, #tpu.memory_space<vmem>> -> memref<125xi32, #tpu.memory_space<vmem>>
        %dma_start3A_185 = arith.constant 0 : i32
        %dma_start3A_186 = arith.constant 0 : i32
        %dma_start3A_187 = tpu.memref_slice %arg10[%dma_start3A_185, %dma_start3A_186] : memref<10240x128xf32, #tpu.memory_space<vmem_shared>> -> memref<10240x128xf32, #tpu.memory_space<vmem_shared>>
        tpu.enqueue_indirect_dma source(%dma_start3A_181 : memref<125x128xf32, #tpu.memory_space<vmem>>) target(%dma_start3A_187 : memref<10240x128xf32, #tpu.memory_space<vmem_shared>>) offsets(%dma_start3A_184 : memref<125xi32, #tpu.memory_space<vmem>>) semaphore(%run_scoped3A_177 : memref<!tpu.dma_semaphore, #tpu.memory_space<semaphore_mem>>) {add = true}
        %dma_wait3A_188 = arith.constant 0 : i32
        %dma_wait3A_189 = arith.constant 0 : i32
        %dma_wait3A_190 = tpu.memref_slice %arg9[%run_scoped3A_134, %dma_wait3A_188, %dma_wait3A_189] : memref<2x125x128xf32, #tpu.memory_space<vmem>> -> memref<1x125x128xf32, #tpu.memory_space<vmem>>
        %dma_wait3A_191 = tpu.memref_squeeze %dma_wait3A_190 : memref<1x125x128xf32, #tpu.memory_space<vmem>> -> memref<125x128xf32, #tpu.memory_space<vmem>>
        %dma_wait3A_192 = arith.constant 0 : i32
        %dma_wait3A_193 = tpu.memref_slice %arg8[%add3A_122, %dma_wait3A_192] : memref<40x125xi32, #tpu.memory_space<vmem>> -> memref<1x125xi32, #tpu.memory_space<vmem>>
        %dma_wait3A_194 = tpu.memref_squeeze %dma_wait3A_193 : memref<1x125xi32, #tpu.memory_space<vmem>> -> memref<125xi32, #tpu.memory_space<vmem>>
        %dma_wait3A_195 = arith.constant 0 : i32
        %dma_wait3A_196 = arith.constant 0 : i32
        %dma_wait3A_197 = tpu.memref_slice %arg10[%dma_wait3A_195, %dma_wait3A_196] : memref<10240x128xf32, #tpu.memory_space<vmem_shared>> -> memref<10240x128xf32, #tpu.memory_space<vmem_shared>>
        tpu.wait_indirect_dma semaphore(%run_scoped3A_177 : memref<!tpu.dma_semaphore, #tpu.memory_space<semaphore_mem>>) src(%dma_wait3A_191 : memref<125x128xf32, #tpu.memory_space<vmem>>) dst(%dma_wait3A_197 : memref<10240x128xf32, #tpu.memory_space<vmem_shared>>)
        tpu.yield
      }) : () -> ()
      %add3A_135 = arith.constant 2 : i32
      %add3A_136 = arith.addi %add3A_122, %add3A_135 : i32
      %dma_start3A_137 = arith.constant 0 : i32
      %dma_start3A_138 = arith.constant 0 : i32
      %dma_start3A_139 = arith.constant 0 : i32
      %dma_start3A_140 = tpu.memref_slice %arg9[%dma_start3A_137, %dma_start3A_138, %dma_start3A_139] : memref<2x125x128xf32, #tpu.memory_space<vmem>> -> memref<1x125x128xf32, #tpu.memory_space<vmem>>
      %dma_start3A_141 = tpu.memref_squeeze %dma_start3A_140 : memref<1x125x128xf32, #tpu.memory_space<vmem>> -> memref<125x128xf32, #tpu.memory_space<vmem>>
      %dma_start3A_142 = arith.constant 0 : i32
      %dma_start3A_143 = tpu.memref_slice %arg7[%add3A_136, %dma_start3A_142] : memref<40x125xi32, #tpu.memory_space<vmem>> -> memref<1x125xi32, #tpu.memory_space<vmem>>
      %dma_start3A_144 = tpu.memref_squeeze %dma_start3A_143 : memref<1x125xi32, #tpu.memory_space<vmem>> -> memref<125xi32, #tpu.memory_space<vmem>>
      %dma_start3A_145 = arith.constant 0 : i32
      %dma_start3A_146 = arith.constant 0 : i32
      %dma_start3A_147 = tpu.memref_slice %arg2[%dma_start3A_145, %dma_start3A_146] : memref<10240x128xf32, #tpu.memory_space<hbm>> -> memref<10240x128xf32, #tpu.memory_space<hbm>>
      tpu.enqueue_indirect_dma source(%dma_start3A_147 : memref<10240x128xf32, #tpu.memory_space<hbm>>) target(%dma_start3A_141 : memref<125x128xf32, #tpu.memory_space<vmem>>) offsets(%dma_start3A_144 : memref<125xi32, #tpu.memory_space<vmem>>) semaphore(%arg11 : memref<!tpu.dma_semaphore, #tpu.memory_space<semaphore_mem>>)
      %mul3A_148 = arith.constant 2 : i32
      %mul3A_149 = arith.muli %scan3A_118, %mul3A_148 : i32
      %add3A_150 = arith.constant 1 : i32
      %add3A_151 = arith.addi %mul3A_149, %add3A_150 : i32
      %dma_wait3A_152 = arith.constant 1 : i32
      %dma_wait3A_153 = arith.constant 0 : i32
      %dma_wait3A_154 = arith.constant 0 : i32
      %dma_wait3A_155 = tpu.memref_slice %arg9[%dma_wait3A_152, %dma_wait3A_153, %dma_wait3A_154] : memref<2x125x128xf32, #tpu.memory_space<vmem>> -> memref<1x125x128xf32, #tpu.memory_space<vmem>>
      %dma_wait3A_156 = tpu.memref_squeeze %dma_wait3A_155 : memref<1x125x128xf32, #tpu.memory_space<vmem>> -> memref<125x128xf32, #tpu.memory_space<vmem>>
      %dma_wait3A_157 = arith.constant 0 : i32
      %dma_wait3A_158 = tpu.memref_slice %arg7[%add3A_151, %dma_wait3A_157] : memref<40x125xi32, #tpu.memory_space<vmem>> -> memref<1x125xi32, #tpu.memory_space<vmem>>
      %dma_wait3A_159 = tpu.memref_squeeze %dma_wait3A_158 : memref<1x125xi32, #tpu.memory_space<vmem>> -> memref<125xi32, #tpu.memory_space<vmem>>
      %dma_wait3A_160 = arith.constant 0 : i32
      %dma_wait3A_161 = arith.constant 0 : i32
      %dma_wait3A_162 = tpu.memref_slice %arg2[%dma_wait3A_160, %dma_wait3A_161] : memref<10240x128xf32, #tpu.memory_space<hbm>> -> memref<10240x128xf32, #tpu.memory_space<hbm>>
      tpu.wait_indirect_dma semaphore(%arg12 : memref<!tpu.dma_semaphore, #tpu.memory_space<semaphore_mem>>) src(%dma_wait3A_162 : memref<10240x128xf32, #tpu.memory_space<hbm>>) dst(%dma_wait3A_156 : memref<125x128xf32, #tpu.memory_space<vmem>>)
      %run_scoped3A_163 = arith.constant 1 : i32
      "tpu.region"() ({
        %run_scoped3A_177 = tpu.sem_alloc : memref<!tpu.dma_semaphore, #tpu.memory_space<semaphore_mem>>
        %dma_start3A_178 = arith.constant 0 : i32
        %dma_start3A_179 = arith.constant 0 : i32
        %dma_start3A_180 = tpu.memref_slice %arg9[%run_scoped3A_163, %dma_start3A_178, %dma_start3A_179] : memref<2x125x128xf32, #tpu.memory_space<vmem>> -> memref<1x125x128xf32, #tpu.memory_space<vmem>>
        %dma_start3A_181 = tpu.memref_squeeze %dma_start3A_180 : memref<1x125x128xf32, #tpu.memory_space<vmem>> -> memref<125x128xf32, #tpu.memory_space<vmem>>
        %dma_start3A_182 = arith.constant 0 : i32
        %dma_start3A_183 = tpu.memref_slice %arg8[%add3A_151, %dma_start3A_182] : memref<40x125xi32, #tpu.memory_space<vmem>> -> memref<1x125xi32, #tpu.memory_space<vmem>>
        %dma_start3A_184 = tpu.memref_squeeze %dma_start3A_183 : memref<1x125xi32, #tpu.memory_space<vmem>> -> memref<125xi32, #tpu.memory_space<vmem>>
        %dma_start3A_185 = arith.constant 0 : i32
        %dma_start3A_186 = arith.constant 0 : i32
        %dma_start3A_187 = tpu.memref_slice %arg10[%dma_start3A_185, %dma_start3A_186] : memref<10240x128xf32, #tpu.memory_space<vmem_shared>> -> memref<10240x128xf32, #tpu.memory_space<vmem_shared>>
        tpu.enqueue_indirect_dma source(%dma_start3A_181 : memref<125x128xf32, #tpu.memory_space<vmem>>) target(%dma_start3A_187 : memref<10240x128xf32, #tpu.memory_space<vmem_shared>>) offsets(%dma_start3A_184 : memref<125xi32, #tpu.memory_space<vmem>>) semaphore(%run_scoped3A_177 : memref<!tpu.dma_semaphore, #tpu.memory_space<semaphore_mem>>) {add = true}
        %dma_wait3A_188 = arith.constant 0 : i32
        %dma_wait3A_189 = arith.constant 0 : i32
        %dma_wait3A_190 = tpu.memref_slice %arg9[%run_scoped3A_163, %dma_wait3A_188, %dma_wait3A_189] : memref<2x125x128xf32, #tpu.memory_space<vmem>> -> memref<1x125x128xf32, #tpu.memory_space<vmem>>
        %dma_wait3A_191 = tpu.memref_squeeze %dma_wait3A_190 : memref<1x125x128xf32, #tpu.memory_space<vmem>> -> memref<125x128xf32, #tpu.memory_space<vmem>>
        %dma_wait3A_192 = arith.constant 0 : i32
        %dma_wait3A_193 = tpu.memref_slice %arg8[%add3A_151, %dma_wait3A_192] : memref<40x125xi32, #tpu.memory_space<vmem>> -> memref<1x125xi32, #tpu.memory_space<vmem>>
        %dma_wait3A_194 = tpu.memref_squeeze %dma_wait3A_193 : memref<1x125xi32, #tpu.memory_space<vmem>> -> memref<125xi32, #tpu.memory_space<vmem>>
        %dma_wait3A_195 = arith.constant 0 : i32
        %dma_wait3A_196 = arith.constant 0 : i32
        %dma_wait3A_197 = tpu.memref_slice %arg10[%dma_wait3A_195, %dma_wait3A_196] : memref<10240x128xf32, #tpu.memory_space<vmem_shared>> -> memref<10240x128xf32, #tpu.memory_space<vmem_shared>>
        tpu.wait_indirect_dma semaphore(%run_scoped3A_177 : memref<!tpu.dma_semaphore, #tpu.memory_space<semaphore_mem>>) src(%dma_wait3A_191 : memref<125x128xf32, #tpu.memory_space<vmem>>) dst(%dma_wait3A_197 : memref<10240x128xf32, #tpu.memory_space<vmem_shared>>)
        tpu.yield
      }) : () -> ()
      %add3A_164 = arith.constant 2 : i32
      %add3A_165 = arith.addi %add3A_151, %add3A_164 : i32
      %dma_start3A_166 = arith.constant 1 : i32
      %dma_start3A_167 = arith.constant 0 : i32
      %dma_start3A_168 = arith.constant 0 : i32
      %dma_start3A_169 = tpu.memref_slice %arg9[%dma_start3A_166, %dma_start3A_167, %dma_start3A_168] : memref<2x125x128xf32, #tpu.memory_space<vmem>> -> memref<1x125x128xf32, #tpu.memory_space<vmem>>
      %dma_start3A_170 = tpu.memref_squeeze %dma_start3A_169 : memref<1x125x128xf32, #tpu.memory_space<vmem>> -> memref<125x128xf32, #tpu.memory_space<vmem>>
      %dma_start3A_171 = arith.constant 0 : i32
      %dma_start3A_172 = tpu.memref_slice %arg7[%add3A_165, %dma_start3A_171] : memref<40x125xi32, #tpu.memory_space<vmem>> -> memref<1x125xi32, #tpu.memory_space<vmem>>
      %dma_start3A_173 = tpu.memref_squeeze %dma_start3A_172 : memref<1x125xi32, #tpu.memory_space<vmem>> -> memref<125xi32, #tpu.memory_space<vmem>>
      %dma_start3A_174 = arith.constant 0 : i32
      %dma_start3A_175 = arith.constant 0 : i32
      %dma_start3A_176 = tpu.memref_slice %arg2[%dma_start3A_174, %dma_start3A_175] : memref<10240x128xf32, #tpu.memory_space<hbm>> -> memref<10240x128xf32, #tpu.memory_space<hbm>>
      tpu.enqueue_indirect_dma source(%dma_start3A_176 : memref<10240x128xf32, #tpu.memory_space<hbm>>) target(%dma_start3A_170 : memref<125x128xf32, #tpu.memory_space<vmem>>) offsets(%dma_start3A_173 : memref<125xi32, #tpu.memory_space<vmem>>) semaphore(%arg12 : memref<!tpu.dma_semaphore, #tpu.memory_space<semaphore_mem>>)
    }
    %scan3A_88 = arith.constant 19 : i32
    %dma_wait3A_89 = arith.constant 38 : i32
    %dma_wait3A_90 = arith.constant 0 : i32
    %dma_wait3A_91 = arith.constant 0 : i32
    %dma_wait3A_92 = arith.constant 0 : i32
    %dma_wait3A_93 = tpu.memref_slice %arg9[%dma_wait3A_90, %dma_wait3A_91, %dma_wait3A_92] : memref<2x125x128xf32, #tpu.memory_space<vmem>> -> memref<1x125x128xf32, #tpu.memory_space<vmem>>
    %dma_wait3A_94 = tpu.memref_squeeze %dma_wait3A_93 : memref<1x125x128xf32, #tpu.memory_space<vmem>> -> memref<125x128xf32, #tpu.memory_space<vmem>>
    %dma_wait3A_95 = arith.constant 0 : i32
    %dma_wait3A_96 = tpu.memref_slice %arg7[%dma_wait3A_89, %dma_wait3A_95] : memref<40x125xi32, #tpu.memory_space<vmem>> -> memref<1x125xi32, #tpu.memory_space<vmem>>
    %dma_wait3A_97 = tpu.memref_squeeze %dma_wait3A_96 : memref<1x125xi32, #tpu.memory_space<vmem>> -> memref<125xi32, #tpu.memory_space<vmem>>
    %dma_wait3A_98 = arith.constant 0 : i32
    %dma_wait3A_99 = arith.constant 0 : i32
    %dma_wait3A_100 = tpu.memref_slice %arg2[%dma_wait3A_98, %dma_wait3A_99] : memref<10240x128xf32, #tpu.memory_space<hbm>> -> memref<10240x128xf32, #tpu.memory_space<hbm>>
    tpu.wait_indirect_dma semaphore(%arg11 : memref<!tpu.dma_semaphore, #tpu.memory_space<semaphore_mem>>) src(%dma_wait3A_100 : memref<10240x128xf32, #tpu.memory_space<hbm>>) dst(%dma_wait3A_94 : memref<125x128xf32, #tpu.memory_space<vmem>>)
    %run_scoped3A_101 = arith.constant 0 : i32
    %run_scoped3A_102 = arith.constant 38 : i32
    "tpu.region"() ({
      %run_scoped3A_118 = tpu.sem_alloc : memref<!tpu.dma_semaphore, #tpu.memory_space<semaphore_mem>>
      %dma_start3A_119 = arith.constant 0 : i32
      %dma_start3A_120 = arith.constant 0 : i32
      %dma_start3A_121 = tpu.memref_slice %arg9[%run_scoped3A_101, %dma_start3A_119, %dma_start3A_120] : memref<2x125x128xf32, #tpu.memory_space<vmem>> -> memref<1x125x128xf32, #tpu.memory_space<vmem>>
      %dma_start3A_122 = tpu.memref_squeeze %dma_start3A_121 : memref<1x125x128xf32, #tpu.memory_space<vmem>> -> memref<125x128xf32, #tpu.memory_space<vmem>>
      %dma_start3A_123 = arith.constant 0 : i32
      %dma_start3A_124 = tpu.memref_slice %arg8[%run_scoped3A_102, %dma_start3A_123] : memref<40x125xi32, #tpu.memory_space<vmem>> -> memref<1x125xi32, #tpu.memory_space<vmem>>
      %dma_start3A_125 = tpu.memref_squeeze %dma_start3A_124 : memref<1x125xi32, #tpu.memory_space<vmem>> -> memref<125xi32, #tpu.memory_space<vmem>>
      %dma_start3A_126 = arith.constant 0 : i32
      %dma_start3A_127 = arith.constant 0 : i32
      %dma_start3A_128 = tpu.memref_slice %arg10[%dma_start3A_126, %dma_start3A_127] : memref<10240x128xf32, #tpu.memory_space<vmem_shared>> -> memref<10240x128xf32, #tpu.memory_space<vmem_shared>>
      tpu.enqueue_indirect_dma source(%dma_start3A_122 : memref<125x128xf32, #tpu.memory_space<vmem>>) target(%dma_start3A_128 : memref<10240x128xf32, #tpu.memory_space<vmem_shared>>) offsets(%dma_start3A_125 : memref<125xi32, #tpu.memory_space<vmem>>) semaphore(%run_scoped3A_118 : memref<!tpu.dma_semaphore, #tpu.memory_space<semaphore_mem>>) {add = true}
      %dma_wait3A_129 = arith.constant 0 : i32
      %dma_wait3A_130 = arith.constant 0 : i32
      %dma_wait3A_131 = tpu.memref_slice %arg9[%run_scoped3A_101, %dma_wait3A_129, %dma_wait3A_130] : memref<2x125x128xf32, #tpu.memory_space<vmem>> -> memref<1x125x128xf32, #tpu.memory_space<vmem>>
      %dma_wait3A_132 = tpu.memref_squeeze %dma_wait3A_131 : memref<1x125x128xf32, #tpu.memory_space<vmem>> -> memref<125x128xf32, #tpu.memory_space<vmem>>
      %dma_wait3A_133 = arith.constant 0 : i32
      %dma_wait3A_134 = tpu.memref_slice %arg8[%run_scoped3A_102, %dma_wait3A_133] : memref<40x125xi32, #tpu.memory_space<vmem>> -> memref<1x125xi32, #tpu.memory_space<vmem>>
      %dma_wait3A_135 = tpu.memref_squeeze %dma_wait3A_134 : memref<1x125xi32, #tpu.memory_space<vmem>> -> memref<125xi32, #tpu.memory_space<vmem>>
      %dma_wait3A_136 = arith.constant 0 : i32
      %dma_wait3A_137 = arith.constant 0 : i32
      %dma_wait3A_138 = tpu.memref_slice %arg10[%dma_wait3A_136, %dma_wait3A_137] : memref<10240x128xf32, #tpu.memory_space<vmem_shared>> -> memref<10240x128xf32, #tpu.memory_space<vmem_shared>>
      tpu.wait_indirect_dma semaphore(%run_scoped3A_118 : memref<!tpu.dma_semaphore, #tpu.memory_space<semaphore_mem>>) src(%dma_wait3A_132 : memref<125x128xf32, #tpu.memory_space<vmem>>) dst(%dma_wait3A_138 : memref<10240x128xf32, #tpu.memory_space<vmem_shared>>)
      tpu.yield
    }) : () -> ()
    %dma_wait3A_103 = arith.constant 39 : i32
    %dma_wait3A_104 = arith.constant 1 : i32
    %dma_wait3A_105 = arith.constant 0 : i32
    %dma_wait3A_106 = arith.constant 0 : i32
    %dma_wait3A_107 = tpu.memref_slice %arg9[%dma_wait3A_104, %dma_wait3A_105, %dma_wait3A_106] : memref<2x125x128xf32, #tpu.memory_space<vmem>> -> memref<1x125x128xf32, #tpu.memory_space<vmem>>
    %dma_wait3A_108 = tpu.memref_squeeze %dma_wait3A_107 : memref<1x125x128xf32, #tpu.memory_space<vmem>> -> memref<125x128xf32, #tpu.memory_space<vmem>>
    %dma_wait3A_109 = arith.constant 0 : i32
    %dma_wait3A_110 = tpu.memref_slice %arg7[%dma_wait3A_103, %dma_wait3A_109] : memref<40x125xi32, #tpu.memory_space<vmem>> -> memref<1x125xi32, #tpu.memory_space<vmem>>
    %dma_wait3A_111 = tpu.memref_squeeze %dma_wait3A_110 : memref<1x125xi32, #tpu.memory_space<vmem>> -> memref<125xi32, #tpu.memory_space<vmem>>
    %dma_wait3A_112 = arith.constant 0 : i32
    %dma_wait3A_113 = arith.constant 0 : i32
    %dma_wait3A_114 = tpu.memref_slice %arg2[%dma_wait3A_112, %dma_wait3A_113] : memref<10240x128xf32, #tpu.memory_space<hbm>> -> memref<10240x128xf32, #tpu.memory_space<hbm>>
    tpu.wait_indirect_dma semaphore(%arg12 : memref<!tpu.dma_semaphore, #tpu.memory_space<semaphore_mem>>) src(%dma_wait3A_114 : memref<10240x128xf32, #tpu.memory_space<hbm>>) dst(%dma_wait3A_108 : memref<125x128xf32, #tpu.memory_space<vmem>>)
    %run_scoped3A_115 = arith.constant 1 : i32
    %run_scoped3A_116 = arith.constant 39 : i32
    "tpu.region"() ({
      %run_scoped3A_118 = tpu.sem_alloc : memref<!tpu.dma_semaphore, #tpu.memory_space<semaphore_mem>>
      %dma_start3A_119 = arith.constant 0 : i32
      %dma_start3A_120 = arith.constant 0 : i32
      %dma_start3A_121 = tpu.memref_slice %arg9[%run_scoped3A_115, %dma_start3A_119, %dma_start3A_120] : memref<2x125x128xf32, #tpu.memory_space<vmem>> -> memref<1x125x128xf32, #tpu.memory_space<vmem>>
      %dma_start3A_122 = tpu.memref_squeeze %dma_start3A_121 : memref<1x125x128xf32, #tpu.memory_space<vmem>> -> memref<125x128xf32, #tpu.memory_space<vmem>>
      %dma_start3A_123 = arith.constant 0 : i32
      %dma_start3A_124 = tpu.memref_slice %arg8[%run_scoped3A_116, %dma_start3A_123] : memref<40x125xi32, #tpu.memory_space<vmem>> -> memref<1x125xi32, #tpu.memory_space<vmem>>
      %dma_start3A_125 = tpu.memref_squeeze %dma_start3A_124 : memref<1x125xi32, #tpu.memory_space<vmem>> -> memref<125xi32, #tpu.memory_space<vmem>>
      %dma_start3A_126 = arith.constant 0 : i32
      %dma_start3A_127 = arith.constant 0 : i32
      %dma_start3A_128 = tpu.memref_slice %arg10[%dma_start3A_126, %dma_start3A_127] : memref<10240x128xf32, #tpu.memory_space<vmem_shared>> -> memref<10240x128xf32, #tpu.memory_space<vmem_shared>>
      tpu.enqueue_indirect_dma source(%dma_start3A_122 : memref<125x128xf32, #tpu.memory_space<vmem>>) target(%dma_start3A_128 : memref<10240x128xf32, #tpu.memory_space<vmem_shared>>) offsets(%dma_start3A_125 : memref<125xi32, #tpu.memory_space<vmem>>) semaphore(%run_scoped3A_118 : memref<!tpu.dma_semaphore, #tpu.memory_space<semaphore_mem>>) {add = true}
      %dma_wait3A_129 = arith.constant 0 : i32
      %dma_wait3A_130 = arith.constant 0 : i32
      %dma_wait3A_131 = tpu.memref_slice %arg9[%run_scoped3A_115, %dma_wait3A_129, %dma_wait3A_130] : memref<2x125x128xf32, #tpu.memory_space<vmem>> -> memref<1x125x128xf32, #tpu.memory_space<vmem>>
      %dma_wait3A_132 = tpu.memref_squeeze %dma_wait3A_131 : memref<1x125x128xf32, #tpu.memory_space<vmem>> -> memref<125x128xf32, #tpu.memory_space<vmem>>
      %dma_wait3A_133 = arith.constant 0 : i32
      %dma_wait3A_134 = tpu.memref_slice %arg8[%run_scoped3A_116, %dma_wait3A_133] : memref<40x125xi32, #tpu.memory_space<vmem>> -> memref<1x125xi32, #tpu.memory_space<vmem>>
      %dma_wait3A_135 = tpu.memref_squeeze %dma_wait3A_134 : memref<1x125xi32, #tpu.memory_space<vmem>> -> memref<125xi32, #tpu.memory_space<vmem>>
      %dma_wait3A_136 = arith.constant 0 : i32
      %dma_wait3A_137 = arith.constant 0 : i32
      %dma_wait3A_138 = tpu.memref_slice %arg10[%dma_wait3A_136, %dma_wait3A_137] : memref<10240x128xf32, #tpu.memory_space<vmem_shared>> -> memref<10240x128xf32, #tpu.memory_space<vmem_shared>>
      tpu.wait_indirect_dma semaphore(%run_scoped3A_118 : memref<!tpu.dma_semaphore, #tpu.memory_space<semaphore_mem>>) src(%dma_wait3A_132 : memref<125x128xf32, #tpu.memory_space<vmem>>) dst(%dma_wait3A_138 : memref<10240x128xf32, #tpu.memory_space<vmem_shared>>)
      tpu.yield
    }) : () -> ()
    %barrier3A_117 = arith.constant 0 : index
    tpu.barrier barrier_id(%barrier3A_117)
    "tpu.region"() ({
      %run_scoped3A_118 = tpu.sem_alloc : memref<!tpu.dma_semaphore, #tpu.memory_space<semaphore_mem>>
      %dma_start3A_119 = arith.constant 0 : i32
      %dma_start3A_120 = tpu.memref_slice %arg6[%arg0, %mul3A_2, %dma_start3A_119] : memref<2x10240x128xf32, #tpu.memory_space<hbm>> -> memref<1x640x128xf32, #tpu.memory_space<hbm>>
      %dma_start3A_121 = tpu.memref_squeeze %dma_start3A_120 : memref<1x640x128xf32, #tpu.memory_space<hbm>> -> memref<640x128xf32, #tpu.memory_space<hbm>>
      %dma_start3A_122 = arith.constant 0 : i32
      %dma_start3A_123 = tpu.memref_slice %arg10[%mul3A_2, %dma_start3A_122] : memref<10240x128xf32, #tpu.memory_space<vmem_shared>> -> memref<640x128xf32, #tpu.memory_space<vmem_shared>>
      tpu.enqueue_dma source(%dma_start3A_123 : memref<640x128xf32, #tpu.memory_space<vmem_shared>>) target(%dma_start3A_121 : memref<640x128xf32, #tpu.memory_space<hbm>>) target_semaphore(%run_scoped3A_118 : memref<!tpu.dma_semaphore, #tpu.memory_space<semaphore_mem>>)
      %dma_wait3A_124 = arith.constant 0 : i32
      %dma_wait3A_125 = tpu.memref_slice %arg6[%arg0, %mul3A_2, %dma_wait3A_124] : memref<2x10240x128xf32, #tpu.memory_space<hbm>> -> memref<1x640x128xf32, #tpu.memory_space<hbm>>
      %dma_wait3A_126 = tpu.memref_squeeze %dma_wait3A_125 : memref<1x640x128xf32, #tpu.memory_space<hbm>> -> memref<640x128xf32, #tpu.memory_space<hbm>>
      %dma_wait3A_127 = arith.constant 0 : i32
      %dma_wait3A_128 = tpu.memref_slice %arg10[%mul3A_2, %dma_wait3A_127] : memref<10240x128xf32, #tpu.memory_space<vmem_shared>> -> memref<640x128xf32, #tpu.memory_space<vmem_shared>>
      tpu.wait_dma2 semaphore(%run_scoped3A_118 : memref<!tpu.dma_semaphore, #tpu.memory_space<semaphore_mem>>) src(%dma_wait3A_128 : memref<640x128xf32, #tpu.memory_space<vmem_shared>>) dst(%dma_wait3A_126 : memref<640x128xf32, #tpu.memory_space<hbm>>)
      tpu.yield
    }) : () -> ()
    return
  }
}

#map = affine_map<(d0, d1) -> (0, 0)>
#map1 = affine_map<(d0, d1) -> (0, 0, 0, 0)>
#map2 = affine_map<(d0, d1) -> (0, 0, 0)>
module attributes {stable_mosaic.version = 14 : i64} {
  func.func @_sc_aggregate(%arg0: i32, %arg1: i32, %arg2: memref<10240x128xf32, #tpu.memory_space<hbm>>, %arg3: memref<32x2x40x125xi32, #tpu.memory_space<hbm>>, %arg4: memref<32x2x40x125xi32, #tpu.memory_space<hbm>>, %arg5: memref<10240x128xf32, #tpu.memory_space<hbm>>, %arg6: memref<2x10240x128xf32, #tpu.memory_space<hbm>>, %arg7: memref<40x125xi32, #tpu.memory_space<vmem>>, %arg8: memref<40x125xi32, #tpu.memory_space<vmem>>, %arg9: memref<2x125x128xf32, #tpu.memory_space<vmem>>, %arg10: memref<10240x128xf32, #tpu.memory_space<vmem_shared>>, %arg11: memref<!tpu.dma_semaphore, #tpu.memory_space<semaphore_mem>>, %arg12: memref<!tpu.dma_semaphore, #tpu.memory_space<semaphore_mem>>) attributes {dimension_semantics = [#tpu.dimension_semantics<core_parallel>, #tpu.dimension_semantics<subcore_parallel>], iteration_bounds = array<i64: 2, 16>, scalar_prefetch = 0 : i64, scratch_operands = 6 : i64, tpu.core_type = #tpu.core_type<sc_vector_subcore>, window_params = [{transform_indices = #map}, {transform_indices = #map1}, {transform_indices = #map1}, {transform_indices = #map}, {transform_indices = #map2}]} {
    %mul3A = arith.constant 16 : i32
    %mul3A_0 = arith.muli %arg0, %mul3A : i32
    %add3A = arith.addi %mul3A_0, %arg1 : i32
    %mul3A_1 = arith.constant 640 : i32
    %mul3A_2 = arith.muli %arg1, %mul3A_1 : i32
    "tpu.region"() ({
      %run_scoped3A_118 = tpu.sem_alloc : memref<!tpu.dma_semaphore, #tpu.memory_space<semaphore_mem>>
      %dma_start3A_119 = arith.constant 0 : i32
      %dma_start3A_120 = tpu.memref_slice %arg10[%mul3A_2, %dma_start3A_119] : memref<10240x128xf32, #tpu.memory_space<vmem_shared>> -> memref<640x128xf32, #tpu.memory_space<vmem_shared>>
      %dma_start3A_121 = arith.constant 0 : i32
      %dma_start3A_122 = tpu.memref_slice %arg5[%mul3A_2, %dma_start3A_121] : memref<10240x128xf32, #tpu.memory_space<hbm>> -> memref<640x128xf32, #tpu.memory_space<hbm>>
      tpu.enqueue_dma source(%dma_start3A_122 : memref<640x128xf32, #tpu.memory_space<hbm>>) target(%dma_start3A_120 : memref<640x128xf32, #tpu.memory_space<vmem_shared>>) target_semaphore(%run_scoped3A_118 : memref<!tpu.dma_semaphore, #tpu.memory_space<semaphore_mem>>)
      %dma_wait3A_123 = arith.constant 0 : i32
      %dma_wait3A_124 = tpu.memref_slice %arg10[%mul3A_2, %dma_wait3A_123] : memref<10240x128xf32, #tpu.memory_space<vmem_shared>> -> memref<640x128xf32, #tpu.memory_space<vmem_shared>>
      %dma_wait3A_125 = arith.constant 0 : i32
      %dma_wait3A_126 = tpu.memref_slice %arg5[%mul3A_2, %dma_wait3A_125] : memref<10240x128xf32, #tpu.memory_space<hbm>> -> memref<640x128xf32, #tpu.memory_space<hbm>>
      tpu.wait_dma2 semaphore(%run_scoped3A_118 : memref<!tpu.dma_semaphore, #tpu.memory_space<semaphore_mem>>) src(%dma_wait3A_126 : memref<640x128xf32, #tpu.memory_space<hbm>>) dst(%dma_wait3A_124 : memref<640x128xf32, #tpu.memory_space<vmem_shared>>)
      tpu.yield
    }) : () -> ()
    %barrier3A = arith.constant 0 : index
    tpu.barrier barrier_id(%barrier3A)
    %run_scoped3A = arith.constant 0 : i32
    "tpu.region"() ({
      %run_scoped3A_118 = tpu.sem_alloc : memref<!tpu.dma_semaphore, #tpu.memory_space<semaphore_mem>>
      %dma_start3A_119 = arith.constant 0 : i32
      %dma_start3A_120 = arith.constant 0 : i32
      %dma_start3A_121 = tpu.memref_slice %arg3[%add3A, %run_scoped3A, %dma_start3A_119, %dma_start3A_120] : memref<32x2x40x125xi32, #tpu.memory_space<hbm>> -> memref<1x1x40x125xi32, #tpu.memory_space<hbm>>
      %dma_start3A_122 = tpu.memref_squeeze %dma_start3A_121 : memref<1x1x40x125xi32, #tpu.memory_space<hbm>> -> memref<40x125xi32, #tpu.memory_space<hbm>>
      %dma_start3A_123 = arith.constant 0 : i32
      %dma_start3A_124 = arith.constant 0 : i32
      %dma_start3A_125 = tpu.memref_slice %arg3[%add3A, %run_scoped3A, %dma_start3A_123, %dma_start3A_124] : memref<32x2x40x125xi32, #tpu.memory_space<hbm>> -> memref<1x1x40x125xi32, #tpu.memory_space<hbm>>
      %dma_start3A_126 = tpu.memref_squeeze %dma_start3A_125 : memref<1x1x40x125xi32, #tpu.memory_space<hbm>> -> memref<40x125xi32, #tpu.memory_space<hbm>>
      tpu.enqueue_dma source(%dma_start3A_126 : memref<40x125xi32, #tpu.memory_space<hbm>>) target(%arg7 : memref<40x125xi32, #tpu.memory_space<vmem>>) target_semaphore(%run_scoped3A_118 : memref<!tpu.dma_semaphore, #tpu.memory_space<semaphore_mem>>)
      %dma_wait3A_127 = arith.constant 0 : i32
      %dma_wait3A_128 = arith.constant 0 : i32
      %dma_wait3A_129 = tpu.memref_slice %arg3[%add3A, %run_scoped3A, %dma_wait3A_127, %dma_wait3A_128] : memref<32x2x40x125xi32, #tpu.memory_space<hbm>> -> memref<1x1x40x125xi32, #tpu.memory_space<hbm>>
      %dma_wait3A_130 = tpu.memref_squeeze %dma_wait3A_129 : memref<1x1x40x125xi32, #tpu.memory_space<hbm>> -> memref<40x125xi32, #tpu.memory_space<hbm>>
      %dma_wait3A_131 = arith.constant 0 : i32
      %dma_wait3A_132 = arith.constant 0 : i32
      %dma_wait3A_133 = tpu.memref_slice %arg3[%add3A, %run_scoped3A, %dma_wait3A_131, %dma_wait3A_132] : memref<32x2x40x125xi32, #tpu.memory_space<hbm>> -> memref<1x1x40x125xi32, #tpu.memory_space<hbm>>
      %dma_wait3A_134 = tpu.memref_squeeze %dma_wait3A_133 : memref<1x1x40x125xi32, #tpu.memory_space<hbm>> -> memref<40x125xi32, #tpu.memory_space<hbm>>
      tpu.wait_dma2 semaphore(%run_scoped3A_118 : memref<!tpu.dma_semaphore, #tpu.memory_space<semaphore_mem>>) src(%dma_wait3A_134 : memref<40x125xi32, #tpu.memory_space<hbm>>) dst(%arg7 : memref<40x125xi32, #tpu.memory_space<vmem>>)
      tpu.yield
    }) : () -> ()
    %run_scoped3A_3 = arith.constant 0 : i32
    "tpu.region"() ({
      %run_scoped3A_118 = tpu.sem_alloc : memref<!tpu.dma_semaphore, #tpu.memory_space<semaphore_mem>>
      %dma_start3A_119 = arith.constant 0 : i32
      %dma_start3A_120 = arith.constant 0 : i32
      %dma_start3A_121 = tpu.memref_slice %arg4[%add3A, %run_scoped3A_3, %dma_start3A_119, %dma_start3A_120] : memref<32x2x40x125xi32, #tpu.memory_space<hbm>> -> memref<1x1x40x125xi32, #tpu.memory_space<hbm>>
      %dma_start3A_122 = tpu.memref_squeeze %dma_start3A_121 : memref<1x1x40x125xi32, #tpu.memory_space<hbm>> -> memref<40x125xi32, #tpu.memory_space<hbm>>
      %dma_start3A_123 = arith.constant 0 : i32
      %dma_start3A_124 = arith.constant 0 : i32
      %dma_start3A_125 = tpu.memref_slice %arg4[%add3A, %run_scoped3A_3, %dma_start3A_123, %dma_start3A_124] : memref<32x2x40x125xi32, #tpu.memory_space<hbm>> -> memref<1x1x40x125xi32, #tpu.memory_space<hbm>>
      %dma_start3A_126 = tpu.memref_squeeze %dma_start3A_125 : memref<1x1x40x125xi32, #tpu.memory_space<hbm>> -> memref<40x125xi32, #tpu.memory_space<hbm>>
      tpu.enqueue_dma source(%dma_start3A_126 : memref<40x125xi32, #tpu.memory_space<hbm>>) target(%arg8 : memref<40x125xi32, #tpu.memory_space<vmem>>) target_semaphore(%run_scoped3A_118 : memref<!tpu.dma_semaphore, #tpu.memory_space<semaphore_mem>>)
      %dma_wait3A_127 = arith.constant 0 : i32
      %dma_wait3A_128 = arith.constant 0 : i32
      %dma_wait3A_129 = tpu.memref_slice %arg4[%add3A, %run_scoped3A_3, %dma_wait3A_127, %dma_wait3A_128] : memref<32x2x40x125xi32, #tpu.memory_space<hbm>> -> memref<1x1x40x125xi32, #tpu.memory_space<hbm>>
      %dma_wait3A_130 = tpu.memref_squeeze %dma_wait3A_129 : memref<1x1x40x125xi32, #tpu.memory_space<hbm>> -> memref<40x125xi32, #tpu.memory_space<hbm>>
      %dma_wait3A_131 = arith.constant 0 : i32
      %dma_wait3A_132 = arith.constant 0 : i32
      %dma_wait3A_133 = tpu.memref_slice %arg4[%add3A, %run_scoped3A_3, %dma_wait3A_131, %dma_wait3A_132] : memref<32x2x40x125xi32, #tpu.memory_space<hbm>> -> memref<1x1x40x125xi32, #tpu.memory_space<hbm>>
      %dma_wait3A_134 = tpu.memref_squeeze %dma_wait3A_133 : memref<1x1x40x125xi32, #tpu.memory_space<hbm>> -> memref<40x125xi32, #tpu.memory_space<hbm>>
      tpu.wait_dma2 semaphore(%run_scoped3A_118 : memref<!tpu.dma_semaphore, #tpu.memory_space<semaphore_mem>>) src(%dma_wait3A_134 : memref<40x125xi32, #tpu.memory_space<hbm>>) dst(%arg8 : memref<40x125xi32, #tpu.memory_space<vmem>>)
      tpu.yield
    }) : () -> ()
    %dma_start3A = arith.constant 0 : i32
    %dma_start3A_4 = arith.constant 0 : i32
    %dma_start3A_5 = arith.constant 0 : i32
    %dma_start3A_6 = arith.constant 0 : i32
    %dma_start3A_7 = tpu.memref_slice %arg9[%dma_start3A_4, %dma_start3A_5, %dma_start3A_6] : memref<2x125x128xf32, #tpu.memory_space<vmem>> -> memref<1x125x128xf32, #tpu.memory_space<vmem>>
    %dma_start3A_8 = tpu.memref_squeeze %dma_start3A_7 : memref<1x125x128xf32, #tpu.memory_space<vmem>> -> memref<125x128xf32, #tpu.memory_space<vmem>>
    %dma_start3A_9 = arith.constant 0 : i32
    %dma_start3A_10 = tpu.memref_slice %arg7[%dma_start3A, %dma_start3A_9] : memref<40x125xi32, #tpu.memory_space<vmem>> -> memref<1x125xi32, #tpu.memory_space<vmem>>
    %dma_start3A_11 = tpu.memref_squeeze %dma_start3A_10 : memref<1x125xi32, #tpu.memory_space<vmem>> -> memref<125xi32, #tpu.memory_space<vmem>>
    %dma_start3A_12 = arith.constant 0 : i32
    %dma_start3A_13 = arith.constant 0 : i32
    %dma_start3A_14 = tpu.memref_slice %arg2[%dma_start3A_12, %dma_start3A_13] : memref<10240x128xf32, #tpu.memory_space<hbm>> -> memref<10240x128xf32, #tpu.memory_space<hbm>>
    tpu.enqueue_indirect_dma source(%dma_start3A_14 : memref<10240x128xf32, #tpu.memory_space<hbm>>) target(%dma_start3A_8 : memref<125x128xf32, #tpu.memory_space<vmem>>) offsets(%dma_start3A_11 : memref<125xi32, #tpu.memory_space<vmem>>) semaphore(%arg11 : memref<!tpu.dma_semaphore, #tpu.memory_space<semaphore_mem>>)
    %dma_start3A_15 = arith.constant 1 : i32
    %dma_start3A_16 = arith.constant 1 : i32
    %dma_start3A_17 = arith.constant 0 : i32
    %dma_start3A_18 = arith.constant 0 : i32
    %dma_start3A_19 = tpu.memref_slice %arg9[%dma_start3A_16, %dma_start3A_17, %dma_start3A_18] : memref<2x125x128xf32, #tpu.memory_space<vmem>> -> memref<1x125x128xf32, #tpu.memory_space<vmem>>
    %dma_start3A_20 = tpu.memref_squeeze %dma_start3A_19 : memref<1x125x128xf32, #tpu.memory_space<vmem>> -> memref<125x128xf32, #tpu.memory_space<vmem>>
    %dma_start3A_21 = arith.constant 0 : i32
    %dma_start3A_22 = tpu.memref_slice %arg7[%dma_start3A_15, %dma_start3A_21] : memref<40x125xi32, #tpu.memory_space<vmem>> -> memref<1x125xi32, #tpu.memory_space<vmem>>
    %dma_start3A_23 = tpu.memref_squeeze %dma_start3A_22 : memref<1x125xi32, #tpu.memory_space<vmem>> -> memref<125xi32, #tpu.memory_space<vmem>>
    %dma_start3A_24 = arith.constant 0 : i32
    %dma_start3A_25 = arith.constant 0 : i32
    %dma_start3A_26 = tpu.memref_slice %arg2[%dma_start3A_24, %dma_start3A_25] : memref<10240x128xf32, #tpu.memory_space<hbm>> -> memref<10240x128xf32, #tpu.memory_space<hbm>>
    tpu.enqueue_indirect_dma source(%dma_start3A_26 : memref<10240x128xf32, #tpu.memory_space<hbm>>) target(%dma_start3A_20 : memref<125x128xf32, #tpu.memory_space<vmem>>) offsets(%dma_start3A_23 : memref<125xi32, #tpu.memory_space<vmem>>) semaphore(%arg12 : memref<!tpu.dma_semaphore, #tpu.memory_space<semaphore_mem>>)
    %scan3A = arith.constant 0 : i32
    %scan3A_27 = arith.constant 19 : i32
    %scan3A_28 = arith.addi %scan3A, %scan3A_27 : i32
    %scan3A_29 = arith.constant 1 : i32
    scf.for %scan3A_118 = %scan3A to %scan3A_28 step %scan3A_29  : i32 {
      %mul3A_119 = arith.constant 2 : i32
      %mul3A_120 = arith.muli %scan3A_118, %mul3A_119 : i32
      %add3A_121 = arith.constant 0 : i32
      %add3A_122 = arith.addi %mul3A_120, %add3A_121 : i32
      %dma_wait3A_123 = arith.constant 0 : i32
      %dma_wait3A_124 = arith.constant 0 : i32
      %dma_wait3A_125 = arith.constant 0 : i32
      %dma_wait3A_126 = tpu.memref_slice %arg9[%dma_wait3A_123, %dma_wait3A_124, %dma_wait3A_125] : memref<2x125x128xf32, #tpu.memory_space<vmem>> -> memref<1x125x128xf32, #tpu.memory_space<vmem>>
      %dma_wait3A_127 = tpu.memref_squeeze %dma_wait3A_126 : memref<1x125x128xf32, #tpu.memory_space<vmem>> -> memref<125x128xf32, #tpu.memory_space<vmem>>
      %dma_wait3A_128 = arith.constant 0 : i32
      %dma_wait3A_129 = tpu.memref_slice %arg7[%add3A_122, %dma_wait3A_128] : memref<40x125xi32, #tpu.memory_space<vmem>> -> memref<1x125xi32, #tpu.memory_space<vmem>>
      %dma_wait3A_130 = tpu.memref_squeeze %dma_wait3A_129 : memref<1x125xi32, #tpu.memory_space<vmem>> -> memref<125xi32, #tpu.memory_space<vmem>>
      %dma_wait3A_131 = arith.constant 0 : i32
      %dma_wait3A_132 = arith.constant 0 : i32
      %dma_wait3A_133 = tpu.memref_slice %arg2[%dma_wait3A_131, %dma_wait3A_132] : memref<10240x128xf32, #tpu.memory_space<hbm>> -> memref<10240x128xf32, #tpu.memory_space<hbm>>
      tpu.wait_indirect_dma semaphore(%arg11 : memref<!tpu.dma_semaphore, #tpu.memory_space<semaphore_mem>>) src(%dma_wait3A_133 : memref<10240x128xf32, #tpu.memory_space<hbm>>) dst(%dma_wait3A_127 : memref<125x128xf32, #tpu.memory_space<vmem>>)
      %run_scoped3A_134 = arith.constant 0 : i32
      "tpu.region"() ({
        %run_scoped3A_177 = tpu.sem_alloc : memref<!tpu.dma_semaphore, #tpu.memory_space<semaphore_mem>>
        %dma_start3A_178 = arith.constant 0 : i32
        %dma_start3A_179 = arith.constant 0 : i32
        %dma_start3A_180 = tpu.memref_slice %arg9[%run_scoped3A_134, %dma_start3A_178, %dma_start3A_179] : memref<2x125x128xf32, #tpu.memory_space<vmem>> -> memref<1x125x128xf32, #tpu.memory_space<vmem>>
        %dma_start3A_181 = tpu.memref_squeeze %dma_start3A_180 : memref<1x125x128xf32, #tpu.memory_space<vmem>> -> memref<125x128xf32, #tpu.memory_space<vmem>>
        %dma_start3A_182 = arith.constant 0 : i32
        %dma_start3A_183 = tpu.memref_slice %arg8[%add3A_122, %dma_start3A_182] : memref<40x125xi32, #tpu.memory_space<vmem>> -> memref<1x125xi32, #tpu.memory_space<vmem>>
        %dma_start3A_184 = tpu.memref_squeeze %dma_start3A_183 : memref<1x125xi32, #tpu.memory_space<vmem>> -> memref<125xi32, #tpu.memory_space<vmem>>
        %dma_start3A_185 = arith.constant 0 : i32
        %dma_start3A_186 = arith.constant 0 : i32
        %dma_start3A_187 = tpu.memref_slice %arg10[%dma_start3A_185, %dma_start3A_186] : memref<10240x128xf32, #tpu.memory_space<vmem_shared>> -> memref<10240x128xf32, #tpu.memory_space<vmem_shared>>
        tpu.enqueue_indirect_dma source(%dma_start3A_181 : memref<125x128xf32, #tpu.memory_space<vmem>>) target(%dma_start3A_187 : memref<10240x128xf32, #tpu.memory_space<vmem_shared>>) offsets(%dma_start3A_184 : memref<125xi32, #tpu.memory_space<vmem>>) semaphore(%run_scoped3A_177 : memref<!tpu.dma_semaphore, #tpu.memory_space<semaphore_mem>>) {add = true}
        %dma_wait3A_188 = arith.constant 0 : i32
        %dma_wait3A_189 = arith.constant 0 : i32
        %dma_wait3A_190 = tpu.memref_slice %arg9[%run_scoped3A_134, %dma_wait3A_188, %dma_wait3A_189] : memref<2x125x128xf32, #tpu.memory_space<vmem>> -> memref<1x125x128xf32, #tpu.memory_space<vmem>>
        %dma_wait3A_191 = tpu.memref_squeeze %dma_wait3A_190 : memref<1x125x128xf32, #tpu.memory_space<vmem>> -> memref<125x128xf32, #tpu.memory_space<vmem>>
        %dma_wait3A_192 = arith.constant 0 : i32
        %dma_wait3A_193 = tpu.memref_slice %arg8[%add3A_122, %dma_wait3A_192] : memref<40x125xi32, #tpu.memory_space<vmem>> -> memref<1x125xi32, #tpu.memory_space<vmem>>
        %dma_wait3A_194 = tpu.memref_squeeze %dma_wait3A_193 : memref<1x125xi32, #tpu.memory_space<vmem>> -> memref<125xi32, #tpu.memory_space<vmem>>
        %dma_wait3A_195 = arith.constant 0 : i32
        %dma_wait3A_196 = arith.constant 0 : i32
        %dma_wait3A_197 = tpu.memref_slice %arg10[%dma_wait3A_195, %dma_wait3A_196] : memref<10240x128xf32, #tpu.memory_space<vmem_shared>> -> memref<10240x128xf32, #tpu.memory_space<vmem_shared>>
        tpu.wait_indirect_dma semaphore(%run_scoped3A_177 : memref<!tpu.dma_semaphore, #tpu.memory_space<semaphore_mem>>) src(%dma_wait3A_191 : memref<125x128xf32, #tpu.memory_space<vmem>>) dst(%dma_wait3A_197 : memref<10240x128xf32, #tpu.memory_space<vmem_shared>>)
        tpu.yield
      }) : () -> ()
      %add3A_135 = arith.constant 2 : i32
      %add3A_136 = arith.addi %add3A_122, %add3A_135 : i32
      %dma_start3A_137 = arith.constant 0 : i32
      %dma_start3A_138 = arith.constant 0 : i32
      %dma_start3A_139 = arith.constant 0 : i32
      %dma_start3A_140 = tpu.memref_slice %arg9[%dma_start3A_137, %dma_start3A_138, %dma_start3A_139] : memref<2x125x128xf32, #tpu.memory_space<vmem>> -> memref<1x125x128xf32, #tpu.memory_space<vmem>>
      %dma_start3A_141 = tpu.memref_squeeze %dma_start3A_140 : memref<1x125x128xf32, #tpu.memory_space<vmem>> -> memref<125x128xf32, #tpu.memory_space<vmem>>
      %dma_start3A_142 = arith.constant 0 : i32
      %dma_start3A_143 = tpu.memref_slice %arg7[%add3A_136, %dma_start3A_142] : memref<40x125xi32, #tpu.memory_space<vmem>> -> memref<1x125xi32, #tpu.memory_space<vmem>>
      %dma_start3A_144 = tpu.memref_squeeze %dma_start3A_143 : memref<1x125xi32, #tpu.memory_space<vmem>> -> memref<125xi32, #tpu.memory_space<vmem>>
      %dma_start3A_145 = arith.constant 0 : i32
      %dma_start3A_146 = arith.constant 0 : i32
      %dma_start3A_147 = tpu.memref_slice %arg2[%dma_start3A_145, %dma_start3A_146] : memref<10240x128xf32, #tpu.memory_space<hbm>> -> memref<10240x128xf32, #tpu.memory_space<hbm>>
      tpu.enqueue_indirect_dma source(%dma_start3A_147 : memref<10240x128xf32, #tpu.memory_space<hbm>>) target(%dma_start3A_141 : memref<125x128xf32, #tpu.memory_space<vmem>>) offsets(%dma_start3A_144 : memref<125xi32, #tpu.memory_space<vmem>>) semaphore(%arg11 : memref<!tpu.dma_semaphore, #tpu.memory_space<semaphore_mem>>)
      %mul3A_148 = arith.constant 2 : i32
      %mul3A_149 = arith.muli %scan3A_118, %mul3A_148 : i32
      %add3A_150 = arith.constant 1 : i32
      %add3A_151 = arith.addi %mul3A_149, %add3A_150 : i32
      %dma_wait3A_152 = arith.constant 1 : i32
      %dma_wait3A_153 = arith.constant 0 : i32
      %dma_wait3A_154 = arith.constant 0 : i32
      %dma_wait3A_155 = tpu.memref_slice %arg9[%dma_wait3A_152, %dma_wait3A_153, %dma_wait3A_154] : memref<2x125x128xf32, #tpu.memory_space<vmem>> -> memref<1x125x128xf32, #tpu.memory_space<vmem>>
      %dma_wait3A_156 = tpu.memref_squeeze %dma_wait3A_155 : memref<1x125x128xf32, #tpu.memory_space<vmem>> -> memref<125x128xf32, #tpu.memory_space<vmem>>
      %dma_wait3A_157 = arith.constant 0 : i32
      %dma_wait3A_158 = tpu.memref_slice %arg7[%add3A_151, %dma_wait3A_157] : memref<40x125xi32, #tpu.memory_space<vmem>> -> memref<1x125xi32, #tpu.memory_space<vmem>>
      %dma_wait3A_159 = tpu.memref_squeeze %dma_wait3A_158 : memref<1x125xi32, #tpu.memory_space<vmem>> -> memref<125xi32, #tpu.memory_space<vmem>>
      %dma_wait3A_160 = arith.constant 0 : i32
      %dma_wait3A_161 = arith.constant 0 : i32
      %dma_wait3A_162 = tpu.memref_slice %arg2[%dma_wait3A_160, %dma_wait3A_161] : memref<10240x128xf32, #tpu.memory_space<hbm>> -> memref<10240x128xf32, #tpu.memory_space<hbm>>
      tpu.wait_indirect_dma semaphore(%arg12 : memref<!tpu.dma_semaphore, #tpu.memory_space<semaphore_mem>>) src(%dma_wait3A_162 : memref<10240x128xf32, #tpu.memory_space<hbm>>) dst(%dma_wait3A_156 : memref<125x128xf32, #tpu.memory_space<vmem>>)
      %run_scoped3A_163 = arith.constant 1 : i32
      "tpu.region"() ({
        %run_scoped3A_177 = tpu.sem_alloc : memref<!tpu.dma_semaphore, #tpu.memory_space<semaphore_mem>>
        %dma_start3A_178 = arith.constant 0 : i32
        %dma_start3A_179 = arith.constant 0 : i32
        %dma_start3A_180 = tpu.memref_slice %arg9[%run_scoped3A_163, %dma_start3A_178, %dma_start3A_179] : memref<2x125x128xf32, #tpu.memory_space<vmem>> -> memref<1x125x128xf32, #tpu.memory_space<vmem>>
        %dma_start3A_181 = tpu.memref_squeeze %dma_start3A_180 : memref<1x125x128xf32, #tpu.memory_space<vmem>> -> memref<125x128xf32, #tpu.memory_space<vmem>>
        %dma_start3A_182 = arith.constant 0 : i32
        %dma_start3A_183 = tpu.memref_slice %arg8[%add3A_151, %dma_start3A_182] : memref<40x125xi32, #tpu.memory_space<vmem>> -> memref<1x125xi32, #tpu.memory_space<vmem>>
        %dma_start3A_184 = tpu.memref_squeeze %dma_start3A_183 : memref<1x125xi32, #tpu.memory_space<vmem>> -> memref<125xi32, #tpu.memory_space<vmem>>
        %dma_start3A_185 = arith.constant 0 : i32
        %dma_start3A_186 = arith.constant 0 : i32
        %dma_start3A_187 = tpu.memref_slice %arg10[%dma_start3A_185, %dma_start3A_186] : memref<10240x128xf32, #tpu.memory_space<vmem_shared>> -> memref<10240x128xf32, #tpu.memory_space<vmem_shared>>
        tpu.enqueue_indirect_dma source(%dma_start3A_181 : memref<125x128xf32, #tpu.memory_space<vmem>>) target(%dma_start3A_187 : memref<10240x128xf32, #tpu.memory_space<vmem_shared>>) offsets(%dma_start3A_184 : memref<125xi32, #tpu.memory_space<vmem>>) semaphore(%run_scoped3A_177 : memref<!tpu.dma_semaphore, #tpu.memory_space<semaphore_mem>>) {add = true}
        %dma_wait3A_188 = arith.constant 0 : i32
        %dma_wait3A_189 = arith.constant 0 : i32
        %dma_wait3A_190 = tpu.memref_slice %arg9[%run_scoped3A_163, %dma_wait3A_188, %dma_wait3A_189] : memref<2x125x128xf32, #tpu.memory_space<vmem>> -> memref<1x125x128xf32, #tpu.memory_space<vmem>>
        %dma_wait3A_191 = tpu.memref_squeeze %dma_wait3A_190 : memref<1x125x128xf32, #tpu.memory_space<vmem>> -> memref<125x128xf32, #tpu.memory_space<vmem>>
        %dma_wait3A_192 = arith.constant 0 : i32
        %dma_wait3A_193 = tpu.memref_slice %arg8[%add3A_151, %dma_wait3A_192] : memref<40x125xi32, #tpu.memory_space<vmem>> -> memref<1x125xi32, #tpu.memory_space<vmem>>
        %dma_wait3A_194 = tpu.memref_squeeze %dma_wait3A_193 : memref<1x125xi32, #tpu.memory_space<vmem>> -> memref<125xi32, #tpu.memory_space<vmem>>
        %dma_wait3A_195 = arith.constant 0 : i32
        %dma_wait3A_196 = arith.constant 0 : i32
        %dma_wait3A_197 = tpu.memref_slice %arg10[%dma_wait3A_195, %dma_wait3A_196] : memref<10240x128xf32, #tpu.memory_space<vmem_shared>> -> memref<10240x128xf32, #tpu.memory_space<vmem_shared>>
        tpu.wait_indirect_dma semaphore(%run_scoped3A_177 : memref<!tpu.dma_semaphore, #tpu.memory_space<semaphore_mem>>) src(%dma_wait3A_191 : memref<125x128xf32, #tpu.memory_space<vmem>>) dst(%dma_wait3A_197 : memref<10240x128xf32, #tpu.memory_space<vmem_shared>>)
        tpu.yield
      }) : () -> ()
      %add3A_164 = arith.constant 2 : i32
      %add3A_165 = arith.addi %add3A_151, %add3A_164 : i32
      %dma_start3A_166 = arith.constant 1 : i32
      %dma_start3A_167 = arith.constant 0 : i32
      %dma_start3A_168 = arith.constant 0 : i32
      %dma_start3A_169 = tpu.memref_slice %arg9[%dma_start3A_166, %dma_start3A_167, %dma_start3A_168] : memref<2x125x128xf32, #tpu.memory_space<vmem>> -> memref<1x125x128xf32, #tpu.memory_space<vmem>>
      %dma_start3A_170 = tpu.memref_squeeze %dma_start3A_169 : memref<1x125x128xf32, #tpu.memory_space<vmem>> -> memref<125x128xf32, #tpu.memory_space<vmem>>
      %dma_start3A_171 = arith.constant 0 : i32
      %dma_start3A_172 = tpu.memref_slice %arg7[%add3A_165, %dma_start3A_171] : memref<40x125xi32, #tpu.memory_space<vmem>> -> memref<1x125xi32, #tpu.memory_space<vmem>>
      %dma_start3A_173 = tpu.memref_squeeze %dma_start3A_172 : memref<1x125xi32, #tpu.memory_space<vmem>> -> memref<125xi32, #tpu.memory_space<vmem>>
      %dma_start3A_174 = arith.constant 0 : i32
      %dma_start3A_175 = arith.constant 0 : i32
      %dma_start3A_176 = tpu.memref_slice %arg2[%dma_start3A_174, %dma_start3A_175] : memref<10240x128xf32, #tpu.memory_space<hbm>> -> memref<10240x128xf32, #tpu.memory_space<hbm>>
      tpu.enqueue_indirect_dma source(%dma_start3A_176 : memref<10240x128xf32, #tpu.memory_space<hbm>>) target(%dma_start3A_170 : memref<125x128xf32, #tpu.memory_space<vmem>>) offsets(%dma_start3A_173 : memref<125xi32, #tpu.memory_space<vmem>>) semaphore(%arg12 : memref<!tpu.dma_semaphore, #tpu.memory_space<semaphore_mem>>)
    }
    %scan3A_30 = arith.constant 19 : i32
    %dma_wait3A = arith.constant 38 : i32
    %dma_wait3A_31 = arith.constant 0 : i32
    %dma_wait3A_32 = arith.constant 0 : i32
    %dma_wait3A_33 = arith.constant 0 : i32
    %dma_wait3A_34 = tpu.memref_slice %arg9[%dma_wait3A_31, %dma_wait3A_32, %dma_wait3A_33] : memref<2x125x128xf32, #tpu.memory_space<vmem>> -> memref<1x125x128xf32, #tpu.memory_space<vmem>>
    %dma_wait3A_35 = tpu.memref_squeeze %dma_wait3A_34 : memref<1x125x128xf32, #tpu.memory_space<vmem>> -> memref<125x128xf32, #tpu.memory_space<vmem>>
    %dma_wait3A_36 = arith.constant 0 : i32
    %dma_wait3A_37 = tpu.memref_slice %arg7[%dma_wait3A, %dma_wait3A_36] : memref<40x125xi32, #tpu.memory_space<vmem>> -> memref<1x125xi32, #tpu.memory_space<vmem>>
    %dma_wait3A_38 = tpu.memref_squeeze %dma_wait3A_37 : memref<1x125xi32, #tpu.memory_space<vmem>> -> memref<125xi32, #tpu.memory_space<vmem>>
    %dma_wait3A_39 = arith.constant 0 : i32
    %dma_wait3A_40 = arith.constant 0 : i32
    %dma_wait3A_41 = tpu.memref_slice %arg2[%dma_wait3A_39, %dma_wait3A_40] : memref<10240x128xf32, #tpu.memory_space<hbm>> -> memref<10240x128xf32, #tpu.memory_space<hbm>>
    tpu.wait_indirect_dma semaphore(%arg11 : memref<!tpu.dma_semaphore, #tpu.memory_space<semaphore_mem>>) src(%dma_wait3A_41 : memref<10240x128xf32, #tpu.memory_space<hbm>>) dst(%dma_wait3A_35 : memref<125x128xf32, #tpu.memory_space<vmem>>)
    %run_scoped3A_42 = arith.constant 0 : i32
    %run_scoped3A_43 = arith.constant 38 : i32
    "tpu.region"() ({
      %run_scoped3A_118 = tpu.sem_alloc : memref<!tpu.dma_semaphore, #tpu.memory_space<semaphore_mem>>
      %dma_start3A_119 = arith.constant 0 : i32
      %dma_start3A_120 = arith.constant 0 : i32
      %dma_start3A_121 = tpu.memref_slice %arg9[%run_scoped3A_42, %dma_start3A_119, %dma_start3A_120] : memref<2x125x128xf32, #tpu.memory_space<vmem>> -> memref<1x125x128xf32, #tpu.memory_space<vmem>>
      %dma_start3A_122 = tpu.memref_squeeze %dma_start3A_121 : memref<1x125x128xf32, #tpu.memory_space<vmem>> -> memref<125x128xf32, #tpu.memory_space<vmem>>
      %dma_start3A_123 = arith.constant 0 : i32
      %dma_start3A_124 = tpu.memref_slice %arg8[%run_scoped3A_43, %dma_start3A_123] : memref<40x125xi32, #tpu.memory_space<vmem>> -> memref<1x125xi32, #tpu.memory_space<vmem>>
      %dma_start3A_125 = tpu.memref_squeeze %dma_start3A_124 : memref<1x125xi32, #tpu.memory_space<vmem>> -> memref<125xi32, #tpu.memory_space<vmem>>
      %dma_start3A_126 = arith.constant 0 : i32
      %dma_start3A_127 = arith.constant 0 : i32
      %dma_start3A_128 = tpu.memref_slice %arg10[%dma_start3A_126, %dma_start3A_127] : memref<10240x128xf32, #tpu.memory_space<vmem_shared>> -> memref<10240x128xf32, #tpu.memory_space<vmem_shared>>
      tpu.enqueue_indirect_dma source(%dma_start3A_122 : memref<125x128xf32, #tpu.memory_space<vmem>>) target(%dma_start3A_128 : memref<10240x128xf32, #tpu.memory_space<vmem_shared>>) offsets(%dma_start3A_125 : memref<125xi32, #tpu.memory_space<vmem>>) semaphore(%run_scoped3A_118 : memref<!tpu.dma_semaphore, #tpu.memory_space<semaphore_mem>>) {add = true}
      %dma_wait3A_129 = arith.constant 0 : i32
      %dma_wait3A_130 = arith.constant 0 : i32
      %dma_wait3A_131 = tpu.memref_slice %arg9[%run_scoped3A_42, %dma_wait3A_129, %dma_wait3A_130] : memref<2x125x128xf32, #tpu.memory_space<vmem>> -> memref<1x125x128xf32, #tpu.memory_space<vmem>>
      %dma_wait3A_132 = tpu.memref_squeeze %dma_wait3A_131 : memref<1x125x128xf32, #tpu.memory_space<vmem>> -> memref<125x128xf32, #tpu.memory_space<vmem>>
      %dma_wait3A_133 = arith.constant 0 : i32
      %dma_wait3A_134 = tpu.memref_slice %arg8[%run_scoped3A_43, %dma_wait3A_133] : memref<40x125xi32, #tpu.memory_space<vmem>> -> memref<1x125xi32, #tpu.memory_space<vmem>>
      %dma_wait3A_135 = tpu.memref_squeeze %dma_wait3A_134 : memref<1x125xi32, #tpu.memory_space<vmem>> -> memref<125xi32, #tpu.memory_space<vmem>>
      %dma_wait3A_136 = arith.constant 0 : i32
      %dma_wait3A_137 = arith.constant 0 : i32
      %dma_wait3A_138 = tpu.memref_slice %arg10[%dma_wait3A_136, %dma_wait3A_137] : memref<10240x128xf32, #tpu.memory_space<vmem_shared>> -> memref<10240x128xf32, #tpu.memory_space<vmem_shared>>
      tpu.wait_indirect_dma semaphore(%run_scoped3A_118 : memref<!tpu.dma_semaphore, #tpu.memory_space<semaphore_mem>>) src(%dma_wait3A_132 : memref<125x128xf32, #tpu.memory_space<vmem>>) dst(%dma_wait3A_138 : memref<10240x128xf32, #tpu.memory_space<vmem_shared>>)
      tpu.yield
    }) : () -> ()
    %dma_wait3A_44 = arith.constant 39 : i32
    %dma_wait3A_45 = arith.constant 1 : i32
    %dma_wait3A_46 = arith.constant 0 : i32
    %dma_wait3A_47 = arith.constant 0 : i32
    %dma_wait3A_48 = tpu.memref_slice %arg9[%dma_wait3A_45, %dma_wait3A_46, %dma_wait3A_47] : memref<2x125x128xf32, #tpu.memory_space<vmem>> -> memref<1x125x128xf32, #tpu.memory_space<vmem>>
    %dma_wait3A_49 = tpu.memref_squeeze %dma_wait3A_48 : memref<1x125x128xf32, #tpu.memory_space<vmem>> -> memref<125x128xf32, #tpu.memory_space<vmem>>
    %dma_wait3A_50 = arith.constant 0 : i32
    %dma_wait3A_51 = tpu.memref_slice %arg7[%dma_wait3A_44, %dma_wait3A_50] : memref<40x125xi32, #tpu.memory_space<vmem>> -> memref<1x125xi32, #tpu.memory_space<vmem>>
    %dma_wait3A_52 = tpu.memref_squeeze %dma_wait3A_51 : memref<1x125xi32, #tpu.memory_space<vmem>> -> memref<125xi32, #tpu.memory_space<vmem>>
    %dma_wait3A_53 = arith.constant 0 : i32
    %dma_wait3A_54 = arith.constant 0 : i32
    %dma_wait3A_55 = tpu.memref_slice %arg2[%dma_wait3A_53, %dma_wait3A_54] : memref<10240x128xf32, #tpu.memory_space<hbm>> -> memref<10240x128xf32, #tpu.memory_space<hbm>>
    tpu.wait_indirect_dma semaphore(%arg12 : memref<!tpu.dma_semaphore, #tpu.memory_space<semaphore_mem>>) src(%dma_wait3A_55 : memref<10240x128xf32, #tpu.memory_space<hbm>>) dst(%dma_wait3A_49 : memref<125x128xf32, #tpu.memory_space<vmem>>)
    %run_scoped3A_56 = arith.constant 1 : i32
    %run_scoped3A_57 = arith.constant 39 : i32
    "tpu.region"() ({
      %run_scoped3A_118 = tpu.sem_alloc : memref<!tpu.dma_semaphore, #tpu.memory_space<semaphore_mem>>
      %dma_start3A_119 = arith.constant 0 : i32
      %dma_start3A_120 = arith.constant 0 : i32
      %dma_start3A_121 = tpu.memref_slice %arg9[%run_scoped3A_56, %dma_start3A_119, %dma_start3A_120] : memref<2x125x128xf32, #tpu.memory_space<vmem>> -> memref<1x125x128xf32, #tpu.memory_space<vmem>>
      %dma_start3A_122 = tpu.memref_squeeze %dma_start3A_121 : memref<1x125x128xf32, #tpu.memory_space<vmem>> -> memref<125x128xf32, #tpu.memory_space<vmem>>
      %dma_start3A_123 = arith.constant 0 : i32
      %dma_start3A_124 = tpu.memref_slice %arg8[%run_scoped3A_57, %dma_start3A_123] : memref<40x125xi32, #tpu.memory_space<vmem>> -> memref<1x125xi32, #tpu.memory_space<vmem>>
      %dma_start3A_125 = tpu.memref_squeeze %dma_start3A_124 : memref<1x125xi32, #tpu.memory_space<vmem>> -> memref<125xi32, #tpu.memory_space<vmem>>
      %dma_start3A_126 = arith.constant 0 : i32
      %dma_start3A_127 = arith.constant 0 : i32
      %dma_start3A_128 = tpu.memref_slice %arg10[%dma_start3A_126, %dma_start3A_127] : memref<10240x128xf32, #tpu.memory_space<vmem_shared>> -> memref<10240x128xf32, #tpu.memory_space<vmem_shared>>
      tpu.enqueue_indirect_dma source(%dma_start3A_122 : memref<125x128xf32, #tpu.memory_space<vmem>>) target(%dma_start3A_128 : memref<10240x128xf32, #tpu.memory_space<vmem_shared>>) offsets(%dma_start3A_125 : memref<125xi32, #tpu.memory_space<vmem>>) semaphore(%run_scoped3A_118 : memref<!tpu.dma_semaphore, #tpu.memory_space<semaphore_mem>>) {add = true}
      %dma_wait3A_129 = arith.constant 0 : i32
      %dma_wait3A_130 = arith.constant 0 : i32
      %dma_wait3A_131 = tpu.memref_slice %arg9[%run_scoped3A_56, %dma_wait3A_129, %dma_wait3A_130] : memref<2x125x128xf32, #tpu.memory_space<vmem>> -> memref<1x125x128xf32, #tpu.memory_space<vmem>>
      %dma_wait3A_132 = tpu.memref_squeeze %dma_wait3A_131 : memref<1x125x128xf32, #tpu.memory_space<vmem>> -> memref<125x128xf32, #tpu.memory_space<vmem>>
      %dma_wait3A_133 = arith.constant 0 : i32
      %dma_wait3A_134 = tpu.memref_slice %arg8[%run_scoped3A_57, %dma_wait3A_133] : memref<40x125xi32, #tpu.memory_space<vmem>> -> memref<1x125xi32, #tpu.memory_space<vmem>>
      %dma_wait3A_135 = tpu.memref_squeeze %dma_wait3A_134 : memref<1x125xi32, #tpu.memory_space<vmem>> -> memref<125xi32, #tpu.memory_space<vmem>>
      %dma_wait3A_136 = arith.constant 0 : i32
      %dma_wait3A_137 = arith.constant 0 : i32
      %dma_wait3A_138 = tpu.memref_slice %arg10[%dma_wait3A_136, %dma_wait3A_137] : memref<10240x128xf32, #tpu.memory_space<vmem_shared>> -> memref<10240x128xf32, #tpu.memory_space<vmem_shared>>
      tpu.wait_indirect_dma semaphore(%run_scoped3A_118 : memref<!tpu.dma_semaphore, #tpu.memory_space<semaphore_mem>>) src(%dma_wait3A_132 : memref<125x128xf32, #tpu.memory_space<vmem>>) dst(%dma_wait3A_138 : memref<10240x128xf32, #tpu.memory_space<vmem_shared>>)
      tpu.yield
    }) : () -> ()
    %run_scoped3A_58 = arith.constant 1 : i32
    "tpu.region"() ({
      %run_scoped3A_118 = tpu.sem_alloc : memref<!tpu.dma_semaphore, #tpu.memory_space<semaphore_mem>>
      %dma_start3A_119 = arith.constant 0 : i32
      %dma_start3A_120 = arith.constant 0 : i32
      %dma_start3A_121 = tpu.memref_slice %arg3[%add3A, %run_scoped3A_58, %dma_start3A_119, %dma_start3A_120] : memref<32x2x40x125xi32, #tpu.memory_space<hbm>> -> memref<1x1x40x125xi32, #tpu.memory_space<hbm>>
      %dma_start3A_122 = tpu.memref_squeeze %dma_start3A_121 : memref<1x1x40x125xi32, #tpu.memory_space<hbm>> -> memref<40x125xi32, #tpu.memory_space<hbm>>
      %dma_start3A_123 = arith.constant 0 : i32
      %dma_start3A_124 = arith.constant 0 : i32
      %dma_start3A_125 = tpu.memref_slice %arg3[%add3A, %run_scoped3A_58, %dma_start3A_123, %dma_start3A_124] : memref<32x2x40x125xi32, #tpu.memory_space<hbm>> -> memref<1x1x40x125xi32, #tpu.memory_space<hbm>>
      %dma_start3A_126 = tpu.memref_squeeze %dma_start3A_125 : memref<1x1x40x125xi32, #tpu.memory_space<hbm>> -> memref<40x125xi32, #tpu.memory_space<hbm>>
      tpu.enqueue_dma source(%dma_start3A_126 : memref<40x125xi32, #tpu.memory_space<hbm>>) target(%arg7 : memref<40x125xi32, #tpu.memory_space<vmem>>) target_semaphore(%run_scoped3A_118 : memref<!tpu.dma_semaphore, #tpu.memory_space<semaphore_mem>>)
      %dma_wait3A_127 = arith.constant 0 : i32
      %dma_wait3A_128 = arith.constant 0 : i32
      %dma_wait3A_129 = tpu.memref_slice %arg3[%add3A, %run_scoped3A_58, %dma_wait3A_127, %dma_wait3A_128] : memref<32x2x40x125xi32, #tpu.memory_space<hbm>> -> memref<1x1x40x125xi32, #tpu.memory_space<hbm>>
      %dma_wait3A_130 = tpu.memref_squeeze %dma_wait3A_129 : memref<1x1x40x125xi32, #tpu.memory_space<hbm>> -> memref<40x125xi32, #tpu.memory_space<hbm>>
      %dma_wait3A_131 = arith.constant 0 : i32
      %dma_wait3A_132 = arith.constant 0 : i32
      %dma_wait3A_133 = tpu.memref_slice %arg3[%add3A, %run_scoped3A_58, %dma_wait3A_131, %dma_wait3A_132] : memref<32x2x40x125xi32, #tpu.memory_space<hbm>> -> memref<1x1x40x125xi32, #tpu.memory_space<hbm>>
      %dma_wait3A_134 = tpu.memref_squeeze %dma_wait3A_133 : memref<1x1x40x125xi32, #tpu.memory_space<hbm>> -> memref<40x125xi32, #tpu.memory_space<hbm>>
      tpu.wait_dma2 semaphore(%run_scoped3A_118 : memref<!tpu.dma_semaphore, #tpu.memory_space<semaphore_mem>>) src(%dma_wait3A_134 : memref<40x125xi32, #tpu.memory_space<hbm>>) dst(%arg7 : memref<40x125xi32, #tpu.memory_space<vmem>>)
      tpu.yield
    }) : () -> ()
    %run_scoped3A_59 = arith.constant 1 : i32
    "tpu.region"() ({
      %run_scoped3A_118 = tpu.sem_alloc : memref<!tpu.dma_semaphore, #tpu.memory_space<semaphore_mem>>
      %dma_start3A_119 = arith.constant 0 : i32
      %dma_start3A_120 = arith.constant 0 : i32
      %dma_start3A_121 = tpu.memref_slice %arg4[%add3A, %run_scoped3A_59, %dma_start3A_119, %dma_start3A_120] : memref<32x2x40x125xi32, #tpu.memory_space<hbm>> -> memref<1x1x40x125xi32, #tpu.memory_space<hbm>>
      %dma_start3A_122 = tpu.memref_squeeze %dma_start3A_121 : memref<1x1x40x125xi32, #tpu.memory_space<hbm>> -> memref<40x125xi32, #tpu.memory_space<hbm>>
      %dma_start3A_123 = arith.constant 0 : i32
      %dma_start3A_124 = arith.constant 0 : i32
      %dma_start3A_125 = tpu.memref_slice %arg4[%add3A, %run_scoped3A_59, %dma_start3A_123, %dma_start3A_124] : memref<32x2x40x125xi32, #tpu.memory_space<hbm>> -> memref<1x1x40x125xi32, #tpu.memory_space<hbm>>
      %dma_start3A_126 = tpu.memref_squeeze %dma_start3A_125 : memref<1x1x40x125xi32, #tpu.memory_space<hbm>> -> memref<40x125xi32, #tpu.memory_space<hbm>>
      tpu.enqueue_dma source(%dma_start3A_126 : memref<40x125xi32, #tpu.memory_space<hbm>>) target(%arg8 : memref<40x125xi32, #tpu.memory_space<vmem>>) target_semaphore(%run_scoped3A_118 : memref<!tpu.dma_semaphore, #tpu.memory_space<semaphore_mem>>)
      %dma_wait3A_127 = arith.constant 0 : i32
      %dma_wait3A_128 = arith.constant 0 : i32
      %dma_wait3A_129 = tpu.memref_slice %arg4[%add3A, %run_scoped3A_59, %dma_wait3A_127, %dma_wait3A_128] : memref<32x2x40x125xi32, #tpu.memory_space<hbm>> -> memref<1x1x40x125xi32, #tpu.memory_space<hbm>>
      %dma_wait3A_130 = tpu.memref_squeeze %dma_wait3A_129 : memref<1x1x40x125xi32, #tpu.memory_space<hbm>> -> memref<40x125xi32, #tpu.memory_space<hbm>>
      %dma_wait3A_131 = arith.constant 0 : i32
      %dma_wait3A_132 = arith.constant 0 : i32
      %dma_wait3A_133 = tpu.memref_slice %arg4[%add3A, %run_scoped3A_59, %dma_wait3A_131, %dma_wait3A_132] : memref<32x2x40x125xi32, #tpu.memory_space<hbm>> -> memref<1x1x40x125xi32, #tpu.memory_space<hbm>>
      %dma_wait3A_134 = tpu.memref_squeeze %dma_wait3A_133 : memref<1x1x40x125xi32, #tpu.memory_space<hbm>> -> memref<40x125xi32, #tpu.memory_space<hbm>>
      tpu.wait_dma2 semaphore(%run_scoped3A_118 : memref<!tpu.dma_semaphore, #tpu.memory_space<semaphore_mem>>) src(%dma_wait3A_134 : memref<40x125xi32, #tpu.memory_space<hbm>>) dst(%arg8 : memref<40x125xi32, #tpu.memory_space<vmem>>)
      tpu.yield
    }) : () -> ()
    %dma_start3A_60 = arith.constant 0 : i32
    %dma_start3A_61 = arith.constant 0 : i32
    %dma_start3A_62 = arith.constant 0 : i32
    %dma_start3A_63 = arith.constant 0 : i32
    %dma_start3A_64 = tpu.memref_slice %arg9[%dma_start3A_61, %dma_start3A_62, %dma_start3A_63] : memref<2x125x128xf32, #tpu.memory_space<vmem>> -> memref<1x125x128xf32, #tpu.memory_space<vmem>>
    %dma_start3A_65 = tpu.memref_squeeze %dma_start3A_64 : memref<1x125x128xf32, #tpu.memory_space<vmem>> -> memref<125x128xf32, #tpu.memory_space<vmem>>
    %dma_start3A_66 = arith.constant 0 : i32
    %dma_start3A_67 = tpu.memref_slice %arg7[%dma_start3A_60, %dma_start3A_66] : memref<40x125xi32, #tpu.memory_space<vmem>> -> memref<1x125xi32, #tpu.memory_space<vmem>>
    %dma_start3A_68 = tpu.memref_squeeze %dma_start3A_67 : memref<1x125xi32, #tpu.memory_space<vmem>> -> memref<125xi32, #tpu.memory_space<vmem>>
    %dma_start3A_69 = arith.constant 0 : i32
    %dma_start3A_70 = arith.constant 0 : i32
    %dma_start3A_71 = tpu.memref_slice %arg2[%dma_start3A_69, %dma_start3A_70] : memref<10240x128xf32, #tpu.memory_space<hbm>> -> memref<10240x128xf32, #tpu.memory_space<hbm>>
    tpu.enqueue_indirect_dma source(%dma_start3A_71 : memref<10240x128xf32, #tpu.memory_space<hbm>>) target(%dma_start3A_65 : memref<125x128xf32, #tpu.memory_space<vmem>>) offsets(%dma_start3A_68 : memref<125xi32, #tpu.memory_space<vmem>>) semaphore(%arg11 : memref<!tpu.dma_semaphore, #tpu.memory_space<semaphore_mem>>)
    %dma_start3A_72 = arith.constant 1 : i32
    %dma_start3A_73 = arith.constant 1 : i32
    %dma_start3A_74 = arith.constant 0 : i32
    %dma_start3A_75 = arith.constant 0 : i32
    %dma_start3A_76 = tpu.memref_slice %arg9[%dma_start3A_73, %dma_start3A_74, %dma_start3A_75] : memref<2x125x128xf32, #tpu.memory_space<vmem>> -> memref<1x125x128xf32, #tpu.memory_space<vmem>>
    %dma_start3A_77 = tpu.memref_squeeze %dma_start3A_76 : memref<1x125x128xf32, #tpu.memory_space<vmem>> -> memref<125x128xf32, #tpu.memory_space<vmem>>
    %dma_start3A_78 = arith.constant 0 : i32
    %dma_start3A_79 = tpu.memref_slice %arg7[%dma_start3A_72, %dma_start3A_78] : memref<40x125xi32, #tpu.memory_space<vmem>> -> memref<1x125xi32, #tpu.memory_space<vmem>>
    %dma_start3A_80 = tpu.memref_squeeze %dma_start3A_79 : memref<1x125xi32, #tpu.memory_space<vmem>> -> memref<125xi32, #tpu.memory_space<vmem>>
    %dma_start3A_81 = arith.constant 0 : i32
    %dma_start3A_82 = arith.constant 0 : i32
    %dma_start3A_83 = tpu.memref_slice %arg2[%dma_start3A_81, %dma_start3A_82] : memref<10240x128xf32, #tpu.memory_space<hbm>> -> memref<10240x128xf32, #tpu.memory_space<hbm>>
    tpu.enqueue_indirect_dma source(%dma_start3A_83 : memref<10240x128xf32, #tpu.memory_space<hbm>>) target(%dma_start3A_77 : memref<125x128xf32, #tpu.memory_space<vmem>>) offsets(%dma_start3A_80 : memref<125xi32, #tpu.memory_space<vmem>>) semaphore(%arg12 : memref<!tpu.dma_semaphore, #tpu.memory_space<semaphore_mem>>)
    %scan3A_84 = arith.constant 0 : i32
    %scan3A_85 = arith.constant 19 : i32
    %scan3A_86 = arith.addi %scan3A_84, %scan3A_85 : i32
    %scan3A_87 = arith.constant 1 : i32
    scf.for %scan3A_118 = %scan3A_84 to %scan3A_86 step %scan3A_87  : i32 {
      %mul3A_119 = arith.constant 2 : i32
      %mul3A_120 = arith.muli %scan3A_118, %mul3A_119 : i32
      %add3A_121 = arith.constant 0 : i32
      %add3A_122 = arith.addi %mul3A_120, %add3A_121 : i32
      %dma_wait3A_123 = arith.constant 0 : i32
      %dma_wait3A_124 = arith.constant 0 : i32
      %dma_wait3A_125 = arith.constant 0 : i32
      %dma_wait3A_126 = tpu.memref_slice %arg9[%dma_wait3A_123, %dma_wait3A_124, %dma_wait3A_125] : memref<2x125x128xf32, #tpu.memory_space<vmem>> -> memref<1x125x128xf32, #tpu.memory_space<vmem>>
      %dma_wait3A_127 = tpu.memref_squeeze %dma_wait3A_126 : memref<1x125x128xf32, #tpu.memory_space<vmem>> -> memref<125x128xf32, #tpu.memory_space<vmem>>
      %dma_wait3A_128 = arith.constant 0 : i32
      %dma_wait3A_129 = tpu.memref_slice %arg7[%add3A_122, %dma_wait3A_128] : memref<40x125xi32, #tpu.memory_space<vmem>> -> memref<1x125xi32, #tpu.memory_space<vmem>>
      %dma_wait3A_130 = tpu.memref_squeeze %dma_wait3A_129 : memref<1x125xi32, #tpu.memory_space<vmem>> -> memref<125xi32, #tpu.memory_space<vmem>>
      %dma_wait3A_131 = arith.constant 0 : i32
      %dma_wait3A_132 = arith.constant 0 : i32
      %dma_wait3A_133 = tpu.memref_slice %arg2[%dma_wait3A_131, %dma_wait3A_132] : memref<10240x128xf32, #tpu.memory_space<hbm>> -> memref<10240x128xf32, #tpu.memory_space<hbm>>
      tpu.wait_indirect_dma semaphore(%arg11 : memref<!tpu.dma_semaphore, #tpu.memory_space<semaphore_mem>>) src(%dma_wait3A_133 : memref<10240x128xf32, #tpu.memory_space<hbm>>) dst(%dma_wait3A_127 : memref<125x128xf32, #tpu.memory_space<vmem>>)
      %run_scoped3A_134 = arith.constant 0 : i32
      "tpu.region"() ({
        %run_scoped3A_177 = tpu.sem_alloc : memref<!tpu.dma_semaphore, #tpu.memory_space<semaphore_mem>>
        %dma_start3A_178 = arith.constant 0 : i32
        %dma_start3A_179 = arith.constant 0 : i32
        %dma_start3A_180 = tpu.memref_slice %arg9[%run_scoped3A_134, %dma_start3A_178, %dma_start3A_179] : memref<2x125x128xf32, #tpu.memory_space<vmem>> -> memref<1x125x128xf32, #tpu.memory_space<vmem>>
        %dma_start3A_181 = tpu.memref_squeeze %dma_start3A_180 : memref<1x125x128xf32, #tpu.memory_space<vmem>> -> memref<125x128xf32, #tpu.memory_space<vmem>>
        %dma_start3A_182 = arith.constant 0 : i32
        %dma_start3A_183 = tpu.memref_slice %arg8[%add3A_122, %dma_start3A_182] : memref<40x125xi32, #tpu.memory_space<vmem>> -> memref<1x125xi32, #tpu.memory_space<vmem>>
        %dma_start3A_184 = tpu.memref_squeeze %dma_start3A_183 : memref<1x125xi32, #tpu.memory_space<vmem>> -> memref<125xi32, #tpu.memory_space<vmem>>
        %dma_start3A_185 = arith.constant 0 : i32
        %dma_start3A_186 = arith.constant 0 : i32
        %dma_start3A_187 = tpu.memref_slice %arg10[%dma_start3A_185, %dma_start3A_186] : memref<10240x128xf32, #tpu.memory_space<vmem_shared>> -> memref<10240x128xf32, #tpu.memory_space<vmem_shared>>
        tpu.enqueue_indirect_dma source(%dma_start3A_181 : memref<125x128xf32, #tpu.memory_space<vmem>>) target(%dma_start3A_187 : memref<10240x128xf32, #tpu.memory_space<vmem_shared>>) offsets(%dma_start3A_184 : memref<125xi32, #tpu.memory_space<vmem>>) semaphore(%run_scoped3A_177 : memref<!tpu.dma_semaphore, #tpu.memory_space<semaphore_mem>>) {add = true}
        %dma_wait3A_188 = arith.constant 0 : i32
        %dma_wait3A_189 = arith.constant 0 : i32
        %dma_wait3A_190 = tpu.memref_slice %arg9[%run_scoped3A_134, %dma_wait3A_188, %dma_wait3A_189] : memref<2x125x128xf32, #tpu.memory_space<vmem>> -> memref<1x125x128xf32, #tpu.memory_space<vmem>>
        %dma_wait3A_191 = tpu.memref_squeeze %dma_wait3A_190 : memref<1x125x128xf32, #tpu.memory_space<vmem>> -> memref<125x128xf32, #tpu.memory_space<vmem>>
        %dma_wait3A_192 = arith.constant 0 : i32
        %dma_wait3A_193 = tpu.memref_slice %arg8[%add3A_122, %dma_wait3A_192] : memref<40x125xi32, #tpu.memory_space<vmem>> -> memref<1x125xi32, #tpu.memory_space<vmem>>
        %dma_wait3A_194 = tpu.memref_squeeze %dma_wait3A_193 : memref<1x125xi32, #tpu.memory_space<vmem>> -> memref<125xi32, #tpu.memory_space<vmem>>
        %dma_wait3A_195 = arith.constant 0 : i32
        %dma_wait3A_196 = arith.constant 0 : i32
        %dma_wait3A_197 = tpu.memref_slice %arg10[%dma_wait3A_195, %dma_wait3A_196] : memref<10240x128xf32, #tpu.memory_space<vmem_shared>> -> memref<10240x128xf32, #tpu.memory_space<vmem_shared>>
        tpu.wait_indirect_dma semaphore(%run_scoped3A_177 : memref<!tpu.dma_semaphore, #tpu.memory_space<semaphore_mem>>) src(%dma_wait3A_191 : memref<125x128xf32, #tpu.memory_space<vmem>>) dst(%dma_wait3A_197 : memref<10240x128xf32, #tpu.memory_space<vmem_shared>>)
        tpu.yield
      }) : () -> ()
      %add3A_135 = arith.constant 2 : i32
      %add3A_136 = arith.addi %add3A_122, %add3A_135 : i32
      %dma_start3A_137 = arith.constant 0 : i32
      %dma_start3A_138 = arith.constant 0 : i32
      %dma_start3A_139 = arith.constant 0 : i32
      %dma_start3A_140 = tpu.memref_slice %arg9[%dma_start3A_137, %dma_start3A_138, %dma_start3A_139] : memref<2x125x128xf32, #tpu.memory_space<vmem>> -> memref<1x125x128xf32, #tpu.memory_space<vmem>>
      %dma_start3A_141 = tpu.memref_squeeze %dma_start3A_140 : memref<1x125x128xf32, #tpu.memory_space<vmem>> -> memref<125x128xf32, #tpu.memory_space<vmem>>
      %dma_start3A_142 = arith.constant 0 : i32
      %dma_start3A_143 = tpu.memref_slice %arg7[%add3A_136, %dma_start3A_142] : memref<40x125xi32, #tpu.memory_space<vmem>> -> memref<1x125xi32, #tpu.memory_space<vmem>>
      %dma_start3A_144 = tpu.memref_squeeze %dma_start3A_143 : memref<1x125xi32, #tpu.memory_space<vmem>> -> memref<125xi32, #tpu.memory_space<vmem>>
      %dma_start3A_145 = arith.constant 0 : i32
      %dma_start3A_146 = arith.constant 0 : i32
      %dma_start3A_147 = tpu.memref_slice %arg2[%dma_start3A_145, %dma_start3A_146] : memref<10240x128xf32, #tpu.memory_space<hbm>> -> memref<10240x128xf32, #tpu.memory_space<hbm>>
      tpu.enqueue_indirect_dma source(%dma_start3A_147 : memref<10240x128xf32, #tpu.memory_space<hbm>>) target(%dma_start3A_141 : memref<125x128xf32, #tpu.memory_space<vmem>>) offsets(%dma_start3A_144 : memref<125xi32, #tpu.memory_space<vmem>>) semaphore(%arg11 : memref<!tpu.dma_semaphore, #tpu.memory_space<semaphore_mem>>)
      %mul3A_148 = arith.constant 2 : i32
      %mul3A_149 = arith.muli %scan3A_118, %mul3A_148 : i32
      %add3A_150 = arith.constant 1 : i32
      %add3A_151 = arith.addi %mul3A_149, %add3A_150 : i32
      %dma_wait3A_152 = arith.constant 1 : i32
      %dma_wait3A_153 = arith.constant 0 : i32
      %dma_wait3A_154 = arith.constant 0 : i32
      %dma_wait3A_155 = tpu.memref_slice %arg9[%dma_wait3A_152, %dma_wait3A_153, %dma_wait3A_154] : memref<2x125x128xf32, #tpu.memory_space<vmem>> -> memref<1x125x128xf32, #tpu.memory_space<vmem>>
      %dma_wait3A_156 = tpu.memref_squeeze %dma_wait3A_155 : memref<1x125x128xf32, #tpu.memory_space<vmem>> -> memref<125x128xf32, #tpu.memory_space<vmem>>
      %dma_wait3A_157 = arith.constant 0 : i32
      %dma_wait3A_158 = tpu.memref_slice %arg7[%add3A_151, %dma_wait3A_157] : memref<40x125xi32, #tpu.memory_space<vmem>> -> memref<1x125xi32, #tpu.memory_space<vmem>>
      %dma_wait3A_159 = tpu.memref_squeeze %dma_wait3A_158 : memref<1x125xi32, #tpu.memory_space<vmem>> -> memref<125xi32, #tpu.memory_space<vmem>>
      %dma_wait3A_160 = arith.constant 0 : i32
      %dma_wait3A_161 = arith.constant 0 : i32
      %dma_wait3A_162 = tpu.memref_slice %arg2[%dma_wait3A_160, %dma_wait3A_161] : memref<10240x128xf32, #tpu.memory_space<hbm>> -> memref<10240x128xf32, #tpu.memory_space<hbm>>
      tpu.wait_indirect_dma semaphore(%arg12 : memref<!tpu.dma_semaphore, #tpu.memory_space<semaphore_mem>>) src(%dma_wait3A_162 : memref<10240x128xf32, #tpu.memory_space<hbm>>) dst(%dma_wait3A_156 : memref<125x128xf32, #tpu.memory_space<vmem>>)
      %run_scoped3A_163 = arith.constant 1 : i32
      "tpu.region"() ({
        %run_scoped3A_177 = tpu.sem_alloc : memref<!tpu.dma_semaphore, #tpu.memory_space<semaphore_mem>>
        %dma_start3A_178 = arith.constant 0 : i32
        %dma_start3A_179 = arith.constant 0 : i32
        %dma_start3A_180 = tpu.memref_slice %arg9[%run_scoped3A_163, %dma_start3A_178, %dma_start3A_179] : memref<2x125x128xf32, #tpu.memory_space<vmem>> -> memref<1x125x128xf32, #tpu.memory_space<vmem>>
        %dma_start3A_181 = tpu.memref_squeeze %dma_start3A_180 : memref<1x125x128xf32, #tpu.memory_space<vmem>> -> memref<125x128xf32, #tpu.memory_space<vmem>>
        %dma_start3A_182 = arith.constant 0 : i32
        %dma_start3A_183 = tpu.memref_slice %arg8[%add3A_151, %dma_start3A_182] : memref<40x125xi32, #tpu.memory_space<vmem>> -> memref<1x125xi32, #tpu.memory_space<vmem>>
        %dma_start3A_184 = tpu.memref_squeeze %dma_start3A_183 : memref<1x125xi32, #tpu.memory_space<vmem>> -> memref<125xi32, #tpu.memory_space<vmem>>
        %dma_start3A_185 = arith.constant 0 : i32
        %dma_start3A_186 = arith.constant 0 : i32
        %dma_start3A_187 = tpu.memref_slice %arg10[%dma_start3A_185, %dma_start3A_186] : memref<10240x128xf32, #tpu.memory_space<vmem_shared>> -> memref<10240x128xf32, #tpu.memory_space<vmem_shared>>
        tpu.enqueue_indirect_dma source(%dma_start3A_181 : memref<125x128xf32, #tpu.memory_space<vmem>>) target(%dma_start3A_187 : memref<10240x128xf32, #tpu.memory_space<vmem_shared>>) offsets(%dma_start3A_184 : memref<125xi32, #tpu.memory_space<vmem>>) semaphore(%run_scoped3A_177 : memref<!tpu.dma_semaphore, #tpu.memory_space<semaphore_mem>>) {add = true}
        %dma_wait3A_188 = arith.constant 0 : i32
        %dma_wait3A_189 = arith.constant 0 : i32
        %dma_wait3A_190 = tpu.memref_slice %arg9[%run_scoped3A_163, %dma_wait3A_188, %dma_wait3A_189] : memref<2x125x128xf32, #tpu.memory_space<vmem>> -> memref<1x125x128xf32, #tpu.memory_space<vmem>>
        %dma_wait3A_191 = tpu.memref_squeeze %dma_wait3A_190 : memref<1x125x128xf32, #tpu.memory_space<vmem>> -> memref<125x128xf32, #tpu.memory_space<vmem>>
        %dma_wait3A_192 = arith.constant 0 : i32
        %dma_wait3A_193 = tpu.memref_slice %arg8[%add3A_151, %dma_wait3A_192] : memref<40x125xi32, #tpu.memory_space<vmem>> -> memref<1x125xi32, #tpu.memory_space<vmem>>
        %dma_wait3A_194 = tpu.memref_squeeze %dma_wait3A_193 : memref<1x125xi32, #tpu.memory_space<vmem>> -> memref<125xi32, #tpu.memory_space<vmem>>
        %dma_wait3A_195 = arith.constant 0 : i32
        %dma_wait3A_196 = arith.constant 0 : i32
        %dma_wait3A_197 = tpu.memref_slice %arg10[%dma_wait3A_195, %dma_wait3A_196] : memref<10240x128xf32, #tpu.memory_space<vmem_shared>> -> memref<10240x128xf32, #tpu.memory_space<vmem_shared>>
        tpu.wait_indirect_dma semaphore(%run_scoped3A_177 : memref<!tpu.dma_semaphore, #tpu.memory_space<semaphore_mem>>) src(%dma_wait3A_191 : memref<125x128xf32, #tpu.memory_space<vmem>>) dst(%dma_wait3A_197 : memref<10240x128xf32, #tpu.memory_space<vmem_shared>>)
        tpu.yield
      }) : () -> ()
      %add3A_164 = arith.constant 2 : i32
      %add3A_165 = arith.addi %add3A_151, %add3A_164 : i32
      %dma_start3A_166 = arith.constant 1 : i32
      %dma_start3A_167 = arith.constant 0 : i32
      %dma_start3A_168 = arith.constant 0 : i32
      %dma_start3A_169 = tpu.memref_slice %arg9[%dma_start3A_166, %dma_start3A_167, %dma_start3A_168] : memref<2x125x128xf32, #tpu.memory_space<vmem>> -> memref<1x125x128xf32, #tpu.memory_space<vmem>>
      %dma_start3A_170 = tpu.memref_squeeze %dma_start3A_169 : memref<1x125x128xf32, #tpu.memory_space<vmem>> -> memref<125x128xf32, #tpu.memory_space<vmem>>
      %dma_start3A_171 = arith.constant 0 : i32
      %dma_start3A_172 = tpu.memref_slice %arg7[%add3A_165, %dma_start3A_171] : memref<40x125xi32, #tpu.memory_space<vmem>> -> memref<1x125xi32, #tpu.memory_space<vmem>>
      %dma_start3A_173 = tpu.memref_squeeze %dma_start3A_172 : memref<1x125xi32, #tpu.memory_space<vmem>> -> memref<125xi32, #tpu.memory_space<vmem>>
      %dma_start3A_174 = arith.constant 0 : i32
      %dma_start3A_175 = arith.constant 0 : i32
      %dma_start3A_176 = tpu.memref_slice %arg2[%dma_start3A_174, %dma_start3A_175] : memref<10240x128xf32, #tpu.memory_space<hbm>> -> memref<10240x128xf32, #tpu.memory_space<hbm>>
      tpu.enqueue_indirect_dma source(%dma_start3A_176 : memref<10240x128xf32, #tpu.memory_space<hbm>>) target(%dma_start3A_170 : memref<125x128xf32, #tpu.memory_space<vmem>>) offsets(%dma_start3A_173 : memref<125xi32, #tpu.memory_space<vmem>>) semaphore(%arg12 : memref<!tpu.dma_semaphore, #tpu.memory_space<semaphore_mem>>)
    }
    %scan3A_88 = arith.constant 19 : i32
    %dma_wait3A_89 = arith.constant 38 : i32
    %dma_wait3A_90 = arith.constant 0 : i32
    %dma_wait3A_91 = arith.constant 0 : i32
    %dma_wait3A_92 = arith.constant 0 : i32
    %dma_wait3A_93 = tpu.memref_slice %arg9[%dma_wait3A_90, %dma_wait3A_91, %dma_wait3A_92] : memref<2x125x128xf32, #tpu.memory_space<vmem>> -> memref<1x125x128xf32, #tpu.memory_space<vmem>>
    %dma_wait3A_94 = tpu.memref_squeeze %dma_wait3A_93 : memref<1x125x128xf32, #tpu.memory_space<vmem>> -> memref<125x128xf32, #tpu.memory_space<vmem>>
    %dma_wait3A_95 = arith.constant 0 : i32
    %dma_wait3A_96 = tpu.memref_slice %arg7[%dma_wait3A_89, %dma_wait3A_95] : memref<40x125xi32, #tpu.memory_space<vmem>> -> memref<1x125xi32, #tpu.memory_space<vmem>>
    %dma_wait3A_97 = tpu.memref_squeeze %dma_wait3A_96 : memref<1x125xi32, #tpu.memory_space<vmem>> -> memref<125xi32, #tpu.memory_space<vmem>>
    %dma_wait3A_98 = arith.constant 0 : i32
    %dma_wait3A_99 = arith.constant 0 : i32
    %dma_wait3A_100 = tpu.memref_slice %arg2[%dma_wait3A_98, %dma_wait3A_99] : memref<10240x128xf32, #tpu.memory_space<hbm>> -> memref<10240x128xf32, #tpu.memory_space<hbm>>
    tpu.wait_indirect_dma semaphore(%arg11 : memref<!tpu.dma_semaphore, #tpu.memory_space<semaphore_mem>>) src(%dma_wait3A_100 : memref<10240x128xf32, #tpu.memory_space<hbm>>) dst(%dma_wait3A_94 : memref<125x128xf32, #tpu.memory_space<vmem>>)
    %run_scoped3A_101 = arith.constant 0 : i32
    %run_scoped3A_102 = arith.constant 38 : i32
    "tpu.region"() ({
      %run_scoped3A_118 = tpu.sem_alloc : memref<!tpu.dma_semaphore, #tpu.memory_space<semaphore_mem>>
      %dma_start3A_119 = arith.constant 0 : i32
      %dma_start3A_120 = arith.constant 0 : i32
      %dma_start3A_121 = tpu.memref_slice %arg9[%run_scoped3A_101, %dma_start3A_119, %dma_start3A_120] : memref<2x125x128xf32, #tpu.memory_space<vmem>> -> memref<1x125x128xf32, #tpu.memory_space<vmem>>
      %dma_start3A_122 = tpu.memref_squeeze %dma_start3A_121 : memref<1x125x128xf32, #tpu.memory_space<vmem>> -> memref<125x128xf32, #tpu.memory_space<vmem>>
      %dma_start3A_123 = arith.constant 0 : i32
      %dma_start3A_124 = tpu.memref_slice %arg8[%run_scoped3A_102, %dma_start3A_123] : memref<40x125xi32, #tpu.memory_space<vmem>> -> memref<1x125xi32, #tpu.memory_space<vmem>>
      %dma_start3A_125 = tpu.memref_squeeze %dma_start3A_124 : memref<1x125xi32, #tpu.memory_space<vmem>> -> memref<125xi32, #tpu.memory_space<vmem>>
      %dma_start3A_126 = arith.constant 0 : i32
      %dma_start3A_127 = arith.constant 0 : i32
      %dma_start3A_128 = tpu.memref_slice %arg10[%dma_start3A_126, %dma_start3A_127] : memref<10240x128xf32, #tpu.memory_space<vmem_shared>> -> memref<10240x128xf32, #tpu.memory_space<vmem_shared>>
      tpu.enqueue_indirect_dma source(%dma_start3A_122 : memref<125x128xf32, #tpu.memory_space<vmem>>) target(%dma_start3A_128 : memref<10240x128xf32, #tpu.memory_space<vmem_shared>>) offsets(%dma_start3A_125 : memref<125xi32, #tpu.memory_space<vmem>>) semaphore(%run_scoped3A_118 : memref<!tpu.dma_semaphore, #tpu.memory_space<semaphore_mem>>) {add = true}
      %dma_wait3A_129 = arith.constant 0 : i32
      %dma_wait3A_130 = arith.constant 0 : i32
      %dma_wait3A_131 = tpu.memref_slice %arg9[%run_scoped3A_101, %dma_wait3A_129, %dma_wait3A_130] : memref<2x125x128xf32, #tpu.memory_space<vmem>> -> memref<1x125x128xf32, #tpu.memory_space<vmem>>
      %dma_wait3A_132 = tpu.memref_squeeze %dma_wait3A_131 : memref<1x125x128xf32, #tpu.memory_space<vmem>> -> memref<125x128xf32, #tpu.memory_space<vmem>>
      %dma_wait3A_133 = arith.constant 0 : i32
      %dma_wait3A_134 = tpu.memref_slice %arg8[%run_scoped3A_102, %dma_wait3A_133] : memref<40x125xi32, #tpu.memory_space<vmem>> -> memref<1x125xi32, #tpu.memory_space<vmem>>
      %dma_wait3A_135 = tpu.memref_squeeze %dma_wait3A_134 : memref<1x125xi32, #tpu.memory_space<vmem>> -> memref<125xi32, #tpu.memory_space<vmem>>
      %dma_wait3A_136 = arith.constant 0 : i32
      %dma_wait3A_137 = arith.constant 0 : i32
      %dma_wait3A_138 = tpu.memref_slice %arg10[%dma_wait3A_136, %dma_wait3A_137] : memref<10240x128xf32, #tpu.memory_space<vmem_shared>> -> memref<10240x128xf32, #tpu.memory_space<vmem_shared>>
      tpu.wait_indirect_dma semaphore(%run_scoped3A_118 : memref<!tpu.dma_semaphore, #tpu.memory_space<semaphore_mem>>) src(%dma_wait3A_132 : memref<125x128xf32, #tpu.memory_space<vmem>>) dst(%dma_wait3A_138 : memref<10240x128xf32, #tpu.memory_space<vmem_shared>>)
      tpu.yield
    }) : () -> ()
    %dma_wait3A_103 = arith.constant 39 : i32
    %dma_wait3A_104 = arith.constant 1 : i32
    %dma_wait3A_105 = arith.constant 0 : i32
    %dma_wait3A_106 = arith.constant 0 : i32
    %dma_wait3A_107 = tpu.memref_slice %arg9[%dma_wait3A_104, %dma_wait3A_105, %dma_wait3A_106] : memref<2x125x128xf32, #tpu.memory_space<vmem>> -> memref<1x125x128xf32, #tpu.memory_space<vmem>>
    %dma_wait3A_108 = tpu.memref_squeeze %dma_wait3A_107 : memref<1x125x128xf32, #tpu.memory_space<vmem>> -> memref<125x128xf32, #tpu.memory_space<vmem>>
    %dma_wait3A_109 = arith.constant 0 : i32
    %dma_wait3A_110 = tpu.memref_slice %arg7[%dma_wait3A_103, %dma_wait3A_109] : memref<40x125xi32, #tpu.memory_space<vmem>> -> memref<1x125xi32, #tpu.memory_space<vmem>>
    %dma_wait3A_111 = tpu.memref_squeeze %dma_wait3A_110 : memref<1x125xi32, #tpu.memory_space<vmem>> -> memref<125xi32, #tpu.memory_space<vmem>>
    %dma_wait3A_112 = arith.constant 0 : i32
    %dma_wait3A_113 = arith.constant 0 : i32
    %dma_wait3A_114 = tpu.memref_slice %arg2[%dma_wait3A_112, %dma_wait3A_113] : memref<10240x128xf32, #tpu.memory_space<hbm>> -> memref<10240x128xf32, #tpu.memory_space<hbm>>
    tpu.wait_indirect_dma semaphore(%arg12 : memref<!tpu.dma_semaphore, #tpu.memory_space<semaphore_mem>>) src(%dma_wait3A_114 : memref<10240x128xf32, #tpu.memory_space<hbm>>) dst(%dma_wait3A_108 : memref<125x128xf32, #tpu.memory_space<vmem>>)
    %run_scoped3A_115 = arith.constant 1 : i32
    %run_scoped3A_116 = arith.constant 39 : i32
    "tpu.region"() ({
      %run_scoped3A_118 = tpu.sem_alloc : memref<!tpu.dma_semaphore, #tpu.memory_space<semaphore_mem>>
      %dma_start3A_119 = arith.constant 0 : i32
      %dma_start3A_120 = arith.constant 0 : i32
      %dma_start3A_121 = tpu.memref_slice %arg9[%run_scoped3A_115, %dma_start3A_119, %dma_start3A_120] : memref<2x125x128xf32, #tpu.memory_space<vmem>> -> memref<1x125x128xf32, #tpu.memory_space<vmem>>
      %dma_start3A_122 = tpu.memref_squeeze %dma_start3A_121 : memref<1x125x128xf32, #tpu.memory_space<vmem>> -> memref<125x128xf32, #tpu.memory_space<vmem>>
      %dma_start3A_123 = arith.constant 0 : i32
      %dma_start3A_124 = tpu.memref_slice %arg8[%run_scoped3A_116, %dma_start3A_123] : memref<40x125xi32, #tpu.memory_space<vmem>> -> memref<1x125xi32, #tpu.memory_space<vmem>>
      %dma_start3A_125 = tpu.memref_squeeze %dma_start3A_124 : memref<1x125xi32, #tpu.memory_space<vmem>> -> memref<125xi32, #tpu.memory_space<vmem>>
      %dma_start3A_126 = arith.constant 0 : i32
      %dma_start3A_127 = arith.constant 0 : i32
      %dma_start3A_128 = tpu.memref_slice %arg10[%dma_start3A_126, %dma_start3A_127] : memref<10240x128xf32, #tpu.memory_space<vmem_shared>> -> memref<10240x128xf32, #tpu.memory_space<vmem_shared>>
      tpu.enqueue_indirect_dma source(%dma_start3A_122 : memref<125x128xf32, #tpu.memory_space<vmem>>) target(%dma_start3A_128 : memref<10240x128xf32, #tpu.memory_space<vmem_shared>>) offsets(%dma_start3A_125 : memref<125xi32, #tpu.memory_space<vmem>>) semaphore(%run_scoped3A_118 : memref<!tpu.dma_semaphore, #tpu.memory_space<semaphore_mem>>) {add = true}
      %dma_wait3A_129 = arith.constant 0 : i32
      %dma_wait3A_130 = arith.constant 0 : i32
      %dma_wait3A_131 = tpu.memref_slice %arg9[%run_scoped3A_115, %dma_wait3A_129, %dma_wait3A_130] : memref<2x125x128xf32, #tpu.memory_space<vmem>> -> memref<1x125x128xf32, #tpu.memory_space<vmem>>
      %dma_wait3A_132 = tpu.memref_squeeze %dma_wait3A_131 : memref<1x125x128xf32, #tpu.memory_space<vmem>> -> memref<125x128xf32, #tpu.memory_space<vmem>>
      %dma_wait3A_133 = arith.constant 0 : i32
      %dma_wait3A_134 = tpu.memref_slice %arg8[%run_scoped3A_116, %dma_wait3A_133] : memref<40x125xi32, #tpu.memory_space<vmem>> -> memref<1x125xi32, #tpu.memory_space<vmem>>
      %dma_wait3A_135 = tpu.memref_squeeze %dma_wait3A_134 : memref<1x125xi32, #tpu.memory_space<vmem>> -> memref<125xi32, #tpu.memory_space<vmem>>
      %dma_wait3A_136 = arith.constant 0 : i32
      %dma_wait3A_137 = arith.constant 0 : i32
      %dma_wait3A_138 = tpu.memref_slice %arg10[%dma_wait3A_136, %dma_wait3A_137] : memref<10240x128xf32, #tpu.memory_space<vmem_shared>> -> memref<10240x128xf32, #tpu.memory_space<vmem_shared>>
      tpu.wait_indirect_dma semaphore(%run_scoped3A_118 : memref<!tpu.dma_semaphore, #tpu.memory_space<semaphore_mem>>) src(%dma_wait3A_132 : memref<125x128xf32, #tpu.memory_space<vmem>>) dst(%dma_wait3A_138 : memref<10240x128xf32, #tpu.memory_space<vmem_shared>>)
      tpu.yield
    }) : () -> ()
    %barrier3A_117 = arith.constant 0 : index
    tpu.barrier barrier_id(%barrier3A_117)
    "tpu.region"() ({
      %run_scoped3A_118 = tpu.sem_alloc : memref<!tpu.dma_semaphore, #tpu.memory_space<semaphore_mem>>
      %dma_start3A_119 = arith.constant 0 : i32
      %dma_start3A_120 = tpu.memref_slice %arg6[%arg0, %mul3A_2, %dma_start3A_119] : memref<2x10240x128xf32, #tpu.memory_space<hbm>> -> memref<1x640x128xf32, #tpu.memory_space<hbm>>
      %dma_start3A_121 = tpu.memref_squeeze %dma_start3A_120 : memref<1x640x128xf32, #tpu.memory_space<hbm>> -> memref<640x128xf32, #tpu.memory_space<hbm>>
      %dma_start3A_122 = arith.constant 0 : i32
      %dma_start3A_123 = tpu.memref_slice %arg10[%mul3A_2, %dma_start3A_122] : memref<10240x128xf32, #tpu.memory_space<vmem_shared>> -> memref<640x128xf32, #tpu.memory_space<vmem_shared>>
      tpu.enqueue_dma source(%dma_start3A_123 : memref<640x128xf32, #tpu.memory_space<vmem_shared>>) target(%dma_start3A_121 : memref<640x128xf32, #tpu.memory_space<hbm>>) target_semaphore(%run_scoped3A_118 : memref<!tpu.dma_semaphore, #tpu.memory_space<semaphore_mem>>)
      %dma_wait3A_124 = arith.constant 0 : i32
      %dma_wait3A_125 = tpu.memref_slice %arg6[%arg0, %mul3A_2, %dma_wait3A_124] : memref<2x10240x128xf32, #tpu.memory_space<hbm>> -> memref<1x640x128xf32, #tpu.memory_space<hbm>>
      %dma_wait3A_126 = tpu.memref_squeeze %dma_wait3A_125 : memref<1x640x128xf32, #tpu.memory_space<hbm>> -> memref<640x128xf32, #tpu.memory_space<hbm>>
      %dma_wait3A_127 = arith.constant 0 : i32
      %dma_wait3A_128 = tpu.memref_slice %arg10[%mul3A_2, %dma_wait3A_127] : memref<10240x128xf32, #tpu.memory_space<vmem_shared>> -> memref<640x128xf32, #tpu.memory_space<vmem_shared>>
      tpu.wait_dma2 semaphore(%run_scoped3A_118 : memref<!tpu.dma_semaphore, #tpu.memory_space<semaphore_mem>>) src(%dma_wait3A_128 : memref<640x128xf32, #tpu.memory_space<vmem_shared>>) dst(%dma_wait3A_126 : memref<640x128xf32, #tpu.memory_space<hbm>>)
      tpu.yield
    }) : () -> ()
    return
  }
}

#map = affine_map<(d0, d1) -> (0, 0, 0)>
#map1 = affine_map<(d0, d1) -> (0, 0)>
module attributes {stable_mosaic.version = 14 : i64} {
  func.func @_sc_degree(%arg0: i32, %arg1: i32, %arg2: memref<32x80x125xi32, #tpu.memory_space<hbm>>, %arg3: memref<125x128xf32, #tpu.memory_space<hbm>>, %arg4: memref<10240x128xf32, #tpu.memory_space<hbm>>, %arg5: memref<2x10240x128xf32, #tpu.memory_space<hbm>>, %arg6: memref<80x125xi32, #tpu.memory_space<vmem>>, %arg7: memref<125x128xf32, #tpu.memory_space<vmem>>, %arg8: memref<10240x128xf32, #tpu.memory_space<vmem_shared>>, %arg9: memref<!tpu.dma_semaphore, #tpu.memory_space<semaphore_mem>>) attributes {dimension_semantics = [#tpu.dimension_semantics<core_parallel>, #tpu.dimension_semantics<subcore_parallel>], iteration_bounds = array<i64: 2, 16>, scalar_prefetch = 0 : i64, scratch_operands = 4 : i64, tpu.core_type = #tpu.core_type<sc_vector_subcore>, window_params = [{transform_indices = #map}, {transform_indices = #map1}, {transform_indices = #map1}, {transform_indices = #map}]} {
    %mul3A = arith.constant 16 : i32
    %mul3A_0 = arith.muli %arg0, %mul3A : i32
    %add3A = arith.addi %mul3A_0, %arg1 : i32
    "tpu.region"() ({
      %run_scoped3A = tpu.sem_alloc : memref<!tpu.dma_semaphore, #tpu.memory_space<semaphore_mem>>
      %dma_start3A = arith.constant 0 : i32
      %dma_start3A_13 = arith.constant 0 : i32
      %dma_start3A_14 = tpu.memref_slice %arg2[%add3A, %dma_start3A, %dma_start3A_13] : memref<32x80x125xi32, #tpu.memory_space<hbm>> -> memref<1x80x125xi32, #tpu.memory_space<hbm>>
      %dma_start3A_15 = tpu.memref_squeeze %dma_start3A_14 : memref<1x80x125xi32, #tpu.memory_space<hbm>> -> memref<80x125xi32, #tpu.memory_space<hbm>>
      %dma_start3A_16 = arith.constant 0 : i32
      %dma_start3A_17 = arith.constant 0 : i32
      %dma_start3A_18 = tpu.memref_slice %arg2[%add3A, %dma_start3A_16, %dma_start3A_17] : memref<32x80x125xi32, #tpu.memory_space<hbm>> -> memref<1x80x125xi32, #tpu.memory_space<hbm>>
      %dma_start3A_19 = tpu.memref_squeeze %dma_start3A_18 : memref<1x80x125xi32, #tpu.memory_space<hbm>> -> memref<80x125xi32, #tpu.memory_space<hbm>>
      tpu.enqueue_dma source(%dma_start3A_19 : memref<80x125xi32, #tpu.memory_space<hbm>>) target(%arg6 : memref<80x125xi32, #tpu.memory_space<vmem>>) target_semaphore(%run_scoped3A : memref<!tpu.dma_semaphore, #tpu.memory_space<semaphore_mem>>)
      %dma_wait3A = arith.constant 0 : i32
      %dma_wait3A_20 = arith.constant 0 : i32
      %dma_wait3A_21 = tpu.memref_slice %arg2[%add3A, %dma_wait3A, %dma_wait3A_20] : memref<32x80x125xi32, #tpu.memory_space<hbm>> -> memref<1x80x125xi32, #tpu.memory_space<hbm>>
      %dma_wait3A_22 = tpu.memref_squeeze %dma_wait3A_21 : memref<1x80x125xi32, #tpu.memory_space<hbm>> -> memref<80x125xi32, #tpu.memory_space<hbm>>
      %dma_wait3A_23 = arith.constant 0 : i32
      %dma_wait3A_24 = arith.constant 0 : i32
      %dma_wait3A_25 = tpu.memref_slice %arg2[%add3A, %dma_wait3A_23, %dma_wait3A_24] : memref<32x80x125xi32, #tpu.memory_space<hbm>> -> memref<1x80x125xi32, #tpu.memory_space<hbm>>
      %dma_wait3A_26 = tpu.memref_squeeze %dma_wait3A_25 : memref<1x80x125xi32, #tpu.memory_space<hbm>> -> memref<80x125xi32, #tpu.memory_space<hbm>>
      tpu.wait_dma2 semaphore(%run_scoped3A : memref<!tpu.dma_semaphore, #tpu.memory_space<semaphore_mem>>) src(%dma_wait3A_26 : memref<80x125xi32, #tpu.memory_space<hbm>>) dst(%arg6 : memref<80x125xi32, #tpu.memory_space<vmem>>)
      tpu.yield
    }) : () -> ()
    "tpu.region"() ({
      %run_scoped3A = tpu.sem_alloc : memref<!tpu.dma_semaphore, #tpu.memory_space<semaphore_mem>>
      tpu.enqueue_dma source(%arg3 : memref<125x128xf32, #tpu.memory_space<hbm>>) target(%arg7 : memref<125x128xf32, #tpu.memory_space<vmem>>) target_semaphore(%run_scoped3A : memref<!tpu.dma_semaphore, #tpu.memory_space<semaphore_mem>>)
      tpu.wait_dma2 semaphore(%run_scoped3A : memref<!tpu.dma_semaphore, #tpu.memory_space<semaphore_mem>>) src(%arg3 : memref<125x128xf32, #tpu.memory_space<hbm>>) dst(%arg7 : memref<125x128xf32, #tpu.memory_space<vmem>>)
      tpu.yield
    }) : () -> ()
    %mul3A_1 = arith.constant 640 : i32
    %mul3A_2 = arith.muli %arg1, %mul3A_1 : i32
    "tpu.region"() ({
      %run_scoped3A = tpu.sem_alloc : memref<!tpu.dma_semaphore, #tpu.memory_space<semaphore_mem>>
      %dma_start3A = arith.constant 0 : i32
      %dma_start3A_13 = tpu.memref_slice %arg8[%mul3A_2, %dma_start3A] : memref<10240x128xf32, #tpu.memory_space<vmem_shared>> -> memref<640x128xf32, #tpu.memory_space<vmem_shared>>
      %dma_start3A_14 = arith.constant 0 : i32
      %dma_start3A_15 = tpu.memref_slice %arg4[%mul3A_2, %dma_start3A_14] : memref<10240x128xf32, #tpu.memory_space<hbm>> -> memref<640x128xf32, #tpu.memory_space<hbm>>
      tpu.enqueue_dma source(%dma_start3A_15 : memref<640x128xf32, #tpu.memory_space<hbm>>) target(%dma_start3A_13 : memref<640x128xf32, #tpu.memory_space<vmem_shared>>) target_semaphore(%run_scoped3A : memref<!tpu.dma_semaphore, #tpu.memory_space<semaphore_mem>>)
      %dma_wait3A = arith.constant 0 : i32
      %dma_wait3A_16 = tpu.memref_slice %arg8[%mul3A_2, %dma_wait3A] : memref<10240x128xf32, #tpu.memory_space<vmem_shared>> -> memref<640x128xf32, #tpu.memory_space<vmem_shared>>
      %dma_wait3A_17 = arith.constant 0 : i32
      %dma_wait3A_18 = tpu.memref_slice %arg4[%mul3A_2, %dma_wait3A_17] : memref<10240x128xf32, #tpu.memory_space<hbm>> -> memref<640x128xf32, #tpu.memory_space<hbm>>
      tpu.wait_dma2 semaphore(%run_scoped3A : memref<!tpu.dma_semaphore, #tpu.memory_space<semaphore_mem>>) src(%dma_wait3A_18 : memref<640x128xf32, #tpu.memory_space<hbm>>) dst(%dma_wait3A_16 : memref<640x128xf32, #tpu.memory_space<vmem_shared>>)
      tpu.yield
    }) : () -> ()
    %barrier3A = arith.constant 0 : index
    tpu.barrier barrier_id(%barrier3A)
    %scan3A = arith.constant 0 : i32
    %scan3A_3 = arith.constant 80 : i32
    %scan3A_4 = arith.addi %scan3A, %scan3A_3 : i32
    %scan3A_5 = arith.constant 1 : i32
    scf.for %scan3A_13 = %scan3A to %scan3A_4 step %scan3A_5  : i32 {
      %dma_start3A = arith.constant 0 : i32
      %dma_start3A_14 = tpu.memref_slice %arg6[%scan3A_13, %dma_start3A] : memref<80x125xi32, #tpu.memory_space<vmem>> -> memref<1x125xi32, #tpu.memory_space<vmem>>
      %dma_start3A_15 = tpu.memref_squeeze %dma_start3A_14 : memref<1x125xi32, #tpu.memory_space<vmem>> -> memref<125xi32, #tpu.memory_space<vmem>>
      %dma_start3A_16 = arith.constant 0 : i32
      %dma_start3A_17 = arith.constant 0 : i32
      %dma_start3A_18 = tpu.memref_slice %arg8[%dma_start3A_16, %dma_start3A_17] : memref<10240x128xf32, #tpu.memory_space<vmem_shared>> -> memref<10240x128xf32, #tpu.memory_space<vmem_shared>>
      tpu.enqueue_indirect_dma source(%arg7 : memref<125x128xf32, #tpu.memory_space<vmem>>) target(%dma_start3A_18 : memref<10240x128xf32, #tpu.memory_space<vmem_shared>>) offsets(%dma_start3A_15 : memref<125xi32, #tpu.memory_space<vmem>>) semaphore(%arg9 : memref<!tpu.dma_semaphore, #tpu.memory_space<semaphore_mem>>) {add = true}
    }
    %scan3A_6 = arith.constant 80 : i32
    %scan3A_7 = arith.constant 0 : i32
    %scan3A_8 = arith.constant 80 : i32
    %scan3A_9 = arith.addi %scan3A_7, %scan3A_8 : i32
    %scan3A_10 = arith.constant 1 : i32
    scf.for %scan3A_13 = %scan3A_7 to %scan3A_9 step %scan3A_10  : i32 {
      %dma_wait3A = arith.constant 0 : i32
      %dma_wait3A_14 = tpu.memref_slice %arg6[%scan3A_13, %dma_wait3A] : memref<80x125xi32, #tpu.memory_space<vmem>> -> memref<1x125xi32, #tpu.memory_space<vmem>>
      %dma_wait3A_15 = tpu.memref_squeeze %dma_wait3A_14 : memref<1x125xi32, #tpu.memory_space<vmem>> -> memref<125xi32, #tpu.memory_space<vmem>>
      %dma_wait3A_16 = arith.constant 0 : i32
      %dma_wait3A_17 = arith.constant 0 : i32
      %dma_wait3A_18 = tpu.memref_slice %arg8[%dma_wait3A_16, %dma_wait3A_17] : memref<10240x128xf32, #tpu.memory_space<vmem_shared>> -> memref<10240x128xf32, #tpu.memory_space<vmem_shared>>
      tpu.wait_indirect_dma semaphore(%arg9 : memref<!tpu.dma_semaphore, #tpu.memory_space<semaphore_mem>>) src(%arg7 : memref<125x128xf32, #tpu.memory_space<vmem>>) dst(%dma_wait3A_18 : memref<10240x128xf32, #tpu.memory_space<vmem_shared>>)
    }
    %scan3A_11 = arith.constant 80 : i32
    %barrier3A_12 = arith.constant 0 : index
    tpu.barrier barrier_id(%barrier3A_12)
    "tpu.region"() ({
      %run_scoped3A = tpu.sem_alloc : memref<!tpu.dma_semaphore, #tpu.memory_space<semaphore_mem>>
      %dma_start3A = arith.constant 0 : i32
      %dma_start3A_13 = tpu.memref_slice %arg5[%arg0, %mul3A_2, %dma_start3A] : memref<2x10240x128xf32, #tpu.memory_space<hbm>> -> memref<1x640x128xf32, #tpu.memory_space<hbm>>
      %dma_start3A_14 = tpu.memref_squeeze %dma_start3A_13 : memref<1x640x128xf32, #tpu.memory_space<hbm>> -> memref<640x128xf32, #tpu.memory_space<hbm>>
      %dma_start3A_15 = arith.constant 0 : i32
      %dma_start3A_16 = tpu.memref_slice %arg8[%mul3A_2, %dma_start3A_15] : memref<10240x128xf32, #tpu.memory_space<vmem_shared>> -> memref<640x128xf32, #tpu.memory_space<vmem_shared>>
      tpu.enqueue_dma source(%dma_start3A_16 : memref<640x128xf32, #tpu.memory_space<vmem_shared>>) target(%dma_start3A_14 : memref<640x128xf32, #tpu.memory_space<hbm>>) target_semaphore(%run_scoped3A : memref<!tpu.dma_semaphore, #tpu.memory_space<semaphore_mem>>)
      %dma_wait3A = arith.constant 0 : i32
      %dma_wait3A_17 = tpu.memref_slice %arg5[%arg0, %mul3A_2, %dma_wait3A] : memref<2x10240x128xf32, #tpu.memory_space<hbm>> -> memref<1x640x128xf32, #tpu.memory_space<hbm>>
      %dma_wait3A_18 = tpu.memref_squeeze %dma_wait3A_17 : memref<1x640x128xf32, #tpu.memory_space<hbm>> -> memref<640x128xf32, #tpu.memory_space<hbm>>
      %dma_wait3A_19 = arith.constant 0 : i32
      %dma_wait3A_20 = tpu.memref_slice %arg8[%mul3A_2, %dma_wait3A_19] : memref<10240x128xf32, #tpu.memory_space<vmem_shared>> -> memref<640x128xf32, #tpu.memory_space<vmem_shared>>
      tpu.wait_dma2 semaphore(%run_scoped3A : memref<!tpu.dma_semaphore, #tpu.memory_space<semaphore_mem>>) src(%dma_wait3A_20 : memref<640x128xf32, #tpu.memory_space<vmem_shared>>) dst(%dma_wait3A_18 : memref<640x128xf32, #tpu.memory_space<hbm>>)
      tpu.yield
    }) : () -> ()
    return
  }
}

module attributes {stable_mosaic.version = 14 : i64} {
  func.func @_tc_matmul_body(%arg0: i32, %arg1: memref<1024x128xf32, #tpu.memory_space<vmem>>, %arg2: memref<128x128xf32, #tpu.memory_space<vmem>>, %arg3: memref<1024x128xf32, #tpu.memory_space<vmem>>) attributes {dimension_semantics = [#tpu.dimension_semantics<arbitrary>], iteration_bounds = array<i64: 10>, scalar_prefetch = 0 : i64, scratch_operands = 0 : i64, tpu.core_type = #tpu.core_type<tc>, window_params = [{transform_indices = @transform_0, window_bounds = array<i64: 1024, 128>}, {pipeline_mode = #tpu.pipeline_mode<synchronous>, transform_indices = @transform_1, window_bounds = array<i64: 128, 128>}, {transform_indices = @transform_2, window_bounds = array<i64: 1024, 128>}]} {
    %get3A = arith.constant 0 : index
    %get3A_0 = arith.constant 0 : index
    %get3A_1 = vector.load %arg1[%get3A, %get3A_0] : memref<1024x128xf32, #tpu.memory_space<vmem>>, vector<1024x128xf32>
    %get3A_2 = arith.constant 0 : index
    %get3A_3 = arith.constant 0 : index
    %get3A_4 = vector.load %arg2[%get3A_2, %get3A_3] : memref<128x128xf32, #tpu.memory_space<vmem>>, vector<128x128xf32>
    %dot_general3A = arith.constant dense<0.000000e+00> : vector<1024x128xf32>
    %dot_general3A_5 = tpu.matmul %get3A_1, %get3A_4, %dot_general3A {dimension_numbers = #tpu.dot_dimension_numbers<[1], [0], [0], [1], [0, 0, 1, 1], [], []>, transpose_lhs_hint = false} : vector<1024x128xf32>, vector<128x128xf32>, vector<1024x128xf32> -> vector<1024x128xf32>
    %swap3A = arith.constant 0 : index
    %swap3A_6 = arith.constant 0 : index
    %swap3A_7 = vector.load %arg3[%swap3A, %swap3A_6] : memref<1024x128xf32, #tpu.memory_space<vmem>>, vector<1024x128xf32>
    tpu.vector_store %arg3[%swap3A, %swap3A_6], %dot_general3A_5 {strides = array<i32>} : memref<1024x128xf32, #tpu.memory_space<vmem>>, vector<1024x128xf32>,
    return
  }
  func.func @transform_0(%arg0: i32) -> (i32, i32) {
    %c0_i32 = arith.constant 0 : i32
    %c0_i32_0 = arith.constant 0 : i32
    return %arg0, %c0_i32 : i32, i32
  }
  func.func @transform_1(%arg0: i32) -> (i32, i32) {
    %c0_i32 = arith.constant 0 : i32
    %c0_i32_0 = arith.constant 0 : i32
    %c0_i32_1 = arith.constant 0 : i32
    return %c0_i32, %c0_i32_0 : i32, i32
  }
  func.func @transform_2(%arg0: i32) -> (i32, i32) {
    %c0_i32 = arith.constant 0 : i32
    %c0_i32_0 = arith.constant 0 : i32
    return %arg0, %c0_i32 : i32, i32
  }
}

module attributes {stable_mosaic.version = 14 : i64} {
  func.func @_tc_scale_body(%arg0: i32, %arg1: memref<2x1024x128xf32, #tpu.memory_space<vmem>>, %arg2: memref<1024x128xf32, #tpu.memory_space<vmem>>, %arg3: memref<1024x128xf32, #tpu.memory_space<vmem>>) attributes {dimension_semantics = [#tpu.dimension_semantics<arbitrary>], iteration_bounds = array<i64: 10>, scalar_prefetch = 0 : i64, scratch_operands = 0 : i64, tpu.core_type = #tpu.core_type<tc>, window_params = [{transform_indices = @transform_0, window_bounds = array<i64: 2, 1024, 128>}, {transform_indices = @transform_1, window_bounds = array<i64: 1024, 128>}, {transform_indices = @transform_2, window_bounds = array<i64: 1024, 128>}]} {
    %get3A = arith.constant 0 : index
    %get3A_0 = arith.constant 0 : index
    %get3A_1 = vector.load %arg2[%get3A, %get3A_0] : memref<1024x128xf32, #tpu.memory_space<vmem>>, vector<1024x128xf32>
    %get3A_2 = arith.constant 0 : index
    %get3A_3 = arith.constant 0 : index
    %get3A_4 = arith.constant 0 : index
    %get3A_5 = vector.load %arg1[%get3A_2, %get3A_3, %get3A_4] : memref<2x1024x128xf32, #tpu.memory_space<vmem>>, vector<1x1024x1xf32>
    %get3A_6 = vector.shape_cast %get3A_5 : vector<1x1024x1xf32> to vector<1024x1xf32>
    %get3A_7 = arith.constant 1 : index
    %get3A_8 = arith.constant 0 : index
    %get3A_9 = arith.constant 0 : index
    %get3A_10 = vector.load %arg1[%get3A_7, %get3A_8, %get3A_9] : memref<2x1024x128xf32, #tpu.memory_space<vmem>>, vector<1x1024x1xf32>
    %get3A_11 = vector.shape_cast %get3A_10 : vector<1x1024x1xf32> to vector<1024x1xf32>
    %add3A = arith.addf %get3A_6, %get3A_11 : vector<1024x1xf32>
    %add3A_12 = arith.constant 1.000000e+00 : f32
    %add3A_13 = vector.broadcast %add3A_12 : f32 to vector<1024x1xf32>
    %add3A_14 = arith.addf %add3A, %add3A_13 : vector<1024x1xf32>
    %sqrt3A = math.sqrt %add3A_14 : vector<1024x1xf32>
    %div3A = arith.constant 1.000000e+00 : f32
    %div3A_15 = vector.broadcast %div3A : f32 to vector<1024x1xf32>
    %div3A_16 = arith.divf %div3A_15, %sqrt3A : vector<1024x1xf32>
    %mul3A = vector.broadcast %div3A_16 : vector<1024x1xf32> to vector<1024x128xf32>
    %mul3A_17 = arith.mulf %get3A_1, %mul3A : vector<1024x128xf32>
    %swap3A = arith.constant 0 : index
    %swap3A_18 = arith.constant 0 : index
    %swap3A_19 = vector.load %arg3[%swap3A, %swap3A_18] : memref<1024x128xf32, #tpu.memory_space<vmem>>, vector<1024x128xf32>
    tpu.vector_store %arg3[%swap3A, %swap3A_18], %mul3A_17 {strides = array<i32>} : memref<1024x128xf32, #tpu.memory_space<vmem>>, vector<1024x128xf32>,
    return
  }
  func.func @transform_0(%arg0: i32) -> (i32, i32, i32) {
    %c0_i32 = arith.constant 0 : i32
    %c0_i32_0 = arith.constant 0 : i32
    %c0_i32_1 = arith.constant 0 : i32
    return %c0_i32, %arg0, %c0_i32_0 : i32, i32, i32
  }
  func.func @transform_1(%arg0: i32) -> (i32, i32) {
    %c0_i32 = arith.constant 0 : i32
    %c0_i32_0 = arith.constant 0 : i32
    return %arg0, %c0_i32 : i32, i32
  }
  func.func @transform_2(%arg0: i32) -> (i32, i32) {
    %c0_i32 = arith.constant 0 : i32
    %c0_i32_0 = arith.constant 0 : i32
    return %arg0, %c0_i32 : i32, i32
  }
}

module attributes {stable_mosaic.version = 14 : i64} {
  func.func @_tc_mid_body(%arg0: i32, %arg1: memref<2x1024x128xf32, #tpu.memory_space<vmem>>, %arg2: memref<2x1024x128xf32, #tpu.memory_space<vmem>>, %arg3: memref<1024x128xf32, #tpu.memory_space<vmem>>, %arg4: memref<128xf32, #tpu.memory_space<vmem>>, %arg5: memref<128x128xf32, #tpu.memory_space<vmem>>, %arg6: memref<1024x128xf32, #tpu.memory_space<vmem>>) attributes {dimension_semantics = [#tpu.dimension_semantics<arbitrary>], iteration_bounds = array<i64: 10>, scalar_prefetch = 0 : i64, scratch_operands = 0 : i64, tpu.core_type = #tpu.core_type<tc>, window_params = [{transform_indices = @transform_0, window_bounds = array<i64: 2, 1024, 128>}, {transform_indices = @transform_1, window_bounds = array<i64: 2, 1024, 128>}, {transform_indices = @transform_2, window_bounds = array<i64: 1024, 128>}, {pipeline_mode = #tpu.pipeline_mode<synchronous>, transform_indices = @transform_3, window_bounds = array<i64: 128>}, {pipeline_mode = #tpu.pipeline_mode<synchronous>, transform_indices = @transform_4, window_bounds = array<i64: 128, 128>}, {transform_indices = @transform_5, window_bounds = array<i64: 1024, 128>}]} {
    %get3A = arith.constant 0 : index
    %get3A_0 = arith.constant 0 : index
    %get3A_1 = arith.constant 0 : index
    %get3A_2 = vector.load %arg1[%get3A, %get3A_0, %get3A_1] : memref<2x1024x128xf32, #tpu.memory_space<vmem>>, vector<1x1024x1xf32>
    %get3A_3 = vector.shape_cast %get3A_2 : vector<1x1024x1xf32> to vector<1024x1xf32>
    %get3A_4 = arith.constant 1 : index
    %get3A_5 = arith.constant 0 : index
    %get3A_6 = arith.constant 0 : index
    %get3A_7 = vector.load %arg1[%get3A_4, %get3A_5, %get3A_6] : memref<2x1024x128xf32, #tpu.memory_space<vmem>>, vector<1x1024x1xf32>
    %get3A_8 = vector.shape_cast %get3A_7 : vector<1x1024x1xf32> to vector<1024x1xf32>
    %add3A = arith.addf %get3A_3, %get3A_8 : vector<1024x1xf32>
    %add3A_9 = arith.constant 1.000000e+00 : f32
    %add3A_10 = vector.broadcast %add3A_9 : f32 to vector<1024x1xf32>
    %add3A_11 = arith.addf %add3A, %add3A_10 : vector<1024x1xf32>
    %sqrt3A = math.sqrt %add3A_11 : vector<1024x1xf32>
    %div3A = arith.constant 1.000000e+00 : f32
    %div3A_12 = vector.broadcast %div3A : f32 to vector<1024x1xf32>
    %div3A_13 = arith.divf %div3A_12, %sqrt3A : vector<1024x1xf32>
    %get3A_14 = arith.constant 0 : index
    %get3A_15 = arith.constant 0 : index
    %get3A_16 = arith.constant 0 : index
    %get3A_17 = vector.load %arg2[%get3A_14, %get3A_15, %get3A_16] : memref<2x1024x128xf32, #tpu.memory_space<vmem>>, vector<1x1024x128xf32>
    %get3A_18 = vector.shape_cast %get3A_17 : vector<1x1024x128xf32> to vector<1024x128xf32>
    %get3A_19 = arith.constant 1 : index
    %get3A_20 = arith.constant 0 : index
    %get3A_21 = arith.constant 0 : index
    %get3A_22 = vector.load %arg2[%get3A_19, %get3A_20, %get3A_21] : memref<2x1024x128xf32, #tpu.memory_space<vmem>>, vector<1x1024x128xf32>
    %get3A_23 = vector.shape_cast %get3A_22 : vector<1x1024x128xf32> to vector<1024x128xf32>
    %add3A_24 = arith.addf %get3A_18, %get3A_23 : vector<1024x128xf32>
    %get3A_25 = arith.constant 0 : index
    %get3A_26 = arith.constant 0 : index
    %get3A_27 = vector.load %arg3[%get3A_25, %get3A_26] : memref<1024x128xf32, #tpu.memory_space<vmem>>, vector<1024x128xf32>
    %add3A_28 = arith.addf %add3A_24, %get3A_27 : vector<1024x128xf32>
    %mul3A = vector.broadcast %div3A_13 : vector<1024x1xf32> to vector<1024x128xf32>
    %mul3A_29 = arith.mulf %add3A_28, %mul3A : vector<1024x128xf32>
    %get3A_30 = arith.constant 0 : index
    %get3A_31 = vector.load %arg4[%get3A_30] : memref<128xf32, #tpu.memory_space<vmem>>, vector<128xf32>
    %broadcast_in_dim3A = vector.shape_cast %get3A_31 : vector<128xf32> to vector<1x128xf32>
    %add3A_32 = vector.broadcast %broadcast_in_dim3A : vector<1x128xf32> to vector<1024x128xf32>
    %add3A_33 = arith.addf %mul3A_29, %add3A_32 : vector<1024x128xf32>
    %max3A = arith.constant 0.000000e+00 : f32
    %max3A_34 = vector.broadcast %max3A : f32 to vector<1024x128xf32>
    %max3A_35 = arith.maximumf %add3A_33, %max3A_34 : vector<1024x128xf32>
    %get3A_36 = arith.constant 0 : index
    %get3A_37 = arith.constant 0 : index
    %get3A_38 = vector.load %arg5[%get3A_36, %get3A_37] : memref<128x128xf32, #tpu.memory_space<vmem>>, vector<128x128xf32>
    %dot_general3A = arith.constant dense<0.000000e+00> : vector<1024x128xf32>
    %dot_general3A_39 = tpu.matmul %max3A_35, %get3A_38, %dot_general3A {dimension_numbers = #tpu.dot_dimension_numbers<[1], [0], [0], [1], [0, 0, 1, 1], [], []>, transpose_lhs_hint = false} : vector<1024x128xf32>, vector<128x128xf32>, vector<1024x128xf32> -> vector<1024x128xf32>
    %mul3A_40 = vector.broadcast %div3A_13 : vector<1024x1xf32> to vector<1024x128xf32>
    %mul3A_41 = arith.mulf %dot_general3A_39, %mul3A_40 : vector<1024x128xf32>
    %swap3A = arith.constant 0 : index
    %swap3A_42 = arith.constant 0 : index
    %swap3A_43 = vector.load %arg6[%swap3A, %swap3A_42] : memref<1024x128xf32, #tpu.memory_space<vmem>>, vector<1024x128xf32>
    tpu.vector_store %arg6[%swap3A, %swap3A_42], %mul3A_41 {strides = array<i32>} : memref<1024x128xf32, #tpu.memory_space<vmem>>, vector<1024x128xf32>,
    return
  }
  func.func @transform_0(%arg0: i32) -> (i32, i32, i32) {
    %c0_i32 = arith.constant 0 : i32
    %c0_i32_0 = arith.constant 0 : i32
    %c0_i32_1 = arith.constant 0 : i32
    return %c0_i32, %arg0, %c0_i32_0 : i32, i32, i32
  }
  func.func @transform_1(%arg0: i32) -> (i32, i32, i32) {
    %c0_i32 = arith.constant 0 : i32
    %c0_i32_0 = arith.constant 0 : i32
    %c0_i32_1 = arith.constant 0 : i32
    return %c0_i32, %arg0, %c0_i32_0 : i32, i32, i32
  }
  func.func @transform_2(%arg0: i32) -> (i32, i32) {
    %c0_i32 = arith.constant 0 : i32
    %c0_i32_0 = arith.constant 0 : i32
    return %arg0, %c0_i32 : i32, i32
  }
  func.func @transform_3(%arg0: i32) -> i32 {
    %c0_i32 = arith.constant 0 : i32
    %c0_i32_0 = arith.constant 0 : i32
    return %c0_i32 : i32
  }
  func.func @transform_4(%arg0: i32) -> (i32, i32) {
    %c0_i32 = arith.constant 0 : i32
    %c0_i32_0 = arith.constant 0 : i32
    %c0_i32_1 = arith.constant 0 : i32
    return %c0_i32, %c0_i32_0 : i32, i32
  }
  func.func @transform_5(%arg0: i32) -> (i32, i32) {
    %c0_i32 = arith.constant 0 : i32
    %c0_i32_0 = arith.constant 0 : i32
    return %arg0, %c0_i32 : i32, i32
  }
}

module attributes {stable_mosaic.version = 14 : i64} {
  func.func @_tc_last_body(%arg0: i32, %arg1: memref<2x1024x128xf32, #tpu.memory_space<vmem>>, %arg2: memref<2x1024x128xf32, #tpu.memory_space<vmem>>, %arg3: memref<1024x128xf32, #tpu.memory_space<vmem>>, %arg4: memref<128xf32, #tpu.memory_space<vmem>>, %arg5: memref<128x40xf32, #tpu.memory_space<vmem>>, %arg6: memref<40xf32, #tpu.memory_space<vmem>>, %arg7: memref<1024x40xf32, #tpu.memory_space<vmem>>) attributes {dimension_semantics = [#tpu.dimension_semantics<arbitrary>], iteration_bounds = array<i64: 10>, scalar_prefetch = 0 : i64, scratch_operands = 0 : i64, tpu.core_type = #tpu.core_type<tc>, window_params = [{transform_indices = @transform_0, window_bounds = array<i64: 2, 1024, 128>}, {transform_indices = @transform_1, window_bounds = array<i64: 2, 1024, 128>}, {transform_indices = @transform_2, window_bounds = array<i64: 1024, 128>}, {pipeline_mode = #tpu.pipeline_mode<synchronous>, transform_indices = @transform_3, window_bounds = array<i64: 128>}, {pipeline_mode = #tpu.pipeline_mode<synchronous>, transform_indices = @transform_4, window_bounds = array<i64: 128, 40>}, {pipeline_mode = #tpu.pipeline_mode<synchronous>, transform_indices = @transform_5, window_bounds = array<i64: 40>}, {transform_indices = @transform_6, window_bounds = array<i64: 1024, 40>}]} {
    %get3A = arith.constant 0 : index
    %get3A_0 = arith.constant 0 : index
    %get3A_1 = arith.constant 0 : index
    %get3A_2 = vector.load %arg1[%get3A, %get3A_0, %get3A_1] : memref<2x1024x128xf32, #tpu.memory_space<vmem>>, vector<1x1024x1xf32>
    %get3A_3 = vector.shape_cast %get3A_2 : vector<1x1024x1xf32> to vector<1024x1xf32>
    %get3A_4 = arith.constant 1 : index
    %get3A_5 = arith.constant 0 : index
    %get3A_6 = arith.constant 0 : index
    %get3A_7 = vector.load %arg1[%get3A_4, %get3A_5, %get3A_6] : memref<2x1024x128xf32, #tpu.memory_space<vmem>>, vector<1x1024x1xf32>
    %get3A_8 = vector.shape_cast %get3A_7 : vector<1x1024x1xf32> to vector<1024x1xf32>
    %add3A = arith.addf %get3A_3, %get3A_8 : vector<1024x1xf32>
    %add3A_9 = arith.constant 1.000000e+00 : f32
    %add3A_10 = vector.broadcast %add3A_9 : f32 to vector<1024x1xf32>
    %add3A_11 = arith.addf %add3A, %add3A_10 : vector<1024x1xf32>
    %sqrt3A = math.sqrt %add3A_11 : vector<1024x1xf32>
    %div3A = arith.constant 1.000000e+00 : f32
    %div3A_12 = vector.broadcast %div3A : f32 to vector<1024x1xf32>
    %div3A_13 = arith.divf %div3A_12, %sqrt3A : vector<1024x1xf32>
    %get3A_14 = arith.constant 0 : index
    %get3A_15 = arith.constant 0 : index
    %get3A_16 = arith.constant 0 : index
    %get3A_17 = vector.load %arg2[%get3A_14, %get3A_15, %get3A_16] : memref<2x1024x128xf32, #tpu.memory_space<vmem>>, vector<1x1024x128xf32>
    %get3A_18 = vector.shape_cast %get3A_17 : vector<1x1024x128xf32> to vector<1024x128xf32>
    %get3A_19 = arith.constant 1 : index
    %get3A_20 = arith.constant 0 : index
    %get3A_21 = arith.constant 0 : index
    %get3A_22 = vector.load %arg2[%get3A_19, %get3A_20, %get3A_21] : memref<2x1024x128xf32, #tpu.memory_space<vmem>>, vector<1x1024x128xf32>
    %get3A_23 = vector.shape_cast %get3A_22 : vector<1x1024x128xf32> to vector<1024x128xf32>
    %add3A_24 = arith.addf %get3A_18, %get3A_23 : vector<1024x128xf32>
    %get3A_25 = arith.constant 0 : index
    %get3A_26 = arith.constant 0 : index
    %get3A_27 = vector.load %arg3[%get3A_25, %get3A_26] : memref<1024x128xf32, #tpu.memory_space<vmem>>, vector<1024x128xf32>
    %add3A_28 = arith.addf %add3A_24, %get3A_27 : vector<1024x128xf32>
    %mul3A = vector.broadcast %div3A_13 : vector<1024x1xf32> to vector<1024x128xf32>
    %mul3A_29 = arith.mulf %add3A_28, %mul3A : vector<1024x128xf32>
    %get3A_30 = arith.constant 0 : index
    %get3A_31 = vector.load %arg4[%get3A_30] : memref<128xf32, #tpu.memory_space<vmem>>, vector<128xf32>
    %broadcast_in_dim3A = vector.shape_cast %get3A_31 : vector<128xf32> to vector<1x128xf32>
    %add3A_32 = vector.broadcast %broadcast_in_dim3A : vector<1x128xf32> to vector<1024x128xf32>
    %add3A_33 = arith.addf %mul3A_29, %add3A_32 : vector<1024x128xf32>
    %max3A = arith.constant 0.000000e+00 : f32
    %max3A_34 = vector.broadcast %max3A : f32 to vector<1024x128xf32>
    %max3A_35 = arith.maximumf %add3A_33, %max3A_34 : vector<1024x128xf32>
    %get3A_36 = arith.constant 0 : index
    %get3A_37 = arith.constant 0 : index
    %get3A_38 = vector.load %arg5[%get3A_36, %get3A_37] : memref<128x40xf32, #tpu.memory_space<vmem>>, vector<128x40xf32>
    %dot_general3A = arith.constant dense<0.000000e+00> : vector<1024x40xf32>
    %dot_general3A_39 = tpu.matmul %max3A_35, %get3A_38, %dot_general3A {dimension_numbers = #tpu.dot_dimension_numbers<[1], [0], [0], [1], [0, 0, 1, 1], [], []>, transpose_lhs_hint = false} : vector<1024x128xf32>, vector<128x40xf32>, vector<1024x40xf32> -> vector<1024x40xf32>
    %get3A_40 = arith.constant 0 : index
    %get3A_41 = vector.load %arg6[%get3A_40] : memref<40xf32, #tpu.memory_space<vmem>>, vector<40xf32>
    %broadcast_in_dim3A_42 = vector.shape_cast %get3A_41 : vector<40xf32> to vector<1x40xf32>
    %add3A_43 = vector.broadcast %broadcast_in_dim3A_42 : vector<1x40xf32> to vector<1024x40xf32>
    %add3A_44 = arith.addf %dot_general3A_39, %add3A_43 : vector<1024x40xf32>
    %swap3A = arith.constant 0 : index
    %swap3A_45 = arith.constant 0 : index
    %swap3A_46 = vector.load %arg7[%swap3A, %swap3A_45] : memref<1024x40xf32, #tpu.memory_space<vmem>>, vector<1024x40xf32>
    tpu.vector_store %arg7[%swap3A, %swap3A_45], %add3A_44 {strides = array<i32>} : memref<1024x40xf32, #tpu.memory_space<vmem>>, vector<1024x40xf32>,
    return
  }
  func.func @transform_0(%arg0: i32) -> (i32, i32, i32) {
    %c0_i32 = arith.constant 0 : i32
    %c0_i32_0 = arith.constant 0 : i32
    %c0_i32_1 = arith.constant 0 : i32
    return %c0_i32, %arg0, %c0_i32_0 : i32, i32, i32
  }
  func.func @transform_1(%arg0: i32) -> (i32, i32, i32) {
    %c0_i32 = arith.constant 0 : i32
    %c0_i32_0 = arith.constant 0 : i32
    %c0_i32_1 = arith.constant 0 : i32
    return %c0_i32, %arg0, %c0_i32_0 : i32, i32, i32
  }
  func.func @transform_2(%arg0: i32) -> (i32, i32) {
    %c0_i32 = arith.constant 0 : i32
    %c0_i32_0 = arith.constant 0 : i32
    return %arg0, %c0_i32 : i32, i32
  }
  func.func @transform_3(%arg0: i32) -> i32 {
    %c0_i32 = arith.constant 0 : i32
    %c0_i32_0 = arith.constant 0 : i32
    return %c0_i32 : i32
  }
  func.func @transform_4(%arg0: i32) -> (i32, i32) {
    %c0_i32 = arith.constant 0 : i32
    %c0_i32_0 = arith.constant 0 : i32
    %c0_i32_1 = arith.constant 0 : i32
    return %c0_i32, %c0_i32_0 : i32, i32
  }
  func.func @transform_5(%arg0: i32) -> i32 {
    %c0_i32 = arith.constant 0 : i32
    %c0_i32_0 = arith.constant 0 : i32
    return %c0_i32 : i32
  }
  func.func @transform_6(%arg0: i32) -> (i32, i32) {
    %c0_i32 = arith.constant 0 : i32
    %c0_i32_0 = arith.constant 0 : i32
    return %arg0, %c0_i32 : i32, i32
  }
}

</mosaic_0001>

<sc_bundles>
// kernel: kernel.12.cloned.1.call-start
scs
__scs_entry_jumppad:
0x0: {  	(pc) =	sbr.rel $0x88, $3  }
0x1: {  	(tag) =	ssettag $0x0;
	lr =	simm.s32 $0x1  }
0x2: {  	[smem:$0x3F99] =	sst lr;
	_ =	strace $0xD0000000  }
0x3: {  	_ = 	snop  }
0x4: {  	_ = 	snop  }
0x5: {  	_ = 	snop  }
0x6: {  	_ = 	snop  }
0x7: {  	_ = 	snop  }
__scs_overlays_trampoline_lowered:
0x8: {  	[smem:$0x3FA8] =	sst s0  }
0x9: {  	[smem:$0x3FA9] =	sst s1  }
0xa: {  	[smem:$0x3FAA] =	sst s2  }
0xb: {  	[smem:$0x3FAB] =	sst s3  }
0xc: {  	[smem:$0x3FAC] =	sst s4  }
0xd: {  	[smem:$0x3FAD] =	sst s5  }
0xe: {  	[smem:$0x3FAE] =	sst s6  }
0xf: {  	[smem:$0x3FAF] =	sst s7  }
0x10: {  	[smem:$0x3FB0] =	sst s8  }
0x11: {  	[smem:$0x3FB1] =	sst s9;
	s0 =	simm.s32 @!p0 $0x0  }
0x12: {  	s1 =	sld [smem:$0x3F97];
	s0 =	simm.s32 @p0 $0x1  }
0x13: {  	[smem:$0x3FB2] =	sst s0;
	s0 =	simm.s32 @!p1 $0x0  }
0x14: {  	s2 =	sld [smem:$0x3F96];
	s0 =	simm.s32 @p1 $0x1  }
0x15: {  	[smem:$0x3FB3] =	sst s0;
	s0 =	simm.s32 @!p2 $0x0  }
0x16: {  	s3 =	sld [smem:$0x3FDB];
	s0 =	simm.s32 @p2 $0x1  }
0x17: {  	s4 =	simm.s32 $0x1BF5;
	[smem:$0x3FB5] =	sst s0  }
0x18: {  	s0 =	sld [smem:$0x3F98];
	_ =	swait.ge [sflag:s4], $0x0  }
0x19: {  	s7 =	sld [smem:$0x3F99]  }
0x1a: {  	s8 =	sadd.s32 $0xFFFFE003, lr  }
0x1b: {  	s9 =	sadd.s32 $0xFFFFFEF7, lr;
	s5 =	simm.s32 $0xFFFFFFFF;
	p2 =	slt.u32 s8, $0xFFFFF086  }
0x1c: {  	p1 =	slt.u32 s9, $0xF7A;
	s5 =	simm.s32 @!p2 $0x0  }
0x1d: {  	s5 =	simm.s32 @p1 $0x1;
	p0 =	seq.s32 s7, s2  }
0x1e: {  	s7 =	smul.u32 @!p0 $0xF7A, s2;
	p2 =	seq.s32 @!p0 s5, $0x0  }
0x1f: {  	s9 =	smul.u32 $0xF7A, s1;
	s8 =	simm.s32 @!p0 $0x1BF5;
	p2 =	por !p2, p0  }
0x20: {  	[sflag:s8] =	ssyncset.s32 @!p0 $0xFFFFF086;
	s6 =	sadd.s32 @!p0 s3, s7;
	s7 =	simm.s32 @!p0 $0x108  }
0x21: {  	s3 =	sadd.s32 s3, s9;
	s6 =	sadd.s32 @!p0 $0x88, s6;
	s7 =	simm.s32 @p2 $0x1082  }
0x22: {  	[simem:s7], [sflag:s8] =	dma.local @!p0 [hbm:s6], $0xF7A  }
0x23: {  	s9 =	sor.u32 $0xD0000000, s2;
	s6 =	simm.s32 $0x108;
	_ =	swait.ge @!p0 [sflag:s8], $0x0  }
0x24: {  	s3 =	sadd.s32 $0x88, s3;
	s6 =	simm.s32 @!p1 $0x1082;
	[sflag:s4] =	ssyncset.s32 $0xFFFFF086  }
0x25: {  	[simem:s6], [sflag:s4] =	dma.local [hbm:s3], $0xF7A  }
0x26: {  	[smem:$0x3F99] =	sst s1;
	(tag) =	ssettag s2;
	_ =	strace s9  }
0x27: {  	s1 =	sld [smem:$0x3FA9]  }
0x28: {  	s2 =	sld [smem:$0x3FAA]  }
0x29: {  	s4 =	sld [smem:$0x3FAC]  }
0x2a: {  	p0 =	seq.s32 s5, $0x0;
	s5 =	sld [smem:$0x3FAD]  }
0x2b: {  	s6 =	sld [smem:$0x3FAE]  }
0x2c: {  	s7 =	sld [smem:$0x3FAF]  }
0x2d: {  	s3 =	simm.s32 $0x108;
	s8 =	sld [smem:$0x3FB0]  }
0x2e: {  	s3 =	simm.s32 @!p0 $0x1082;
	s9 =	sld [smem:$0x3FB1]  }
0x2f: {  	lr =	sadd.s32 s0, s3;
	s0 =	sld [smem:$0x3FA8]  }
0x30: {  	s3 =	sld [smem:$0x3FAB]  }
0x31: {  	[smem:$0x3FB4] =	sst s10  }
0x32: {  	s10 =	sld [smem:$0x3FB2];
	_ =	sdelay $0x3  }
0x33: {  	p0 =	seq.s32 s10, $0x1;
	s10 =	sld [smem:$0x3FB4];
	_ =	sdelay $0x3  }
0x34: {  	[smem:$0x3FB4] =	sst s10  }
0x35: {  	s10 =	sld [smem:$0x3FB3];
	_ =	sdelay $0x3  }
0x36: {  	p1 =	seq.s32 s10, $0x1;
	s10 =	sld [smem:$0x3FB4];
	_ =	sdelay $0x3  }
0x37: {  	[smem:$0x3FB4] =	sst s10  }
0x38: {  	s10 =	sld [smem:$0x3FB5]  }
0x39: {  	_ = 	snop;
	(pc) =	sbr.ind lr, $3  }
0x3a: {  	_ = 	snop  }
0x3b: {  	_ = 	snop  }
0x3c: {  	p2 =	seq.s32 s10, $0x1;
	s10 =	sld [smem:$0x3FB4]  }
0x3d: {  	_ =	shalt  }
0x3e: {  	_ =	shalt  }
0x3f: {  	_ =	shalt  }
0x40: {  	_ =	shalt  }
0x41: {  	_ =	shalt  }
0x42: {  	_ =	shalt  }
0x43: {  	_ =	shalt  }
0x44: {  	_ =	shalt  }
0x45: {  	_ =	shalt  }
0x46: {  	_ =	shalt  }
0x47: {  	_ =	shalt  }
0x48: {  	_ =	shalt  }
0x49: {  	_ =	shalt  }
0x4a: {  	_ =	shalt  }
0x4b: {  	_ =	shalt  }
0x4c: {  	_ =	shalt  }
0x4d: {  	_ =	shalt  }
0x4e: {  	_ =	shalt  }
0x4f: {  	_ =	shalt  }
0x50: {  	_ =	shalt  }
0x51: {  	_ =	shalt  }
0x52: {  	_ =	shalt  }
0x53: {  	_ =	shalt  }
0x54: {  	_ =	shalt  }
0x55: {  	_ =	shalt  }
0x56: {  	_ =	shalt  }
0x57: {  	_ =	shalt  }
0x58: {  	_ =	shalt  }
0x59: {  	_ =	shalt  }
0x5a: {  	_ =	shalt  }
0x5b: {  	_ =	shalt  }
0x5c: {  	_ =	shalt  }
0x5d: {  	_ =	shalt  }
0x5e: {  	_ =	shalt  }
0x5f: {  	_ =	shalt  }
0x60: {  	_ =	shalt  }
0x61: {  	_ =	shalt  }
0x62: {  	_ =	shalt  }
0x63: {  	_ =	shalt  }
0x64: {  	_ =	shalt  }
0x65: {  	_ =	shalt  }
0x66: {  	_ =	shalt  }
0x67: {  	_ =	shalt  }
0x68: {  	_ =	shalt  }
0x69: {  	_ =	shalt  }
0x6a: {  	_ =	shalt  }
0x6b: {  	_ =	shalt  }
0x6c: {  	_ =	shalt  }
0x6d: {  	_ =	shalt  }
0x6e: {  	_ =	shalt  }
0x6f: {  	_ =	shalt  }
0x70: {  	_ =	shalt  }
0x71: {  	_ =	shalt  }
0x72: {  	_ =	shalt  }
0x73: {  	_ =	shalt  }
0x74: {  	_ =	shalt  }
0x75: {  	_ =	shalt  }
0x76: {  	_ =	shalt  }
0x77: {  	_ =	shalt  }
0x78: {  	_ =	shalt  }
0x79: {  	_ =	shalt  }
0x7a: {  	_ =	shalt  }
0x7b: {  	_ =	shalt  }
0x7c: {  	_ =	shalt  }
0x7d: {  	_ =	shalt  }
0x7e: {  	_ =	shalt  }
0x7f: {  	_ =	shalt  }
0x80: {  	_ =	shalt  }
0x81: {  	_ =	shalt  }
0x82: {  	_ =	shalt  }
0x83: {  	_ =	shalt  }
0x84: {  	_ =	shalt  }
0x85: {  	_ =	shalt  }
0x86: {  	_ =	shalt  }
0x87: {  	_ =	shalt  }
.Lfunc_end0:
.L_simem_size_0:
called_computation.1_lowered:
.L_overlay_start_0:
0x88: {  	s2 =	sld [smem:$0x3FD9]  }
0x89: {  	s3 =	sld [smem:$0x3FFE];
	_ =	sdelay $0x1  }
0x8a: {  	s1 =	srdreg.scid  }
0x8b: {  	s0 =	sand.u32 $0x1, s1  }
0x8c: {  	s16 =	sshll.u32 s0, $0xA;
	s2 =	sadd.s32 s3, s2  }
0x8d: {  	s2 =	sadd.s32 s2, s16  }
0x8e: {  	[smem:$0x3FC0] =	sst s2  }
0x8f: {  	_ = 	snop  }
0x90: {  	(tm) =	ssettm $0x1  }
0x91: {  	s17 =	sld [smem:$0x3FFB];
	_ =	sdelay $0x3  }
0x92: {  	_ =	strace s17  }
0x93: {  	s2 =	sld [smem:$0x3FFC];
	_ =	sdelay $0x3  }
0x94: {  	_ =	strace s2  }
0x95: {  	s2 =	sld [smem:$0x3FFD];
	_ =	sdelay $0x3  }
0x96: {  	_ =	strace s2  }
0x97: {  	_ =	strace $0x8FFFFFFF  }
0x98: {  	s18 =	sld [smem:$0x3FDB];
	_ =	sdelay $0x1  }
0x99: {  	s19 =	simm.s32 $_scs_section_size  }
0x9a: {  	s4 =	simm.s32 $_size__tile_overlayer_lowered;
	s5 =	simm.s32 $_tile_overlayer_lowered  }
0x9b: {  	s22 =	simm.s32 $0x1BFF;
	s21 =	sshll.u32 s5, $0x1;
	s2 =	sadd.s32 s19, s18  }
0x9c: {  	s6 =	simm.s32 $0x0;
	s20 =	sshll.u32 s4, $0x1;
	s4 =	sadd.s32 s21, s2  }
0x9d: {  	[timem:s6], [sflag:s22] =	dma.local [hbm:s4], s20  }
0x9e: {  	_ =	swait.ge [sflag:s22], s20  }
0x9f: {  	s3 =	ssub.s32 $0x0, s20;
	[sflag:s22] =	ssyncset.done $0x0  }
0xa0: {  	[sflag:s22] =	ssyncadd.s32 s3;
	_ =	sdelay $0x1  }
0xa1: {  	s23 =	simm.s32 $0x1B8B  }
0xa2: {  	_ =	swait.ge [sflag:s23], $0x1  }
0xa3: {  	[sflag:s23] =	ssyncset.done $0x0  }
0xa4: {  	s25 =	simm.s32 $0x1B8E;
	s24 =	sld [smem:$0x3FFE];
	[sflag:s23] =	ssyncadd.s32 $0xFFFFFFFF  }
0xa5: {  	s26 =	simm.s32 $execute0_lowered;
	[smem:$0x3FD2] =	sst s25  }
0xa6: {  	s4 =	sshll.u32 s26, $0x1;
	_ =	strace $0x80000049;
	[dreg:$0x1] =	wrdreg $0xFFFFFFFF  }
0xa7: {  	s28 =	simm.s32 $_size_execute0_lowered;
	s2 =	sadd.s32 s2, s4;
	[dreg:$0x0] =	wrdreg $0x0  }
0xa8: {  	s4 =	sshll.u32 s28, $0x1;
	[dreg:$0x2] =	wrdreg s2  }
0xa9: {  	[dreg:$0x3] =	wrdreg s4  }
0xaa: {  	[dreg:$0x4] =	wrdreg $0xC0  }
0xab: {  	_ =	task [dreg:s6], $0x5FFFF  }
0xac: {  	[dreg:$0x1] =	wrdreg $0xFFFFFFFF  }
0xad: {  	[dreg:$0x0] =	wrdreg $0x60  }
0xae: {  	[dreg:$0x2] =	wrdreg s24  }
0xaf: {  	[dreg:$0x3] =	wrdreg $0xA8000  }
0xb0: {  	[dreg:$0x4] =	wrdreg $0x9  }
0xb1: {  	_ =	task.clear_ibuf [dreg:s6], $0x5FFFF;
	_ =	strace $0x90000049  }
0xb2: {  	s29 =	simm.s32 $0x9;
	_ =	strace $0x8000004B  }
0xb3: {  	_ =	swait.ge [sflag:s29], $0x1  }
0xb4: {  	[sflag:s29] =	ssyncadd.s32 $0xFFFFFFFF  }
0xb5: {  	_ =	strace $0x9000004B  }
0xb6: {  	_ =	sfence  }
0xb7: {  	s30 =	sld [smem:$0x0];
	_ =	sdelay $0x2  }
0xb8: {  	s31 =	sshll.u32 s1, $0xD;
	s1 =	sshrl.u32 s1, $0x2  }
0xb9: {  	s3 =	sand.u32 $0x4000, s31;
	s1 =	sadd.s32 s1, s30  }
0xba: {  	s0 =	sor.u32 s3, s0;
	s1 =	sshll.u32 s1, $0x11  }
0xbb: {  	s0 =	sor.u32 s1, s0  }
0xbc: {  	s0 =	sadd.s32 $0x8F2B, s0  }
0xbd: {  	[sflag:s0] =	ssyncadd.remote.s32 $0x1  }
0xbe: {  	_ =	sfence.sel $0xFFFF  }
0xbf: {  	[dreg:$0x0] =	wrdreg $0xFFFFFFFF;
	(pc) =	sbr.abs _section_cstart, $3  }
0xc0: {  	[dreg:$0x1] =	wrdreg $0xFFFFFFFF  }
0xc1: {  	_ =	task.clear_ibuf [dreg:s6], $0x2FFFF;
	_ =	strace $0x9FFFFFFF  }
0xc2: {  	(tm) =	ssettm $0x7FFFFFFF  }
0xc3: {  	_ =	shalt  }
tec
execute0_lowered:
.L_overlay_start_1:
0x0: {  	(tag) =	ssettag $0x1  }
0x1: {  	s5 =	rddreg [dreg:$0x0]  }
0x2: {  	s2 =	rddreg [dreg:$0x1]  }
0x3: {  	s0 =	rddreg [dreg:$0x2]  }
0x4: {  	s3 =	simm.s32 $0x0;
	s1 =	stileid.u32;
	s4 =	srdreg.scid  }
0x5: {  	s16 =	simm.s32 $0x7D;
	s17 =	simm.s32 $0x2800;
	s18 =	simm.s32 $0x80  }
0x6: {  	s19 =	simm.s32 $0x6800;
	s20 =	simm.s32 $0x1;
	s21 =	simm.s32 $0x2  }
0x7: {  	s22 =	simm.s32 $0x2700;
	s23 =	simm.s32 $0x2780;
	s24 =	simm.s32 $0x0  }
0x8: {  	[smem:$0x7FF] =	sst s3;
	s6 =	smul.u32 $0x14000, s1;
	s7 =	sand.u32 $0x1, s4  }
0x9: {  	s4 =	sadd.s32 $0x2A200, s5;
	s9 =	sadd.s32 $0x84A00, s5;
	s10 =	sadd.s32 $0x7AA00, s5  }
0xa: {  	s12 =	smul.u32 $0x50000, s1;
	s30 =	sshll.u32 s1, $0x6;
	_ =	strace $0x8000004A  }
0xb: {  	s8 =	smul.u32 $0x140000, s7;
	s28 =	sshll.u32 s7, $0x4;
	s7 =	ssub.s32 $0x2, s7  }
0xc: {  	s11 =	sshrl.u32 s6, $0x3;
	s13 =	sshrl.u32 s7, $0x1;
	s29 =	sshrl.u32 s12, $0x2  }
0xd: {  	s11 =	sadd.s32 s11, s5;
	s6 =	sadd.s32 s6, s8;
	s8 =	sor.u32 s1, s28  }
0xe: {  	s13 =	ssub.s32 s7, s13;
	s15 =	sadd.s32 s29, s2;
	s6 =	sshrl.u32 s6, $0x3  }
0xf: {  	s8 =	smul.u32 $0x2800, s8;
	s12 =	smax.u32 s13, $0x1;
	s13 =	sshrl.u32 s15, $0x3  }
0x10: {  	s15 =	simm.s32 $0x1400;
	s14 =	sadd.s32 s6, s5;
	s5 =	sadd.s32 $0x2200, s11  }
0x11: {  	s6 =	sor.u32 $0x1C03, s30;
	s8 =	sshrl.u32 s8, $0x3;
	s11 =	sadd.s32 $0x8EA00, s14  }
0x12: {  	s14 =	simm.s32 $0x3;
	s31 =	sadd.s32 $0x280, s8;
	s7 =	sadd.s32 s9, s8  }
0x13: {  	s8 =	sadd.s32 s10, s8;
	s9 =	sadd.s32 s9, s31;
	s10 =	sadd.s32 s10, s31  }
.LBB2_1:
0x14: {  	[spmem:s13], [sflag:s6] =	dma.local [hbm:s5], $0x2800  }
0x15: {  	_ =	swait.ge [sflag:s14], $0x2800  }
0x16: {  	[sflag:s14] =	ssyncset.done $0x0  }
0x17: {  	[sflag:s14] =	ssyncadd.s32 $0xFFFFD800  }
0x18: {  	[bflag:$0x0] =	sbarrier.arrive $0xFFFF  }
0x19: {  	[tilespmem:s3], [sflag:$0x3] =	stream.linear.gather [hbm4b:s7+s3], $0x1400, $0x38;
	[tilespmem:$0x1E800] =	vst v63  }
0x1a: {  	_ =	swait.ge [sflag:s14], $0x1400  }
0x1b: {  	[sflag:s14] =	ssyncset.done $0x0  }
0x1c: {  	[sflag:s14] =	ssyncadd.s32 $0xFFFFEC00  }
0x1d: {  	[tilespmem:s15], [sflag:$0x3] =	stream.linear.gather [hbm4b:s8+s3], $0x1400, $0x38;
	[tilespmem:$0x1E800] =	vst v63  }
0x1e: {  	_ =	swait.ge [sflag:s14], $0x1400  }
0x1f: {  	[sflag:s14] =	ssyncset.done $0x0  }
0x20: {  	[sflag:s14] =	ssyncadd.s32 $0xFFFFEC00  }
0x21: {  	[tilespmem:s17], [sflag:$0x1] =	stream.indirect.gather [hbm4b:s4+s16], $0x80, s3, s16, $0xb8;
	[tilespmem:$0x1E800] =	vst v63  }
0x22: {  	_ = 	snop  }
0x23: {  	[tilespmem:s19], [sflag:$0x2] =	stream.indirect.gather [hbm4b:s4+s16], $0x80, s18, s16, $0xb8;
	[tilespmem:$0x1E800] =	vst v63  }
0x24: {  	_ =	swait.ge [sflag:s20], $0x3E80  }
0x25: {  	[sflag:s20] =	ssyncset.done $0x0  }
0x26: {  	s25 =	simm.s32 $0x1400;
	[sflag:s20] =	ssyncadd.s32 $0xFFFFC180  }
0x27: {  	[spmem:s2] =	stream.indirect.scatter.add.f32 [tilespmem:s17], [sflag:$0x3], $0x80, s25, s16, $0xb8;
	[tilespmem:$0x1E800] =	vst v63  }
0x28: {  	_ =	swait.ge [sflag:s14], $0x3E80  }
0x29: {  	[sflag:s14] =	ssyncset.done $0x0  }
0x2a: {  	s30 =	simm.s32 $0x100;
	[sflag:s14] =	ssyncadd.s32 $0xFFFFC180  }
0x2b: {  	[tilespmem:s17], [sflag:$0x1] =	stream.indirect.gather [hbm4b:s4+s16], $0x80, s30, s16, $0xb8;
	[tilespmem:$0x1E800] =	vst v63  }
0x2c: {  	_ =	swait.ge [sflag:s21], $0x3E80  }
0x2d: {  	[sflag:s21] =	ssyncset.done $0x0  }
0x2e: {  	s31 =	simm.s32 $0x1480;
	[sflag:s21] =	ssyncadd.s32 $0xFFFFC180  }
0x2f: {  	[spmem:s2] =	stream.indirect.scatter.add.f32 [tilespmem:s19], [sflag:$0x3], $0x80, s31, s16, $0xb8;
	[tilespmem:$0x1E800] =	vst v63  }
0x30: {  	_ =	swait.ge [sflag:s14], $0x3E80  }
0x31: {  	[sflag:s14] =	ssyncset.done $0x0  }
0x32: {  	s26 =	simm.s32 $0x180;
	s25 =	simm.s32 $0x400;
	[sflag:s14] =	ssyncadd.s32 $0xFFFFC180  }
.LBB2_2:
0x33: {  	[tilespmem:s19], [sflag:$0x2] =	stream.indirect.gather [hbm4b:s4+s16], $0x80, s26, s16, $0xb8;
	[tilespmem:$0x1E800] =	vst v63  }
0x34: {  	s26 =	smov.u32 s25  }
0x35: {  	p0 =	sne.s32 s25, $0x4800;
	s25 =	sadd.s32 $0x400, s25;
	_ =	swait.ge [sflag:s20], $0x3E80  }
0x36: {  	s26 =	sshra.s32 s26, $0x2;
	[sflag:s20] =	ssyncset.done $0x0  }
0x37: {  	s28 =	sadd.s32 $0x1400, s26;
	[sflag:s20] =	ssyncadd.s32 $0xFFFFC180  }
0x38: {  	[spmem:s2] =	stream.indirect.scatter.add.f32 [tilespmem:s17], [sflag:$0x3], $0x80, s28, s16, $0xb8;
	[tilespmem:$0x1E800] =	vst v63  }
0x39: {  	_ =	swait.ge [sflag:s14], $0x3E80  }
0x3a: {  	[sflag:s14] =	ssyncset.done $0x0  }
0x3b: {  	s28 =	sadd.s32 $0x100, s26;
	[sflag:s14] =	ssyncadd.s32 $0xFFFFC180  }
0x3c: {  	[tilespmem:s17], [sflag:$0x1] =	stream.indirect.gather [hbm4b:s4+s16], $0x80, s28, s16, $0xb8;
	[tilespmem:$0x1E800] =	vst v63  }
0x3d: {  	_ =	swait.ge [sflag:s21], $0x3E80  }
0x3e: {  	[sflag:s21] =	ssyncset.done $0x0  }
.Ltmp0:
0x3f: {  	s28 =	sadd.s32 $0x1480, s26;
	[sflag:s21] =	ssyncadd.s32 $0xFFFFC180;
	(pc) =	sbr.rel @p0 .LBB2_2-.Ltmp0, $4  }
0x40: {  	[spmem:s2] =	stream.indirect.scatter.add.f32 [tilespmem:s19], [sflag:$0x3], $0x80, s28, s16, $0xb8;
	[tilespmem:$0x1E800] =	vst v63  }
0x41: {  	_ =	swait.ge [sflag:s14], $0x3E80  }
0x42: {  	[sflag:s14] =	ssyncset.done $0x0  }
0x43: {  	s26 =	sadd.s32 $0x180, s26;
	[sflag:s14] =	ssyncadd.s32 $0xFFFFC180  }
0x44: {  	[tilespmem:s19], [sflag:$0x2] =	stream.indirect.gather [hbm4b:s4+s16], $0x80, s26, s16, $0xb8;
	[tilespmem:$0x1E800] =	vst v63  }
0x45: {  	_ =	swait.ge [sflag:s20], $0x3E80  }
0x46: {  	[sflag:s20] =	ssyncset.done $0x0  }
0x47: {  	[sflag:s20] =	ssyncadd.s32 $0xFFFFC180  }
0x48: {  	[spmem:s2] =	stream.indirect.scatter.add.f32 [tilespmem:s17], [sflag:$0x3], $0x80, s22, s16, $0xb8;
	[tilespmem:$0x1E800] =	vst v63  }
0x49: {  	_ =	swait.ge [sflag:s14], $0x3E80  }
0x4a: {  	[sflag:s14] =	ssyncset.done $0x0  }
0x4b: {  	[sflag:s14] =	ssyncadd.s32 $0xFFFFC180  }
0x4c: {  	_ =	swait.ge [sflag:s21], $0x3E80  }
0x4d: {  	[sflag:s21] =	ssyncset.done $0x0  }
0x4e: {  	[sflag:s21] =	ssyncadd.s32 $0xFFFFC180  }
0x4f: {  	[spmem:s2] =	stream.indirect.scatter.add.f32 [tilespmem:s19], [sflag:$0x3], $0x80, s23, s16, $0xb8;
	[tilespmem:$0x1E800] =	vst v63  }
0x50: {  	_ =	swait.ge [sflag:s14], $0x3E80  }
0x51: {  	[sflag:s14] =	ssyncset.done $0x0  }
0x52: {  	s25 =	simm.s32 $0x0;
	[sflag:s14] =	ssyncadd.s32 $0xFFFFC180  }
0x53: {  	[tilespmem:s25], [sflag:$0x3] =	stream.linear.gather [hbm4b:s9+s25], $0x1400, $0x38;
	[tilespmem:$0x1E800] =	vst v63  }
0x54: {  	_ =	swait.ge [sflag:s14], $0x1400  }
0x55: {  	[sflag:s14] =	ssyncset.done $0x0  }
0x56: {  	[sflag:s14] =	ssyncadd.s32 $0xFFFFEC00  }
0x57: {  	[tilespmem:s15], [sflag:$0x3] =	stream.linear.gather [hbm4b:s10+s25], $0x1400, $0x38;
	[tilespmem:$0x1E800] =	vst v63  }
0x58: {  	_ =	swait.ge [sflag:s14], $0x1400  }
0x59: {  	[sflag:s14] =	ssyncset.done $0x0  }
0x5a: {  	[sflag:s14] =	ssyncadd.s32 $0xFFFFEC00  }
0x5b: {  	[tilespmem:s17], [sflag:$0x1] =	stream.indirect.gather [hbm4b:s4+s16], $0x80, s25, s16, $0xb8;
	[tilespmem:$0x1E800] =	vst v63  }
0x5c: {  	_ = 	snop  }
0x5d: {  	[tilespmem:s19], [sflag:$0x2] =	stream.indirect.gather [hbm4b:s4+s16], $0x80, s18, s16, $0xb8;
	[tilespmem:$0x1E800] =	vst v63  }
0x5e: {  	_ =	swait.ge [sflag:s20], $0x3E80  }
0x5f: {  	[sflag:s20] =	ssyncset.done $0x0  }
0x60: {  	s29 =	simm.s32 $0x1400;
	[sflag:s20] =	ssyncadd.s32 $0xFFFFC180  }
0x61: {  	[spmem:s2] =	stream.indirect.scatter.add.f32 [tilespmem:s17], [sflag:$0x3], $0x80, s29, s16, $0xb8;
	[tilespmem:$0x1E800] =	vst v63  }
0x62: {  	_ =	swait.ge [sflag:s14], $0x3E80  }
0x63: {  	[sflag:s14] =	ssyncset.done $0x0  }
0x64: {  	s30 =	simm.s32 $0x100;
	[sflag:s14] =	ssyncadd.s32 $0xFFFFC180  }
0x65: {  	[tilespmem:s17], [sflag:$0x1] =	stream.indirect.gather [hbm4b:s4+s16], $0x80, s30, s16, $0xb8;
	[tilespmem:$0x1E800] =	vst v63  }
0x66: {  	_ =	swait.ge [sflag:s21], $0x3E80  }
0x67: {  	[sflag:s21] =	ssyncset.done $0x0  }
0x68: {  	s31 =	simm.s32 $0x1480;
	[sflag:s21] =	ssyncadd.s32 $0xFFFFC180  }
0x69: {  	[spmem:s2] =	stream.indirect.scatter.add.f32 [tilespmem:s19], [sflag:$0x3], $0x80, s31, s16, $0xb8;
	[tilespmem:$0x1E800] =	vst v63  }
0x6a: {  	_ =	swait.ge [sflag:s14], $0x3E80  }
0x6b: {  	[sflag:s14] =	ssyncset.done $0x0  }
0x6c: {  	s26 =	simm.s32 $0x180;
	s25 =	simm.s32 $0x400;
	[sflag:s14] =	ssyncadd.s32 $0xFFFFC180  }
.LBB2_4:
0x6d: {  	[tilespmem:s19], [sflag:$0x2] =	stream.indirect.gather [hbm4b:s4+s16], $0x80, s26, s16, $0xb8;
	[tilespmem:$0x1E800] =	vst v63  }
0x6e: {  	s26 =	smov.u32 s25  }
0x6f: {  	p0 =	sne.s32 s25, $0x4800;
	s25 =	sadd.s32 $0x400, s25;
	_ =	swait.ge [sflag:s20], $0x3E80  }
0x70: {  	s26 =	sshra.s32 s26, $0x2;
	[sflag:s20] =	ssyncset.done $0x0  }
0x71: {  	s28 =	sadd.s32 $0x1400, s26;
	[sflag:s20] =	ssyncadd.s32 $0xFFFFC180  }
0x72: {  	[spmem:s2] =	stream.indirect.scatter.add.f32 [tilespmem:s17], [sflag:$0x3], $0x80, s28, s16, $0xb8;
	[tilespmem:$0x1E800] =	vst v63  }
0x73: {  	_ =	swait.ge [sflag:s14], $0x3E80  }
0x74: {  	[sflag:s14] =	ssyncset.done $0x0  }
0x75: {  	s28 =	sadd.s32 $0x100, s26;
	[sflag:s14] =	ssyncadd.s32 $0xFFFFC180  }
0x76: {  	[tilespmem:s17], [sflag:$0x1] =	stream.indirect.gather [hbm4b:s4+s16], $0x80, s28, s16, $0xb8;
	[tilespmem:$0x1E800] =	vst v63  }
0x77: {  	_ =	swait.ge [sflag:s21], $0x3E80  }
0x78: {  	[sflag:s21] =	ssyncset.done $0x0  }
.Ltmp1:
0x79: {  	s28 =	sadd.s32 $0x1480, s26;
	[sflag:s21] =	ssyncadd.s32 $0xFFFFC180;
	(pc) =	sbr.rel @p0 .LBB2_4-.Ltmp1, $4  }
0x7a: {  	[spmem:s2] =	stream.indirect.scatter.add.f32 [tilespmem:s19], [sflag:$0x3], $0x80, s28, s16, $0xb8;
	[tilespmem:$0x1E800] =	vst v63  }
0x7b: {  	_ =	swait.ge [sflag:s14], $0x3E80  }
0x7c: {  	[sflag:s14] =	ssyncset.done $0x0  }
0x7d: {  	s26 =	sadd.s32 $0x180, s26;
	[sflag:s14] =	ssyncadd.s32 $0xFFFFC180  }
0x7e: {  	[tilespmem:s19], [sflag:$0x2] =	stream.indirect.gather [hbm4b:s4+s16], $0x80, s26, s16, $0xb8;
	[tilespmem:$0x1E800] =	vst v63  }
0x7f: {  	_ =	swait.ge [sflag:s20], $0x3E80  }
0x80: {  	[sflag:s20] =	ssyncset.done $0x0  }
0x81: {  	[sflag:s20] =	ssyncadd.s32 $0xFFFFC180  }
0x82: {  	[spmem:s2] =	stream.indirect.scatter.add.f32 [tilespmem:s17], [sflag:$0x3], $0x80, s22, s16, $0xb8;
	[tilespmem:$0x1E800] =	vst v63  }
0x83: {  	_ =	swait.ge [sflag:s14], $0x3E80  }
0x84: {  	[sflag:s14] =	ssyncset.done $0x0  }
0x85: {  	[sflag:s14] =	ssyncadd.s32 $0xFFFFC180  }
0x86: {  	_ =	swait.ge [sflag:s21], $0x3E80  }
0x87: {  	[sflag:s21] =	ssyncset.done $0x0  }
0x88: {  	[sflag:s21] =	ssyncadd.s32 $0xFFFFC180  }
0x89: {  	[spmem:s2] =	stream.indirect.scatter.add.f32 [tilespmem:s19], [sflag:$0x3], $0x80, s23, s16, $0xb8;
	[tilespmem:$0x1E800] =	vst v63  }
0x8a: {  	_ =	swait.ge [sflag:s14], $0x3E80  }
0x8b: {  	s24 =	sadd.s32 $0x1, s24;
	[sflag:s14] =	ssyncset.done $0x0  }
0x8c: {  	p0 =	sne.s32 s24, s12;
	[sflag:s14] =	ssyncadd.s32 $0xFFFFC180  }
.Ltmp2:
0x8d: {  	[bflag:$0x0] =	sbarrier.arrive $0xFFFF;
	(pc) =	sbr.rel @p0 .LBB2_1-.Ltmp2, $4  }
0x8e: {  	[hbm:s11], [sflag:s6] =	dma.local [spmem:s13], $0x2800  }
0x8f: {  	_ =	swait.ge [sflag:s14], $0x2800  }
0x90: {  	[sflag:s14] =	ssyncset.done $0x0  }
0x91: {  	[sflag:s14] =	ssyncadd.s32 $0xFFFFD800  }
0x92: {  	_ =	sfence.sel $0x180000  }
0x93: {  	[bflag:$0x0] =	sbarrier.arrive $0xFFFF  }
0x94: {  	p0 =	sne.s32 s1, $0x0;
	_ =	strace $0x9000004A  }
0x95: {  	s0 =	sadd.s32 @!p0 $0x100000, s0;
	[bflag:$0x2] =	sbarrier.arrive $0xFFFF  }
0x96: {  	[sflag:s0] =	ssyncadd.tile.s32 @!p0 $0x1;
	_ =	shalt  }
.Lfunc_end2:
_tile_overlayer_lowered:
.L_overlay_start_2:
0x97: {  	(tag) =	ssettag $0x2  }
0x98: {  	s0 =	rddreg [dreg:$0x0];
	s2 =	stileid.u32  }
0x99: {  	s1 =	rddreg [dreg:$0x1];
	p0 =	sne.s32 s2, $0x0  }
0x9a: {  	s3 =	rddreg [dreg:$0x2];
	[bflag:$0x3] =	sbarrier.arrive $0xFFFF;
	s2 =	simm.s32 @!p0 $0x1C03  }
0x9b: {  	[timem:s3], [sflag:s2] =	dma.local @!p0 [hbm:s0], s1  }
0x9c: {  	s0 =	simm.s32 @!p0 $0x3  }
0x9d: {  	_ =	swait.ge @!p0 [sflag:s0], s1  }
0x9e: {  	s1 =	ssub.s32 @!p0 $0x0, s1;
	[sflag:s0] =	ssyncset.done @!p0 $0x0  }
0x9f: {  	[sflag:s0] =	ssyncadd.s32 @!p0 s1  }
0xa0: {  	[bflag:$0x3] =	sbarrier.arrive $0xFFFF  }
0xa1: {  	_ =	shalt  }

// kernel: kernel.15.cloned.1.call-start
scs
__scs_entry_jumppad:
0x0: {  	(pc) =	sbr.rel $0x88, $3  }
0x1: {  	(tag) =	ssettag $0x0;
	lr =	simm.s32 $0x1  }
0x2: {  	[smem:$0x3F99] =	sst lr;
	_ =	strace $0xD0000000  }
0x3: {  	_ = 	snop  }
0x4: {  	_ = 	snop  }
0x5: {  	_ = 	snop  }
0x6: {  	_ = 	snop  }
0x7: {  	_ = 	snop  }
__scs_overlays_trampoline_lowered:
0x8: {  	[smem:$0x3FA8] =	sst s0  }
0x9: {  	[smem:$0x3FA9] =	sst s1  }
0xa: {  	[smem:$0x3FAA] =	sst s2  }
0xb: {  	[smem:$0x3FAB] =	sst s3  }
0xc: {  	[smem:$0x3FAC] =	sst s4  }
0xd: {  	[smem:$0x3FAD] =	sst s5  }
0xe: {  	[smem:$0x3FAE] =	sst s6  }
0xf: {  	[smem:$0x3FAF] =	sst s7  }
0x10: {  	[smem:$0x3FB0] =	sst s8  }
0x11: {  	[smem:$0x3FB1] =	sst s9;
	s0 =	simm.s32 @!p0 $0x0  }
0x12: {  	s1 =	sld [smem:$0x3F97];
	s0 =	simm.s32 @p0 $0x1  }
0x13: {  	[smem:$0x3FB2] =	sst s0;
	s0 =	simm.s32 @!p1 $0x0  }
0x14: {  	s2 =	sld [smem:$0x3F96];
	s0 =	simm.s32 @p1 $0x1  }
0x15: {  	[smem:$0x3FB3] =	sst s0;
	s0 =	simm.s32 @!p2 $0x0  }
0x16: {  	s3 =	sld [smem:$0x3FDB];
	s0 =	simm.s32 @p2 $0x1  }
0x17: {  	s4 =	simm.s32 $0x1BF5;
	[smem:$0x3FB5] =	sst s0  }
0x18: {  	s0 =	sld [smem:$0x3F98];
	_ =	swait.ge [sflag:s4], $0x0  }
0x19: {  	s7 =	sld [smem:$0x3F99]  }
0x1a: {  	s8 =	sadd.s32 $0xFFFFE003, lr  }
0x1b: {  	s9 =	sadd.s32 $0xFFFFFEF7, lr;
	s5 =	simm.s32 $0xFFFFFFFF;
	p2 =	slt.u32 s8, $0xFFFFF086  }
0x1c: {  	p1 =	slt.u32 s9, $0xF7A;
	s5 =	simm.s32 @!p2 $0x0  }
0x1d: {  	s5 =	simm.s32 @p1 $0x1;
	p0 =	seq.s32 s7, s2  }
0x1e: {  	s7 =	smul.u32 @!p0 $0xF7A, s2;
	p2 =	seq.s32 @!p0 s5, $0x0  }
0x1f: {  	s9 =	smul.u32 $0xF7A, s1;
	s8 =	simm.s32 @!p0 $0x1BF5;
	p2 =	por !p2, p0  }
0x20: {  	[sflag:s8] =	ssyncset.s32 @!p0 $0xFFFFF086;
	s6 =	sadd.s32 @!p0 s3, s7;
	s7 =	simm.s32 @!p0 $0x108  }
0x21: {  	s3 =	sadd.s32 s3, s9;
	s6 =	sadd.s32 @!p0 $0x88, s6;
	s7 =	simm.s32 @p2 $0x1082  }
0x22: {  	[simem:s7], [sflag:s8] =	dma.local @!p0 [hbm:s6], $0xF7A  }
0x23: {  	s9 =	sor.u32 $0xD0000000, s2;
	s6 =	simm.s32 $0x108;
	_ =	swait.ge @!p0 [sflag:s8], $0x0  }
0x24: {  	s3 =	sadd.s32 $0x88, s3;
	s6 =	simm.s32 @!p1 $0x1082;
	[sflag:s4] =	ssyncset.s32 $0xFFFFF086  }
0x25: {  	[simem:s6], [sflag:s4] =	dma.local [hbm:s3], $0xF7A  }
0x26: {  	[smem:$0x3F99] =	sst s1;
	(tag) =	ssettag s2;
	_ =	strace s9  }
0x27: {  	s1 =	sld [smem:$0x3FA9]  }
0x28: {  	s2 =	sld [smem:$0x3FAA]  }
0x29: {  	s4 =	sld [smem:$0x3FAC]  }
0x2a: {  	p0 =	seq.s32 s5, $0x0;
	s5 =	sld [smem:$0x3FAD]  }
0x2b: {  	s6 =	sld [smem:$0x3FAE]  }
0x2c: {  	s7 =	sld [smem:$0x3FAF]  }
0x2d: {  	s3 =	simm.s32 $0x108;
	s8 =	sld [smem:$0x3FB0]  }
0x2e: {  	s3 =	simm.s32 @!p0 $0x1082;
	s9 =	sld [smem:$0x3FB1]  }
0x2f: {  	lr =	sadd.s32 s0, s3;
	s0 =	sld [smem:$0x3FA8]  }
0x30: {  	s3 =	sld [smem:$0x3FAB]  }
0x31: {  	[smem:$0x3FB4] =	sst s10  }
0x32: {  	s10 =	sld [smem:$0x3FB2];
	_ =	sdelay $0x3  }
0x33: {  	p0 =	seq.s32 s10, $0x1;
	s10 =	sld [smem:$0x3FB4];
	_ =	sdelay $0x3  }
0x34: {  	[smem:$0x3FB4] =	sst s10  }
0x35: {  	s10 =	sld [smem:$0x3FB3];
	_ =	sdelay $0x3  }
0x36: {  	p1 =	seq.s32 s10, $0x1;
	s10 =	sld [smem:$0x3FB4];
	_ =	sdelay $0x3  }
0x37: {  	[smem:$0x3FB4] =	sst s10  }
0x38: {  	s10 =	sld [smem:$0x3FB5]  }
0x39: {  	_ = 	snop;
	(pc) =	sbr.ind lr, $3  }
0x3a: {  	_ = 	snop  }
0x3b: {  	_ = 	snop  }
0x3c: {  	p2 =	seq.s32 s10, $0x1;
	s10 =	sld [smem:$0x3FB4]  }
0x3d: {  	_ =	shalt  }
0x3e: {  	_ =	shalt  }
0x3f: {  	_ =	shalt  }
0x40: {  	_ =	shalt  }
0x41: {  	_ =	shalt  }
0x42: {  	_ =	shalt  }
0x43: {  	_ =	shalt  }
0x44: {  	_ =	shalt  }
0x45: {  	_ =	shalt  }
0x46: {  	_ =	shalt  }
0x47: {  	_ =	shalt  }
0x48: {  	_ =	shalt  }
0x49: {  	_ =	shalt  }
0x4a: {  	_ =	shalt  }
0x4b: {  	_ =	shalt  }
0x4c: {  	_ =	shalt  }
0x4d: {  	_ =	shalt  }
0x4e: {  	_ =	shalt  }
0x4f: {  	_ =	shalt  }
0x50: {  	_ =	shalt  }
0x51: {  	_ =	shalt  }
0x52: {  	_ =	shalt  }
0x53: {  	_ =	shalt  }
0x54: {  	_ =	shalt  }
0x55: {  	_ =	shalt  }
0x56: {  	_ =	shalt  }
0x57: {  	_ =	shalt  }
0x58: {  	_ =	shalt  }
0x59: {  	_ =	shalt  }
0x5a: {  	_ =	shalt  }
0x5b: {  	_ =	shalt  }
0x5c: {  	_ =	shalt  }
0x5d: {  	_ =	shalt  }
0x5e: {  	_ =	shalt  }
0x5f: {  	_ =	shalt  }
0x60: {  	_ =	shalt  }
0x61: {  	_ =	shalt  }
0x62: {  	_ =	shalt  }
0x63: {  	_ =	shalt  }
0x64: {  	_ =	shalt  }
0x65: {  	_ =	shalt  }
0x66: {  	_ =	shalt  }
0x67: {  	_ =	shalt  }
0x68: {  	_ =	shalt  }
0x69: {  	_ =	shalt  }
0x6a: {  	_ =	shalt  }
0x6b: {  	_ =	shalt  }
0x6c: {  	_ =	shalt  }
0x6d: {  	_ =	shalt  }
0x6e: {  	_ =	shalt  }
0x6f: {  	_ =	shalt  }
0x70: {  	_ =	shalt  }
0x71: {  	_ =	shalt  }
0x72: {  	_ =	shalt  }
0x73: {  	_ =	shalt  }
0x74: {  	_ =	shalt  }
0x75: {  	_ =	shalt  }
0x76: {  	_ =	shalt  }
0x77: {  	_ =	shalt  }
0x78: {  	_ =	shalt  }
0x79: {  	_ =	shalt  }
0x7a: {  	_ =	shalt  }
0x7b: {  	_ =	shalt  }
0x7c: {  	_ =	shalt  }
0x7d: {  	_ =	shalt  }
0x7e: {  	_ =	shalt  }
0x7f: {  	_ =	shalt  }
0x80: {  	_ =	shalt  }
0x81: {  	_ =	shalt  }
0x82: {  	_ =	shalt  }
0x83: {  	_ =	shalt  }
0x84: {  	_ =	shalt  }
0x85: {  	_ =	shalt  }
0x86: {  	_ =	shalt  }
0x87: {  	_ =	shalt  }
.Lfunc_end0:
.L_simem_size_0:
called_computation.2_lowered:
.L_overlay_start_0:
0x88: {  	s2 =	sld [smem:$0x3FD9]  }
0x89: {  	s3 =	sld [smem:$0x3FFE];
	_ =	sdelay $0x1  }
0x8a: {  	s1 =	srdreg.scid  }
0x8b: {  	s0 =	sand.u32 $0x1, s1  }
0x8c: {  	s16 =	sshll.u32 s0, $0xA;
	s2 =	sadd.s32 s3, s2  }
0x8d: {  	s2 =	sadd.s32 s2, s16  }
0x8e: {  	[smem:$0x3FC0] =	sst s2  }
0x8f: {  	_ = 	snop  }
0x90: {  	(tm) =	ssettm $0x1  }
0x91: {  	s17 =	sld [smem:$0x3FFB];
	_ =	sdelay $0x3  }
0x92: {  	_ =	strace s17  }
0x93: {  	s2 =	sld [smem:$0x3FFC];
	_ =	sdelay $0x3  }
0x94: {  	_ =	strace s2  }
0x95: {  	s2 =	sld [smem:$0x3FFD];
	_ =	sdelay $0x3  }
0x96: {  	_ =	strace s2  }
0x97: {  	_ =	strace $0x8FFFFFFF  }
0x98: {  	s18 =	sld [smem:$0x3FDB];
	_ =	sdelay $0x1  }
0x99: {  	s19 =	simm.s32 $_scs_section_size  }
0x9a: {  	s4 =	simm.s32 $_size__tile_overlayer_lowered;
	s5 =	simm.s32 $_tile_overlayer_lowered  }
0x9b: {  	s22 =	simm.s32 $0x1BFF;
	s21 =	sshll.u32 s5, $0x1;
	s2 =	sadd.s32 s19, s18  }
0x9c: {  	s6 =	simm.s32 $0x0;
	s20 =	sshll.u32 s4, $0x1;
	s4 =	sadd.s32 s21, s2  }
0x9d: {  	[timem:s6], [sflag:s22] =	dma.local [hbm:s4], s20  }
0x9e: {  	_ =	swait.ge [sflag:s22], s20  }
0x9f: {  	s3 =	ssub.s32 $0x0, s20;
	[sflag:s22] =	ssyncset.done $0x0  }
0xa0: {  	[sflag:s22] =	ssyncadd.s32 s3;
	_ =	sdelay $0x1  }
0xa1: {  	s23 =	simm.s32 $0x1B8B  }
0xa2: {  	_ =	swait.ge [sflag:s23], $0x1  }
0xa3: {  	[sflag:s23] =	ssyncset.done $0x0  }
0xa4: {  	s25 =	simm.s32 $0x1B8E;
	s24 =	sld [smem:$0x3FFE];
	[sflag:s23] =	ssyncadd.s32 $0xFFFFFFFF  }
0xa5: {  	s26 =	simm.s32 $execute0_lowered;
	[smem:$0x3FD2] =	sst s25  }
0xa6: {  	s4 =	sshll.u32 s26, $0x1;
	_ =	strace $0x8000004C;
	[dreg:$0x1] =	wrdreg $0xFFFFFFFF  }
0xa7: {  	s28 =	simm.s32 $_size_execute0_lowered;
	s2 =	sadd.s32 s2, s4;
	[dreg:$0x0] =	wrdreg $0x0  }
0xa8: {  	s4 =	sshll.u32 s28, $0x1;
	[dreg:$0x2] =	wrdreg s2  }
0xa9: {  	[dreg:$0x3] =	wrdreg s4  }
0xaa: {  	[dreg:$0x4] =	wrdreg $0xC0  }
0xab: {  	_ =	task [dreg:s6], $0x5FFFF  }
0xac: {  	[dreg:$0x1] =	wrdreg $0xFFFFFFFF  }
0xad: {  	[dreg:$0x0] =	wrdreg $0x60  }
0xae: {  	[dreg:$0x2] =	wrdreg s24  }
0xaf: {  	[dreg:$0x3] =	wrdreg $0xA8000  }
0xb0: {  	[dreg:$0x4] =	wrdreg $0x9  }
0xb1: {  	_ =	task.clear_ibuf [dreg:s6], $0x5FFFF;
	_ =	strace $0x9000004C  }
0xb2: {  	s29 =	simm.s32 $0x9;
	_ =	strace $0x8000004E  }
0xb3: {  	_ =	swait.ge [sflag:s29], $0x1  }
0xb4: {  	[sflag:s29] =	ssyncadd.s32 $0xFFFFFFFF  }
0xb5: {  	_ =	strace $0x9000004E  }
0xb6: {  	_ =	sfence  }
0xb7: {  	s30 =	sld [smem:$0x0];
	_ =	sdelay $0x2  }
0xb8: {  	s31 =	sshll.u32 s1, $0xD;
	s1 =	sshrl.u32 s1, $0x2  }
0xb9: {  	s3 =	sand.u32 $0x4000, s31;
	s1 =	sadd.s32 s1, s30  }
0xba: {  	s0 =	sor.u32 s3, s0;
	s1 =	sshll.u32 s1, $0x11  }
0xbb: {  	s0 =	sor.u32 s1, s0  }
0xbc: {  	s0 =	sadd.s32 $0x8F2B, s0  }
0xbd: {  	[sflag:s0] =	ssyncadd.remote.s32 $0x1  }
0xbe: {  	_ =	sfence.sel $0xFFFF  }
0xbf: {  	[dreg:$0x0] =	wrdreg $0xFFFFFFFF;
	(pc) =	sbr.abs _section_cstart, $3  }
0xc0: {  	[dreg:$0x1] =	wrdreg $0xFFFFFFFF  }
0xc1: {  	_ =	task.clear_ibuf [dreg:s6], $0x2FFFF;
	_ =	strace $0x9FFFFFFF  }
0xc2: {  	(tm) =	ssettm $0x7FFFFFFF  }
0xc3: {  	_ =	shalt  }
tec
execute0_lowered:
.L_overlay_start_1:
0x0: {  	(tag) =	ssettag $0x1  }
0x1: {  	s5 =	rddreg [dreg:$0x0]  }
0x2: {  	s2 =	rddreg [dreg:$0x1]  }
0x3: {  	s0 =	rddreg [dreg:$0x2]  }
0x4: {  	s3 =	simm.s32 $0x0;
	s1 =	stileid.u32;
	s4 =	srdreg.scid  }
0x5: {  	s16 =	simm.s32 $0x7D;
	s17 =	simm.s32 $0x2800;
	s18 =	simm.s32 $0x80  }
0x6: {  	s19 =	simm.s32 $0x6800;
	s20 =	simm.s32 $0x1;
	s21 =	simm.s32 $0x2  }
0x7: {  	s22 =	simm.s32 $0x2700;
	s23 =	simm.s32 $0x2780;
	s24 =	simm.s32 $0x0  }
0x8: {  	[smem:$0x7FF] =	sst s3;
	s6 =	smul.u32 $0x14000, s1;
	s7 =	sand.u32 $0x1, s4  }
0x9: {  	s4 =	sadd.s32 $0x2A200, s5;
	s9 =	sadd.s32 $0x84A00, s5;
	s10 =	sadd.s32 $0x7AA00, s5  }
0xa: {  	s12 =	smul.u32 $0x50000, s1;
	s30 =	sshll.u32 s1, $0x6;
	_ =	strace $0x8000004D  }
0xb: {  	s8 =	smul.u32 $0x140000, s7;
	s28 =	sshll.u32 s7, $0x4;
	s7 =	ssub.s32 $0x2, s7  }
0xc: {  	s11 =	sshrl.u32 s6, $0x3;
	s13 =	sshrl.u32 s7, $0x1;
	s29 =	sshrl.u32 s12, $0x2  }
0xd: {  	s11 =	sadd.s32 s11, s5;
	s6 =	sadd.s32 s6, s8;
	s8 =	sor.u32 s1, s28  }
0xe: {  	s13 =	ssub.s32 s7, s13;
	s15 =	sadd.s32 s29, s2;
	s6 =	sshrl.u32 s6, $0x3  }
0xf: {  	s8 =	smul.u32 $0x2800, s8;
	s12 =	smax.u32 s13, $0x1;
	s13 =	sshrl.u32 s15, $0x3  }
0x10: {  	s15 =	simm.s32 $0x1400;
	s14 =	sadd.s32 s6, s5;
	s5 =	sadd.s32 $0x2200, s11  }
0x11: {  	s6 =	sor.u32 $0x1C03, s30;
	s8 =	sshrl.u32 s8, $0x3;
	s11 =	sadd.s32 $0x8EA00, s14  }
0x12: {  	s14 =	simm.s32 $0x3;
	s31 =	sadd.s32 $0x280, s8;
	s7 =	sadd.s32 s9, s8  }
0x13: {  	s8 =	sadd.s32 s10, s8;
	s9 =	sadd.s32 s9, s31;
	s10 =	sadd.s32 s10, s31  }
.LBB2_1:
0x14: {  	[spmem:s13], [sflag:s6] =	dma.local [hbm:s5], $0x2800  }
0x15: {  	_ =	swait.ge [sflag:s14], $0x2800  }
0x16: {  	[sflag:s14] =	ssyncset.done $0x0  }
0x17: {  	[sflag:s14] =	ssyncadd.s32 $0xFFFFD800  }
0x18: {  	[bflag:$0x0] =	sbarrier.arrive $0xFFFF  }
0x19: {  	[tilespmem:s3], [sflag:$0x3] =	stream.linear.gather [hbm4b:s7+s3], $0x1400, $0x38;
	[tilespmem:$0x1E800] =	vst v63  }
0x1a: {  	_ =	swait.ge [sflag:s14], $0x1400  }
0x1b: {  	[sflag:s14] =	ssyncset.done $0x0  }
0x1c: {  	[sflag:s14] =	ssyncadd.s32 $0xFFFFEC00  }
0x1d: {  	[tilespmem:s15], [sflag:$0x3] =	stream.linear.gather [hbm4b:s8+s3], $0x1400, $0x38;
	[tilespmem:$0x1E800] =	vst v63  }
0x1e: {  	_ =	swait.ge [sflag:s14], $0x1400  }
0x1f: {  	[sflag:s14] =	ssyncset.done $0x0  }
0x20: {  	[sflag:s14] =	ssyncadd.s32 $0xFFFFEC00  }
0x21: {  	[tilespmem:s17], [sflag:$0x1] =	stream.indirect.gather [hbm4b:s4+s16], $0x80, s3, s16, $0xb8;
	[tilespmem:$0x1E800] =	vst v63  }
0x22: {  	_ = 	snop  }
0x23: {  	[tilespmem:s19], [sflag:$0x2] =	stream.indirect.gather [hbm4b:s4+s16], $0x80, s18, s16, $0xb8;
	[tilespmem:$0x1E800] =	vst v63  }
0x24: {  	_ =	swait.ge [sflag:s20], $0x3E80  }
0x25: {  	[sflag:s20] =	ssyncset.done $0x0  }
0x26: {  	s25 =	simm.s32 $0x1400;
	[sflag:s20] =	ssyncadd.s32 $0xFFFFC180  }
0x27: {  	[spmem:s2] =	stream.indirect.scatter.add.f32 [tilespmem:s17], [sflag:$0x3], $0x80, s25, s16, $0xb8;
	[tilespmem:$0x1E800] =	vst v63  }
0x28: {  	_ =	swait.ge [sflag:s14], $0x3E80  }
0x29: {  	[sflag:s14] =	ssyncset.done $0x0  }
0x2a: {  	s30 =	simm.s32 $0x100;
	[sflag:s14] =	ssyncadd.s32 $0xFFFFC180  }
0x2b: {  	[tilespmem:s17], [sflag:$0x1] =	stream.indirect.gather [hbm4b:s4+s16], $0x80, s30, s16, $0xb8;
	[tilespmem:$0x1E800] =	vst v63  }
0x2c: {  	_ =	swait.ge [sflag:s21], $0x3E80  }
0x2d: {  	[sflag:s21] =	ssyncset.done $0x0  }
0x2e: {  	s31 =	simm.s32 $0x1480;
	[sflag:s21] =	ssyncadd.s32 $0xFFFFC180  }
0x2f: {  	[spmem:s2] =	stream.indirect.scatter.add.f32 [tilespmem:s19], [sflag:$0x3], $0x80, s31, s16, $0xb8;
	[tilespmem:$0x1E800] =	vst v63  }
0x30: {  	_ =	swait.ge [sflag:s14], $0x3E80  }
0x31: {  	[sflag:s14] =	ssyncset.done $0x0  }
0x32: {  	s26 =	simm.s32 $0x180;
	s25 =	simm.s32 $0x400;
	[sflag:s14] =	ssyncadd.s32 $0xFFFFC180  }
.LBB2_2:
0x33: {  	[tilespmem:s19], [sflag:$0x2] =	stream.indirect.gather [hbm4b:s4+s16], $0x80, s26, s16, $0xb8;
	[tilespmem:$0x1E800] =	vst v63  }
0x34: {  	s26 =	smov.u32 s25  }
0x35: {  	p0 =	sne.s32 s25, $0x4800;
	s25 =	sadd.s32 $0x400, s25;
	_ =	swait.ge [sflag:s20], $0x3E80  }
0x36: {  	s26 =	sshra.s32 s26, $0x2;
	[sflag:s20] =	ssyncset.done $0x0  }
0x37: {  	s28 =	sadd.s32 $0x1400, s26;
	[sflag:s20] =	ssyncadd.s32 $0xFFFFC180  }
0x38: {  	[spmem:s2] =	stream.indirect.scatter.add.f32 [tilespmem:s17], [sflag:$0x3], $0x80, s28, s16, $0xb8;
	[tilespmem:$0x1E800] =	vst v63  }
0x39: {  	_ =	swait.ge [sflag:s14], $0x3E80  }
0x3a: {  	[sflag:s14] =	ssyncset.done $0x0  }
0x3b: {  	s28 =	sadd.s32 $0x100, s26;
	[sflag:s14] =	ssyncadd.s32 $0xFFFFC180  }
0x3c: {  	[tilespmem:s17], [sflag:$0x1] =	stream.indirect.gather [hbm4b:s4+s16], $0x80, s28, s16, $0xb8;
	[tilespmem:$0x1E800] =	vst v63  }
0x3d: {  	_ =	swait.ge [sflag:s21], $0x3E80  }
0x3e: {  	[sflag:s21] =	ssyncset.done $0x0  }
.Ltmp0:
0x3f: {  	s28 =	sadd.s32 $0x1480, s26;
	[sflag:s21] =	ssyncadd.s32 $0xFFFFC180;
	(pc) =	sbr.rel @p0 .LBB2_2-.Ltmp0, $4  }
0x40: {  	[spmem:s2] =	stream.indirect.scatter.add.f32 [tilespmem:s19], [sflag:$0x3], $0x80, s28, s16, $0xb8;
	[tilespmem:$0x1E800] =	vst v63  }
0x41: {  	_ =	swait.ge [sflag:s14], $0x3E80  }
0x42: {  	[sflag:s14] =	ssyncset.done $0x0  }
0x43: {  	s26 =	sadd.s32 $0x180, s26;
	[sflag:s14] =	ssyncadd.s32 $0xFFFFC180  }
0x44: {  	[tilespmem:s19], [sflag:$0x2] =	stream.indirect.gather [hbm4b:s4+s16], $0x80, s26, s16, $0xb8;
	[tilespmem:$0x1E800] =	vst v63  }
0x45: {  	_ =	swait.ge [sflag:s20], $0x3E80  }
0x46: {  	[sflag:s20] =	ssyncset.done $0x0  }
0x47: {  	[sflag:s20] =	ssyncadd.s32 $0xFFFFC180  }
0x48: {  	[spmem:s2] =	stream.indirect.scatter.add.f32 [tilespmem:s17], [sflag:$0x3], $0x80, s22, s16, $0xb8;
	[tilespmem:$0x1E800] =	vst v63  }
0x49: {  	_ =	swait.ge [sflag:s14], $0x3E80  }
0x4a: {  	[sflag:s14] =	ssyncset.done $0x0  }
0x4b: {  	[sflag:s14] =	ssyncadd.s32 $0xFFFFC180  }
0x4c: {  	_ =	swait.ge [sflag:s21], $0x3E80  }
0x4d: {  	[sflag:s21] =	ssyncset.done $0x0  }
0x4e: {  	[sflag:s21] =	ssyncadd.s32 $0xFFFFC180  }
0x4f: {  	[spmem:s2] =	stream.indirect.scatter.add.f32 [tilespmem:s19], [sflag:$0x3], $0x80, s23, s16, $0xb8;
	[tilespmem:$0x1E800] =	vst v63  }
0x50: {  	_ =	swait.ge [sflag:s14], $0x3E80  }
0x51: {  	[sflag:s14] =	ssyncset.done $0x0  }
0x52: {  	s25 =	simm.s32 $0x0;
	[sflag:s14] =	ssyncadd.s32 $0xFFFFC180  }
0x53: {  	[tilespmem:s25], [sflag:$0x3] =	stream.linear.gather [hbm4b:s9+s25], $0x1400, $0x38;
	[tilespmem:$0x1E800] =	vst v63  }
0x54: {  	_ =	swait.ge [sflag:s14], $0x1400  }
0x55: {  	[sflag:s14] =	ssyncset.done $0x0  }
0x56: {  	[sflag:s14] =	ssyncadd.s32 $0xFFFFEC00  }
0x57: {  	[tilespmem:s15], [sflag:$0x3] =	stream.linear.gather [hbm4b:s10+s25], $0x1400, $0x38;
	[tilespmem:$0x1E800] =	vst v63  }
0x58: {  	_ =	swait.ge [sflag:s14], $0x1400  }
0x59: {  	[sflag:s14] =	ssyncset.done $0x0  }
0x5a: {  	[sflag:s14] =	ssyncadd.s32 $0xFFFFEC00  }
0x5b: {  	[tilespmem:s17], [sflag:$0x1] =	stream.indirect.gather [hbm4b:s4+s16], $0x80, s25, s16, $0xb8;
	[tilespmem:$0x1E800] =	vst v63  }
0x5c: {  	_ = 	snop  }
0x5d: {  	[tilespmem:s19], [sflag:$0x2] =	stream.indirect.gather [hbm4b:s4+s16], $0x80, s18, s16, $0xb8;
	[tilespmem:$0x1E800] =	vst v63  }
0x5e: {  	_ =	swait.ge [sflag:s20], $0x3E80  }
0x5f: {  	[sflag:s20] =	ssyncset.done $0x0  }
0x60: {  	s29 =	simm.s32 $0x1400;
	[sflag:s20] =	ssyncadd.s32 $0xFFFFC180  }
0x61: {  	[spmem:s2] =	stream.indirect.scatter.add.f32 [tilespmem:s17], [sflag:$0x3], $0x80, s29, s16, $0xb8;
	[tilespmem:$0x1E800] =	vst v63  }
0x62: {  	_ =	swait.ge [sflag:s14], $0x3E80  }
0x63: {  	[sflag:s14] =	ssyncset.done $0x0  }
0x64: {  	s30 =	simm.s32 $0x100;
	[sflag:s14] =	ssyncadd.s32 $0xFFFFC180  }
0x65: {  	[tilespmem:s17], [sflag:$0x1] =	stream.indirect.gather [hbm4b:s4+s16], $0x80, s30, s16, $0xb8;
	[tilespmem:$0x1E800] =	vst v63  }
0x66: {  	_ =	swait.ge [sflag:s21], $0x3E80  }
0x67: {  	[sflag:s21] =	ssyncset.done $0x0  }
0x68: {  	s31 =	simm.s32 $0x1480;
	[sflag:s21] =	ssyncadd.s32 $0xFFFFC180  }
0x69: {  	[spmem:s2] =	stream.indirect.scatter.add.f32 [tilespmem:s19], [sflag:$0x3], $0x80, s31, s16, $0xb8;
	[tilespmem:$0x1E800] =	vst v63  }
0x6a: {  	_ =	swait.ge [sflag:s14], $0x3E80  }
0x6b: {  	[sflag:s14] =	ssyncset.done $0x0  }
0x6c: {  	s26 =	simm.s32 $0x180;
	s25 =	simm.s32 $0x400;
	[sflag:s14] =	ssyncadd.s32 $0xFFFFC180  }
.LBB2_4:
0x6d: {  	[tilespmem:s19], [sflag:$0x2] =	stream.indirect.gather [hbm4b:s4+s16], $0x80, s26, s16, $0xb8;
	[tilespmem:$0x1E800] =	vst v63  }
0x6e: {  	s26 =	smov.u32 s25  }
0x6f: {  	p0 =	sne.s32 s25, $0x4800;
	s25 =	sadd.s32 $0x400, s25;
	_ =	swait.ge [sflag:s20], $0x3E80  }
0x70: {  	s26 =	sshra.s32 s26, $0x2;
	[sflag:s20] =	ssyncset.done $0x0  }
0x71: {  	s28 =	sadd.s32 $0x1400, s26;
	[sflag:s20] =	ssyncadd.s32 $0xFFFFC180  }
0x72: {  	[spmem:s2] =	stream.indirect.scatter.add.f32 [tilespmem:s17], [sflag:$0x3], $0x80, s28, s16, $0xb8;
	[tilespmem:$0x1E800] =	vst v63  }
0x73: {  	_ =	swait.ge [sflag:s14], $0x3E80  }
0x74: {  	[sflag:s14] =	ssyncset.done $0x0  }
0x75: {  	s28 =	sadd.s32 $0x100, s26;
	[sflag:s14] =	ssyncadd.s32 $0xFFFFC180  }
0x76: {  	[tilespmem:s17], [sflag:$0x1] =	stream.indirect.gather [hbm4b:s4+s16], $0x80, s28, s16, $0xb8;
	[tilespmem:$0x1E800] =	vst v63  }
0x77: {  	_ =	swait.ge [sflag:s21], $0x3E80  }
0x78: {  	[sflag:s21] =	ssyncset.done $0x0  }
.Ltmp1:
0x79: {  	s28 =	sadd.s32 $0x1480, s26;
	[sflag:s21] =	ssyncadd.s32 $0xFFFFC180;
	(pc) =	sbr.rel @p0 .LBB2_4-.Ltmp1, $4  }
0x7a: {  	[spmem:s2] =	stream.indirect.scatter.add.f32 [tilespmem:s19], [sflag:$0x3], $0x80, s28, s16, $0xb8;
	[tilespmem:$0x1E800] =	vst v63  }
0x7b: {  	_ =	swait.ge [sflag:s14], $0x3E80  }
0x7c: {  	[sflag:s14] =	ssyncset.done $0x0  }
0x7d: {  	s26 =	sadd.s32 $0x180, s26;
	[sflag:s14] =	ssyncadd.s32 $0xFFFFC180  }
0x7e: {  	[tilespmem:s19], [sflag:$0x2] =	stream.indirect.gather [hbm4b:s4+s16], $0x80, s26, s16, $0xb8;
	[tilespmem:$0x1E800] =	vst v63  }
0x7f: {  	_ =	swait.ge [sflag:s20], $0x3E80  }
0x80: {  	[sflag:s20] =	ssyncset.done $0x0  }
0x81: {  	[sflag:s20] =	ssyncadd.s32 $0xFFFFC180  }
0x82: {  	[spmem:s2] =	stream.indirect.scatter.add.f32 [tilespmem:s17], [sflag:$0x3], $0x80, s22, s16, $0xb8;
	[tilespmem:$0x1E800] =	vst v63  }
0x83: {  	_ =	swait.ge [sflag:s14], $0x3E80  }
0x84: {  	[sflag:s14] =	ssyncset.done $0x0  }
0x85: {  	[sflag:s14] =	ssyncadd.s32 $0xFFFFC180  }
0x86: {  	_ =	swait.ge [sflag:s21], $0x3E80  }
0x87: {  	[sflag:s21] =	ssyncset.done $0x0  }
0x88: {  	[sflag:s21] =	ssyncadd.s32 $0xFFFFC180  }
0x89: {  	[spmem:s2] =	stream.indirect.scatter.add.f32 [tilespmem:s19], [sflag:$0x3], $0x80, s23, s16, $0xb8;
	[tilespmem:$0x1E800] =	vst v63  }
0x8a: {  	_ =	swait.ge [sflag:s14], $0x3E80  }
0x8b: {  	s24 =	sadd.s32 $0x1, s24;
	[sflag:s14] =	ssyncset.done $0x0  }
0x8c: {  	p0 =	sne.s32 s24, s12;
	[sflag:s14] =	ssyncadd.s32 $0xFFFFC180  }
.Ltmp2:
0x8d: {  	[bflag:$0x0] =	sbarrier.arrive $0xFFFF;
	(pc) =	sbr.rel @p0 .LBB2_1-.Ltmp2, $4  }
0x8e: {  	[hbm:s11], [sflag:s6] =	dma.local [spmem:s13], $0x2800  }
0x8f: {  	_ =	swait.ge [sflag:s14], $0x2800  }
0x90: {  	[sflag:s14] =	ssyncset.done $0x0  }
0x91: {  	[sflag:s14] =	ssyncadd.s32 $0xFFFFD800  }
0x92: {  	_ =	sfence.sel $0x180000  }
0x93: {  	[bflag:$0x0] =	sbarrier.arrive $0xFFFF  }
0x94: {  	p0 =	sne.s32 s1, $0x0;
	_ =	strace $0x9000004D  }
0x95: {  	s0 =	sadd.s32 @!p0 $0x100000, s0;
	[bflag:$0x2] =	sbarrier.arrive $0xFFFF  }
0x96: {  	[sflag:s0] =	ssyncadd.tile.s32 @!p0 $0x1;
	_ =	shalt  }
.Lfunc_end2:
_tile_overlayer_lowered:
.L_overlay_start_2:
0x97: {  	(tag) =	ssettag $0x2  }
0x98: {  	s0 =	rddreg [dreg:$0x0];
	s2 =	stileid.u32  }
0x99: {  	s1 =	rddreg [dreg:$0x1];
	p0 =	sne.s32 s2, $0x0  }
0x9a: {  	s3 =	rddreg [dreg:$0x2];
	[bflag:$0x3] =	sbarrier.arrive $0xFFFF;
	s2 =	simm.s32 @!p0 $0x1C03  }
0x9b: {  	[timem:s3], [sflag:s2] =	dma.local @!p0 [hbm:s0], s1  }
0x9c: {  	s0 =	simm.s32 @!p0 $0x3  }
0x9d: {  	_ =	swait.ge @!p0 [sflag:s0], s1  }
0x9e: {  	s1 =	ssub.s32 @!p0 $0x0, s1;
	[sflag:s0] =	ssyncset.done @!p0 $0x0  }
0x9f: {  	[sflag:s0] =	ssyncadd.s32 @!p0 s1  }
0xa0: {  	[bflag:$0x3] =	sbarrier.arrive $0xFFFF  }
0xa1: {  	_ =	shalt  }

// kernel: kernel.9.cloned.1.call-start
scs
__scs_entry_jumppad:
0x0: {  	(pc) =	sbr.rel $0x88, $3  }
0x1: {  	(tag) =	ssettag $0x0;
	lr =	simm.s32 $0x1  }
0x2: {  	[smem:$0x3F99] =	sst lr;
	_ =	strace $0xD0000000  }
0x3: {  	_ = 	snop  }
0x4: {  	_ = 	snop  }
0x5: {  	_ = 	snop  }
0x6: {  	_ = 	snop  }
0x7: {  	_ = 	snop  }
__scs_overlays_trampoline_lowered:
0x8: {  	[smem:$0x3FA8] =	sst s0  }
0x9: {  	[smem:$0x3FA9] =	sst s1  }
0xa: {  	[smem:$0x3FAA] =	sst s2  }
0xb: {  	[smem:$0x3FAB] =	sst s3  }
0xc: {  	[smem:$0x3FAC] =	sst s4  }
0xd: {  	[smem:$0x3FAD] =	sst s5  }
0xe: {  	[smem:$0x3FAE] =	sst s6  }
0xf: {  	[smem:$0x3FAF] =	sst s7  }
0x10: {  	[smem:$0x3FB0] =	sst s8  }
0x11: {  	[smem:$0x3FB1] =	sst s9;
	s0 =	simm.s32 @!p0 $0x0  }
0x12: {  	s1 =	sld [smem:$0x3F97];
	s0 =	simm.s32 @p0 $0x1  }
0x13: {  	[smem:$0x3FB2] =	sst s0;
	s0 =	simm.s32 @!p1 $0x0  }
0x14: {  	s2 =	sld [smem:$0x3F96];
	s0 =	simm.s32 @p1 $0x1  }
0x15: {  	[smem:$0x3FB3] =	sst s0;
	s0 =	simm.s32 @!p2 $0x0  }
0x16: {  	s3 =	sld [smem:$0x3FDB];
	s0 =	simm.s32 @p2 $0x1  }
0x17: {  	s4 =	simm.s32 $0x1BF5;
	[smem:$0x3FB5] =	sst s0  }
0x18: {  	s0 =	sld [smem:$0x3F98];
	_ =	swait.ge [sflag:s4], $0x0  }
0x19: {  	s7 =	sld [smem:$0x3F99]  }
0x1a: {  	s8 =	sadd.s32 $0xFFFFE003, lr  }
0x1b: {  	s9 =	sadd.s32 $0xFFFFFEF7, lr;
	s5 =	simm.s32 $0xFFFFFFFF;
	p2 =	slt.u32 s8, $0xFFFFF086  }
0x1c: {  	p1 =	slt.u32 s9, $0xF7A;
	s5 =	simm.s32 @!p2 $0x0  }
0x1d: {  	s5 =	simm.s32 @p1 $0x1;
	p0 =	seq.s32 s7, s2  }
0x1e: {  	s7 =	smul.u32 @!p0 $0xF7A, s2;
	p2 =	seq.s32 @!p0 s5, $0x0  }
0x1f: {  	s9 =	smul.u32 $0xF7A, s1;
	s8 =	simm.s32 @!p0 $0x1BF5;
	p2 =	por !p2, p0  }
0x20: {  	[sflag:s8] =	ssyncset.s32 @!p0 $0xFFFFF086;
	s6 =	sadd.s32 @!p0 s3, s7;
	s7 =	simm.s32 @!p0 $0x108  }
0x21: {  	s3 =	sadd.s32 s3, s9;
	s6 =	sadd.s32 @!p0 $0x88, s6;
	s7 =	simm.s32 @p2 $0x1082  }
0x22: {  	[simem:s7], [sflag:s8] =	dma.local @!p0 [hbm:s6], $0xF7A  }
0x23: {  	s9 =	sor.u32 $0xD0000000, s2;
	s6 =	simm.s32 $0x108;
	_ =	swait.ge @!p0 [sflag:s8], $0x0  }
0x24: {  	s3 =	sadd.s32 $0x88, s3;
	s6 =	simm.s32 @!p1 $0x1082;
	[sflag:s4] =	ssyncset.s32 $0xFFFFF086  }
0x25: {  	[simem:s6], [sflag:s4] =	dma.local [hbm:s3], $0xF7A  }
0x26: {  	[smem:$0x3F99] =	sst s1;
	(tag) =	ssettag s2;
	_ =	strace s9  }
0x27: {  	s1 =	sld [smem:$0x3FA9]  }
0x28: {  	s2 =	sld [smem:$0x3FAA]  }
0x29: {  	s4 =	sld [smem:$0x3FAC]  }
0x2a: {  	p0 =	seq.s32 s5, $0x0;
	s5 =	sld [smem:$0x3FAD]  }
0x2b: {  	s6 =	sld [smem:$0x3FAE]  }
0x2c: {  	s7 =	sld [smem:$0x3FAF]  }
0x2d: {  	s3 =	simm.s32 $0x108;
	s8 =	sld [smem:$0x3FB0]  }
0x2e: {  	s3 =	simm.s32 @!p0 $0x1082;
	s9 =	sld [smem:$0x3FB1]  }
0x2f: {  	lr =	sadd.s32 s0, s3;
	s0 =	sld [smem:$0x3FA8]  }
0x30: {  	s3 =	sld [smem:$0x3FAB]  }
0x31: {  	[smem:$0x3FB4] =	sst s10  }
0x32: {  	s10 =	sld [smem:$0x3FB2];
	_ =	sdelay $0x3  }
0x33: {  	p0 =	seq.s32 s10, $0x1;
	s10 =	sld [smem:$0x3FB4];
	_ =	sdelay $0x3  }
0x34: {  	[smem:$0x3FB4] =	sst s10  }
0x35: {  	s10 =	sld [smem:$0x3FB3];
	_ =	sdelay $0x3  }
0x36: {  	p1 =	seq.s32 s10, $0x1;
	s10 =	sld [smem:$0x3FB4];
	_ =	sdelay $0x3  }
0x37: {  	[smem:$0x3FB4] =	sst s10  }
0x38: {  	s10 =	sld [smem:$0x3FB5]  }
0x39: {  	_ = 	snop;
	(pc) =	sbr.ind lr, $3  }
0x3a: {  	_ = 	snop  }
0x3b: {  	_ = 	snop  }
0x3c: {  	p2 =	seq.s32 s10, $0x1;
	s10 =	sld [smem:$0x3FB4]  }
0x3d: {  	_ =	shalt  }
0x3e: {  	_ =	shalt  }
0x3f: {  	_ =	shalt  }
0x40: {  	_ =	shalt  }
0x41: {  	_ =	shalt  }
0x42: {  	_ =	shalt  }
0x43: {  	_ =	shalt  }
0x44: {  	_ =	shalt  }
0x45: {  	_ =	shalt  }
0x46: {  	_ =	shalt  }
0x47: {  	_ =	shalt  }
0x48: {  	_ =	shalt  }
0x49: {  	_ =	shalt  }
0x4a: {  	_ =	shalt  }
0x4b: {  	_ =	shalt  }
0x4c: {  	_ =	shalt  }
0x4d: {  	_ =	shalt  }
0x4e: {  	_ =	shalt  }
0x4f: {  	_ =	shalt  }
0x50: {  	_ =	shalt  }
0x51: {  	_ =	shalt  }
0x52: {  	_ =	shalt  }
0x53: {  	_ =	shalt  }
0x54: {  	_ =	shalt  }
0x55: {  	_ =	shalt  }
0x56: {  	_ =	shalt  }
0x57: {  	_ =	shalt  }
0x58: {  	_ =	shalt  }
0x59: {  	_ =	shalt  }
0x5a: {  	_ =	shalt  }
0x5b: {  	_ =	shalt  }
0x5c: {  	_ =	shalt  }
0x5d: {  	_ =	shalt  }
0x5e: {  	_ =	shalt  }
0x5f: {  	_ =	shalt  }
0x60: {  	_ =	shalt  }
0x61: {  	_ =	shalt  }
0x62: {  	_ =	shalt  }
0x63: {  	_ =	shalt  }
0x64: {  	_ =	shalt  }
0x65: {  	_ =	shalt  }
0x66: {  	_ =	shalt  }
0x67: {  	_ =	shalt  }
0x68: {  	_ =	shalt  }
0x69: {  	_ =	shalt  }
0x6a: {  	_ =	shalt  }
0x6b: {  	_ =	shalt  }
0x6c: {  	_ =	shalt  }
0x6d: {  	_ =	shalt  }
0x6e: {  	_ =	shalt  }
0x6f: {  	_ =	shalt  }
0x70: {  	_ =	shalt  }
0x71: {  	_ =	shalt  }
0x72: {  	_ =	shalt  }
0x73: {  	_ =	shalt  }
0x74: {  	_ =	shalt  }
0x75: {  	_ =	shalt  }
0x76: {  	_ =	shalt  }
0x77: {  	_ =	shalt  }
0x78: {  	_ =	shalt  }
0x79: {  	_ =	shalt  }
0x7a: {  	_ =	shalt  }
0x7b: {  	_ =	shalt  }
0x7c: {  	_ =	shalt  }
0x7d: {  	_ =	shalt  }
0x7e: {  	_ =	shalt  }
0x7f: {  	_ =	shalt  }
0x80: {  	_ =	shalt  }
0x81: {  	_ =	shalt  }
0x82: {  	_ =	shalt  }
0x83: {  	_ =	shalt  }
0x84: {  	_ =	shalt  }
0x85: {  	_ =	shalt  }
0x86: {  	_ =	shalt  }
0x87: {  	_ =	shalt  }
.Lfunc_end0:
.L_simem_size_0:
called_computation_lowered:
.L_overlay_start_0:
0x88: {  	s2 =	sld [smem:$0x3FD9]  }
0x89: {  	s3 =	sld [smem:$0x3FFE];
	_ =	sdelay $0x1  }
0x8a: {  	s1 =	srdreg.scid  }
0x8b: {  	s0 =	sand.u32 $0x1, s1  }
0x8c: {  	s17 =	sshll.u32 s0, $0xA;
	s2 =	sadd.s32 s3, s2  }
0x8d: {  	s2 =	sadd.s32 s2, s17  }
0x8e: {  	[smem:$0x3FC0] =	sst s2  }
0x8f: {  	_ = 	snop  }
0x90: {  	s2 =	sld [smem:$0x3FD0];
	(tm) =	ssettm $0x1  }
0x91: {  	s18 =	sld [smem:$0x3FFB];
	_ =	sdelay $0x3  }
0x92: {  	_ =	strace s18  }
0x93: {  	s3 =	sld [smem:$0x3FFC];
	_ =	sdelay $0x3  }
0x94: {  	_ =	strace s3  }
0x95: {  	s3 =	sld [smem:$0x3FFD];
	_ =	sdelay $0x3  }
0x96: {  	_ =	strace s3  }
0x97: {  	_ =	strace $0x8FFFFFFF  }
0x98: {  	s19 =	sld [smem:$0x3FDB];
	_ =	sdelay $0x1  }
0x99: {  	s4 =	simm.s32 $_scs_section_size  }
0x9a: {  	s5 =	simm.s32 $_size__tile_overlayer_lowered;
	s6 =	simm.s32 $_tile_overlayer_lowered  }
0x9b: {  	s22 =	simm.s32 $0x1BFF;
	s21 =	sshll.u32 s6, $0x1;
	s3 =	sadd.s32 s4, s19  }
0x9c: {  	s7 =	simm.s32 $0x0;
	s20 =	sshll.u32 s5, $0x1;
	s5 =	sadd.s32 s21, s3  }
0x9d: {  	[timem:s7], [sflag:s22] =	dma.local [hbm:s5], s20  }
0x9e: {  	_ =	swait.ge [sflag:s22], s20  }
0x9f: {  	s4 =	ssub.s32 $0x0, s20;
	[sflag:s22] =	ssyncset.done $0x0  }
0xa0: {  	[sflag:s22] =	ssyncadd.s32 s4;
	_ =	sdelay $0x1  }
0xa1: {  	s23 =	simm.s32 $0x1B8B  }
0xa2: {  	_ =	swait.ge [sflag:s23], $0x1  }
0xa3: {  	[sflag:s23] =	ssyncset.done $0x0  }
0xa4: {  	s25 =	simm.s32 $0x1B8E;
	s24 =	sld [smem:$0x3FFE];
	[sflag:s23] =	ssyncadd.s32 $0xFFFFFFFF  }
0xa5: {  	s26 =	simm.s32 $execute0_lowered;
	[smem:$0x3FD2] =	sst s25  }
0xa6: {  	s5 =	sshll.u32 s26, $0x1;
	_ =	strace $0x80000046;
	[dreg:$0x1] =	wrdreg $0xFFFFFFFF  }
0xa7: {  	s28 =	simm.s32 $_size_execute0_lowered;
	s3 =	sadd.s32 s3, s5;
	[dreg:$0x0] =	wrdreg $0x0  }
0xa8: {  	s5 =	sshll.u32 s28, $0x1;
	[dreg:$0x2] =	wrdreg s3  }
0xa9: {  	[dreg:$0x3] =	wrdreg s5  }
0xaa: {  	[dreg:$0x4] =	wrdreg $0xC0  }
0xab: {  	_ =	task [dreg:s7], $0x5FFFF  }
0xac: {  	[dreg:$0x1] =	wrdreg $0xFFFFFFFF  }
0xad: {  	[dreg:$0x0] =	wrdreg $0x60  }
0xae: {  	[dreg:$0x2] =	wrdreg s2  }
0xaf: {  	[dreg:$0x3] =	wrdreg s24  }
0xb0: {  	[dreg:$0x4] =	wrdreg $0x68000  }
0xb1: {  	[dreg:$0x5] =	wrdreg $0x9  }
0xb2: {  	_ =	task.clear_ibuf [dreg:s7], $0x6FFFF;
	_ =	strace $0x90000046  }
0xb3: {  	s29 =	simm.s32 $0x9;
	_ =	strace $0x80000048  }
0xb4: {  	_ =	swait.ge [sflag:s29], $0x1  }
0xb5: {  	[sflag:s29] =	ssyncadd.s32 $0xFFFFFFFF  }
0xb6: {  	_ =	strace $0x90000048  }
0xb7: {  	_ =	sfence  }
0xb8: {  	s30 =	sld [smem:$0x0];
	_ =	sdelay $0x2  }
0xb9: {  	s31 =	sshll.u32 s1, $0xD;
	s1 =	sshrl.u32 s1, $0x2  }
0xba: {  	s3 =	sand.u32 $0x4000, s31;
	s1 =	sadd.s32 s1, s30  }
0xbb: {  	s0 =	sor.u32 s3, s0;
	s1 =	sshll.u32 s1, $0x11  }
0xbc: {  	s0 =	sor.u32 s1, s0  }
0xbd: {  	s0 =	sadd.s32 $0x8F2B, s0  }
0xbe: {  	[sflag:s0] =	ssyncadd.remote.s32 $0x1  }
0xbf: {  	_ =	sfence.sel $0xFFFF  }
0xc0: {  	[dreg:$0x0] =	wrdreg $0xFFFFFFFF;
	(pc) =	sbr.abs _section_cstart, $3  }
0xc1: {  	[dreg:$0x1] =	wrdreg $0xFFFFFFFF  }
0xc2: {  	_ =	task.clear_ibuf [dreg:s7], $0x2FFFF;
	_ =	strace $0x9FFFFFFF  }
0xc3: {  	(tm) =	ssettm $0x7FFFFFFF  }
tec
execute0_lowered:
.L_overlay_start_1:
0x0: {  	(tag) =	ssettag $0x1  }
0x1: {  	s5 =	rddreg [dreg:$0x0]  }
0x2: {  	s6 =	rddreg [dreg:$0x1]  }
0x3: {  	s2 =	rddreg [dreg:$0x2]  }
0x4: {  	s0 =	rddreg [dreg:$0x3]  }
0x5: {  	s1 =	stileid.u32;
	s4 =	srdreg.scid  }
0x6: {  	s3 =	simm.s32 $0x0;
	s13 =	simm.s32 $0x7D;
	s14 =	simm.s32 $0x1  }
0x7: {  	s15 =	simm.s32 $0x0;
	s7 =	smul.u32 $0x14000, s1;
	s8 =	sand.u32 $0x1, s4  }
0x8: {  	[smem:$0x7FF] =	sst s3;
	s4 =	sadd.s32 $0x2A200, s6;
	s28 =	smul.u32 $0x50000, s1  }
0x9: {  	s31 =	sshll.u32 s1, $0x6;
	s9 =	smul.u32 $0x140000, s8;
	s10 =	sshll.u32 s8, $0x4  }
0xa: {  	_ =	strace $0x80000047;
	s8 =	ssub.s32 $0x2, s8;
	s10 =	sor.u32 s1, s10  }
0xb: {  	s11 =	sshrl.u32 s7, $0x3;
	s29 =	sshrl.u32 s8, $0x1;
	s30 =	sshrl.u32 s28, $0x2  }
0xc: {  	s7 =	sadd.s32 s7, s9;
	s26 =	smul.u32 $0x500, s10;
	s11 =	sadd.s32 s11, s6  }
0xd: {  	s8 =	ssub.s32 s8, s29;
	s12 =	sadd.s32 s30, s2;
	s9 =	simm.s32 $0x2  }
0xe: {  	s10 =	simm.s32 $0x2800;
	s7 =	sshrl.u32 s7, $0x3;
	s8 =	smax.u32 s8, $0x1  }
0xf: {  	s12 =	sshrl.u32 s12, $0x3;
	s7 =	sadd.s32 s7, s6;
	s5 =	sadd.s32 s5, s26  }
0x10: {  	s6 =	sadd.s32 $0x2200, s11;
	s11 =	sor.u32 $0x1C02, s31;
	s7 =	sadd.s32 $0x2AA00, s7  }
.LBB2_1:
0x11: {  	[tilespmem:s3], [sflag:$0x2] =	stream.linear.gather [hbm4b:s5+s3], $0x2800, $0x38;
	[tilespmem:$0x1A800] =	vst v63  }
0x12: {  	_ =	swait.ge [sflag:s9], $0x2800  }
0x13: {  	[sflag:s9] =	ssyncset.done $0x0  }
0x14: {  	[sflag:s9] =	ssyncadd.s32 $0xFFFFD800  }
0x15: {  	[tilespmem:s10], [sflag:$0x2] =	stream.linear.gather [hbm4b:s4+s3], $0x3E80, $0x38;
	[tilespmem:$0x1A800] =	vst v63  }
0x16: {  	_ =	swait.ge [sflag:s9], $0x3E80  }
0x17: {  	[sflag:s9] =	ssyncset.done $0x0  }
0x18: {  	[sflag:s9] =	ssyncadd.s32 $0xFFFFC180  }
0x19: {  	[spmem:s12], [sflag:s11] =	dma.local [hbm:s6], $0x2800  }
0x1a: {  	_ =	swait.ge [sflag:s9], $0x2800  }
0x1b: {  	[sflag:s9] =	ssyncset.done $0x0  }
0x1c: {  	[sflag:s9] =	ssyncadd.s32 $0xFFFFD800  }
0x1d: {  	s16 =	simm.s32 $0x0;
	[bflag:$0x0] =	sbarrier.arrive $0xFFFF  }
.LBB2_2:
0x1e: {  	p0 =	sne.s32 s16, $0x9E00  }
.Ltmp0:
0x1f: {  	_ = 	snop;
	(pc) =	sbr.rel @p0 .LBB2_2-.Ltmp0, $3  }
0x20: {  	_ =	sdelay $0x1  }
0x21: {  	s17 =	sshra.s32 s16, $0x2;
	s16 =	sadd.s32 $0x200, s16  }
0x22: {  	[spmem:s2] =	stream.indirect.scatter.add.f32 [tilespmem:s10], [sflag:$0x1], $0x80, s17, s13, $0xb8;
	[tilespmem:$0x1A800] =	vst v63  }
0x23: {  	_ =	swait.ge [sflag:s14], $0x3E80  }
0x24: {  	s16 =	simm.s32 $0x4F;
	[sflag:s14] =	ssyncset.done $0x0  }
.LBB2_4:
0x25: {  	p0 =	sne.s32 s16, $0x1;
	s16 =	sadd.s32 $0xFFFFFFFF, s16;
	[sflag:s14] =	ssyncadd.s32 $0xFFFFC180  }
.Ltmp1:
0x26: {  	(pc) =	sbr.rel @p0 .LBB2_4-.Ltmp1, $3  }
0x27: {  	_ =	sdelay $0x1  }
0x28: {  	_ =	swait.ge [sflag:s14], $0x3E80  }
0x29: {  	[sflag:s14] =	ssyncset.done $0x0  }
0x2a: {  	s15 =	sadd.s32 $0x1, s15  }
0x2b: {  	[sflag:s14] =	ssyncadd.s32 $0xFFFFC180;
	p0 =	sne.s32 s15, s8  }
.Ltmp2:
0x2c: {  	[bflag:$0x0] =	sbarrier.arrive $0xFFFF;
	(pc) =	sbr.rel @p0 .LBB2_1-.Ltmp2, $4  }
0x2d: {  	[hbm:s7], [sflag:s11] =	dma.local [spmem:s12], $0x2800  }
0x2e: {  	_ =	swait.ge [sflag:s9], $0x2800  }
0x2f: {  	[sflag:s9] =	ssyncset.done $0x0  }
0x30: {  	[sflag:s9] =	ssyncadd.s32 $0xFFFFD800  }
0x31: {  	_ =	sfence.sel $0x180000  }
0x32: {  	[bflag:$0x0] =	sbarrier.arrive $0xFFFF  }
0x33: {  	p0 =	sne.s32 s1, $0x0;
	_ =	strace $0x90000047  }
0x34: {  	s0 =	sadd.s32 @!p0 $0x100000, s0;
	[bflag:$0x2] =	sbarrier.arrive $0xFFFF  }
0x35: {  	[sflag:s0] =	ssyncadd.tile.s32 @!p0 $0x1;
	_ =	shalt  }
.Lfunc_end2:
_tile_overlayer_lowered:
.L_overlay_start_2:
0x36: {  	(tag) =	ssettag $0x2  }
0x37: {  	s0 =	rddreg [dreg:$0x0];
	s2 =	stileid.u32  }
0x38: {  	s1 =	rddreg [dreg:$0x1];
	p0 =	sne.s32 s2, $0x0  }
0x39: {  	s3 =	rddreg [dreg:$0x2];
	[bflag:$0x3] =	sbarrier.arrive $0xFFFF;
	s2 =	simm.s32 @!p0 $0x1C02  }
0x3a: {  	[timem:s3], [sflag:s2] =	dma.local @!p0 [hbm:s0], s1  }
0x3b: {  	s0 =	simm.s32 @!p0 $0x2  }
0x3c: {  	_ =	swait.ge @!p0 [sflag:s0], s1  }
0x3d: {  	s1 =	ssub.s32 @!p0 $0x0, s1;
	[sflag:s0] =	ssyncset.done @!p0 $0x0  }
0x3e: {  	[sflag:s0] =	ssyncadd.s32 @!p0 s1  }
0x3f: {  	[bflag:$0x3] =	sbarrier.arrive $0xFFFF  }
0x40: {  	_ =	shalt  }

</sc_bundles>
